<compile_context>
chip_gen: v7x
topology: tpu7x:2x2x1
jax: 0.10.2.dev20260603
libtpu: 0.0.44.dev20260713+nightly
codegen_flags: <defaults>
</compile_context>

<pallas_src>
import functools

import jax
import jax.numpy as jnp
from jax import lax
from jax.experimental import pallas as pl
from jax.experimental.pallas import tpu as pltpu
from jax.experimental.pallas import tpu_sc as plsc

D = 64
B = 1024
S = 200
N = B * S
EPS = 1e-5

NC = 2
NS = 16
NW = NC * NS
PER_W = N // NW
CH = 128
NCH = PER_W // CH


def _sc_fused(tableP, idx_flat):
    mesh = plsc.VectorSubcoreMesh(core_axis_name="c", subcore_axis_name="s")

    @functools.partial(
        pl.kernel,
        out_type=jax.ShapeDtypeStruct((N // 2, 128), jnp.float32),
        mesh=mesh,
        compiler_params=pltpu.CompilerParams(needs_layout_passes=False),
        scratch_types=[
            pltpu.VMEM((PER_W,), jnp.int32),
            pltpu.VMEM((4, CH), jnp.int32),
            pltpu.VMEM((4, CH), jnp.int32),
            pltpu.VMEM((4, CH, 128), jnp.float32),
            pltpu.VMEM((2, CH // 2, 128), jnp.float32),
            pltpu.SemaphoreType.DMA,
            pltpu.SemaphoreType.DMA,
            pltpu.SemaphoreType.DMA,
            pltpu.SemaphoreType.DMA,
            pltpu.SemaphoreType.DMA,
        ],
    )
    def k(tab_hbm, idx_hbm, out_hbm,
          idx_v, pidx_v, pb_v, prow_v, ost_v,
          gsem0, gsem1, gsem2, gsem3, osem):
        gsems = (gsem0, gsem1, gsem2, gsem3)
        iota = lax.iota(jnp.int32, 16)
        wid = lax.axis_index("s") * NC + lax.axis_index("c")
        base0 = pl.multiple_of(wid * PER_W, PER_W)
        pltpu.sync_copy(idx_hbm.at[pl.ds(base0, PER_W)], idx_v)

        def calc_pidx(c, slot):
            for kk in range(CH // 16):
                v = idx_v[pl.ds(c * CH + kk * 16, 16)]
                hi = lax.shift_left(
                    lax.shift_right_logical(v, LOG_VB), LOG_VB - 1)
                pidx_v[slot, pl.ds(kk * 16, 16)] = hi | (v & (HB - 1))
                pb_v[slot, pl.ds(kk * 16, 16)] = (
                    (lax.shift_right_logical(v, LOG_VB - 1) & 1) * 64)

        def gather_desc(slot, sem):
            return pltpu.make_async_copy(
                tab_hbm.at[pidx_v.at[slot]], prow_v.at[slot], sem)

        def gather_go(c):
            slot = lax.rem(c, 4)
            calc_pidx(c, slot)
            for j, sem in enumerate(gsems):
                @pl.when(slot == j)
                def _():
                    gather_desc(j, sem).start()

        def gather_wait(c):
            for j, sem in enumerate(gsems):
                @pl.when(lax.rem(c, 4) == j)
                def _():
                    gather_desc(j, sem).wait()

        def out_desc(c, slot):
            off = pl.multiple_of((base0 + c * CH) // 2, CH // 2)
            return pltpu.make_async_copy(
                ost_v.at[slot], out_hbm.at[pl.ds(off, CH // 2)], osem)

        for cc in range(3):
            gather_go(cc)

        def chunk_body(c, carry):
            slot = lax.rem(c, 4)
            oslot = lax.rem(c, 2)

            @pl.when(c + 3 < NCH)
            def _():
                gather_go(c + 3)

            gather_wait(c)

            @pl.when(c >= 2)
            def _():
                out_desc(c - 2, oslot).wait()

            def tok_body(t, _):
                tsp = lax.broadcast_in_dim(t, (16,), ())
                pb = plsc.load_gather(pb_v, (jnp.full((16,), slot), tsp))
                orow = lax.div(t, 2)
                ocol = lax.rem(t, 2) * 64
                for kk in range(4):
                    col = pb + (iota + 16 * kk)
                    r = plsc.load_gather(prow_v, (jnp.full((16,), slot), tsp, col))
                    ost_v[oslot, orow, pl.ds(ocol + 16 * kk, 16)] = r
                return ()

            lax.fori_loop(0, CH, tok_body, (), unroll=8)
            out_desc(c, oslot).start()
            return carry

        lax.fori_loop(0, NCH, chunk_body, ())
        out_desc(NCH - 2, lax.rem(NCH - 2, 2)).wait()
        out_desc(NCH - 1, lax.rem(NCH - 1, 2)).wait()

    return k(tableP, idx_flat)


LOG_VB = 14
VB = 1 << LOG_VB
HB = VB // 2
NB = -(-1000000 // VB)
PACKED_ROWS = NB * HB


def _tc_pack_body(tt_ref, o_ref):
    t = tt_ref[...]
    o_ref[...] = jnp.concatenate(
        [t[:, :HB].T, t[:, HB:].T], axis=1)


def _tc_pack(tableT):
    return pl.pallas_call(
        _tc_pack_body,
        grid=(NB,),
        in_specs=[pl.BlockSpec((64, VB), lambda i: (0, i))],
        out_specs=pl.BlockSpec((HB, 128), lambda i: (i, 0)),
        out_shape=jax.ShapeDtypeStruct((PACKED_ROWS, 128), jnp.float32),
    )(tableT)


BBLN = 64


def _tc_ln_body(rows_ref, pos_ref, g_ref, b_ref, o_ref):
    e = rows_ref[...].reshape(BBLN, 100, 128) + pos_ref[...][None]
    g = g_ref[...][None]
    b = b_ref[...][None]

    def ln(h):
        m = jnp.mean(h, axis=-1, keepdims=True)
        cv = h - m
        v = jnp.mean(cv * cv, axis=-1, keepdims=True)
        return (cv * lax.rsqrt(v + EPS)) * g + b

    o = jnp.concatenate([ln(e[..., :64]), ln(e[..., 64:])], axis=-1)
    o_ref[...] = o.reshape(BBLN * 100, 128)


def _tc_ln(rows_packed, posP, gamma, beta):
    return pl.pallas_call(
        _tc_ln_body,
        grid=(B // BBLN,),
        in_specs=[
            pl.BlockSpec((BBLN * 100, 128), lambda i: (i, 0)),
            pl.BlockSpec((100, 128), lambda i: (0, 0)),
            pl.BlockSpec((1, D), lambda i: (0, 0)),
            pl.BlockSpec((1, D), lambda i: (0, 0)),
        ],
        out_specs=pl.BlockSpec((BBLN * 100, 128), lambda i: (i, 0)),
        out_shape=jax.ShapeDtypeStruct((N // 2, 128), jnp.float32),
    )(rows_packed, posP, gamma, beta)


def kernel(x, input_embedding_weight, position_embedding_weight, ln_gamma, ln_beta):
    idx_flat = x.astype(jnp.int32).reshape(N)
    tableP = _tc_pack(input_embedding_weight.T)
    rows_packed = _sc_fused(tableP, idx_flat)
    out2 = _tc_ln(rows_packed, position_embedding_weight.reshape(100, 128),
                  ln_gamma.reshape(1, D), ln_beta.reshape(1, D))
    return out2.reshape(B, S, D)

# --- scband reference (transcript-rebuilt; emitter-appended) ---
"""Pipeline reference for scband-embedding-45380624449689 (READ-ONLY COPY).

The authoritative reference and input builder live on the scoring server;
editing this copy changes nothing except your own understanding.
"""

import jax, jax.numpy as jnp
import numpy as np

VOCAB = 1000000
EMBED_DIM = 64
MAX_SEQ_LEN = 200
BATCH = 1024
SEQ_LEN = 200
EPS = 1e-5


def setup_inputs(seed: int = 0) -> dict:
    key = jax.random.key(seed)
    k1, k2, k3 = jax.random.split(key, 3)
    x = jax.random.randint(k1, (BATCH, SEQ_LEN), 0, VOCAB, dtype=jnp.int64 if jax.config.jax_enable_x64 else jnp.int32)
    input_embedding_weight = jax.random.normal(k2, (VOCAB, EMBED_DIM), dtype=jnp.float32) * 0.02
    position_embedding_weight = jax.random.normal(k3, (MAX_SEQ_LEN, EMBED_DIM), dtype=jnp.float32) * 0.02
    ln_gamma = jnp.ones((EMBED_DIM,), dtype=jnp.float32)
    ln_beta = jnp.zeros((EMBED_DIM,), dtype=jnp.float32)
    return {
        "x": x,
        "input_embedding_weight": input_embedding_weight,
        "position_embedding_weight": position_embedding_weight,
        "ln_gamma": ln_gamma,
        "ln_beta": ln_beta,
    }


def reference(x, input_embedding_weight, position_embedding_weight, ln_gamma, ln_beta):
    batch_size, seq_len = x.shape
    # token embedding lookup (gather)
    inp_emb = jnp.take(input_embedding_weight, x, axis=0)  # [B, S, D]
    # position embedding lookup
    pos = jnp.arange(seq_len)[None, :]  # [1, S]
    pos_emb = jnp.take(position_embedding_weight, pos, axis=0)  # [1, S, D]
    embeddings = inp_emb + pos_emb
    # LayerNorm over last dim
    mean = jnp.mean(embeddings, axis=-1, keepdims=True)
    var = jnp.mean(jnp.square(embeddings - mean), axis=-1, keepdims=True)
    normed = (embeddings - mean) / jnp.sqrt(var + EPS)
    out = normed * ln_gamma + ln_beta
    # dropout is identity in eval mode
    return out

if __name__ == "__main__":
    import jax
    _d = setup_inputs()
    print(jax.jit(kernel)(*tuple(_d.values())))

</pallas_src>

<mosaic_0001>
#map = affine_map<(d0, d1) -> (0, 0)>
#map1 = affine_map<(d0, d1) -> (0)>
module attributes {stable_mosaic.version = 14 : i64} {
  func.func @k(%arg0: i32, %arg1: i32, %arg2: memref<507904x128xf32, #tpu.memory_space<hbm>>, %arg3: memref<204800xi32, #tpu.memory_space<hbm>>, %arg4: memref<102400x128xf32, #tpu.memory_space<hbm>>, %arg5: memref<6400xi32, #tpu.memory_space<vmem>>, %arg6: memref<4x128xi32, #tpu.memory_space<vmem>>, %arg7: memref<4x128xi32, #tpu.memory_space<vmem>>, %arg8: memref<4x128x128xf32, #tpu.memory_space<vmem>>, %arg9: memref<2x64x128xf32, #tpu.memory_space<vmem>>, %arg10: memref<!tpu.dma_semaphore, #tpu.memory_space<semaphore_mem>>, %arg11: memref<!tpu.dma_semaphore, #tpu.memory_space<semaphore_mem>>, %arg12: memref<!tpu.dma_semaphore, #tpu.memory_space<semaphore_mem>>, %arg13: memref<!tpu.dma_semaphore, #tpu.memory_space<semaphore_mem>>, %arg14: memref<!tpu.dma_semaphore, #tpu.memory_space<semaphore_mem>>) attributes {dimension_semantics = [#tpu.dimension_semantics<core_parallel>, #tpu.dimension_semantics<subcore_parallel>], iteration_bounds = array<i64: 2, 16>, scalar_prefetch = 0 : i64, scratch_operands = 10 : i64, tpu.core_type = #tpu.core_type<sc_vector_subcore>, window_params = [{transform_indices = #map}, {transform_indices = #map1}, {transform_indices = #map}]} {
    %iota3A = tpu.iota {dimensions = array<i32: 0>} : vector<16xi32>
    %mul3A = arith.constant 2 : i32
    %mul3A_0 = arith.muli %arg1, %mul3A : i32
    %add3A = arith.addi %mul3A_0, %arg0 : i32
    %mul3A_1 = arith.constant 6400 : i32
    %mul3A_2 = arith.muli %add3A, %mul3A_1 : i32
    %multiple_of3A = tpu.assume_multiple %mul3A_2, 6400 : i32
    "tpu.region"() ({
      %run_scoped3A = tpu.sem_alloc : memref<!tpu.dma_semaphore, #tpu.memory_space<semaphore_mem>>
      %dma_start3A = tpu.memref_slice %arg3[%multiple_of3A] : memref<204800xi32, #tpu.memory_space<hbm>> -> memref<6400xi32, #tpu.memory_space<hbm>>
      %dma_start3A_791 = tpu.memref_slice %arg3[%multiple_of3A] : memref<204800xi32, #tpu.memory_space<hbm>> -> memref<6400xi32, #tpu.memory_space<hbm>>
      tpu.enqueue_dma source(%dma_start3A_791 : memref<6400xi32, #tpu.memory_space<hbm>>) target(%arg5 : memref<6400xi32, #tpu.memory_space<vmem>>) target_semaphore(%run_scoped3A : memref<!tpu.dma_semaphore, #tpu.memory_space<semaphore_mem>>)
      %dma_wait3A_792 = tpu.memref_slice %arg3[%multiple_of3A] : memref<204800xi32, #tpu.memory_space<hbm>> -> memref<6400xi32, #tpu.memory_space<hbm>>
      %dma_wait3A_793 = tpu.memref_slice %arg3[%multiple_of3A] : memref<204800xi32, #tpu.memory_space<hbm>> -> memref<6400xi32, #tpu.memory_space<hbm>>
      tpu.wait_dma2 semaphore(%run_scoped3A : memref<!tpu.dma_semaphore, #tpu.memory_space<semaphore_mem>>) src(%dma_wait3A_793 : memref<6400xi32, #tpu.memory_space<hbm>>) dst(%arg5 : memref<6400xi32, #tpu.memory_space<vmem>>)
      tpu.yield
    }) : () -> ()
    %rem3A = arith.constant 0 : i32
    %rem3A_3 = arith.constant 4 : i32
    %rem3A_4 = arith.remsi %rem3A, %rem3A_3 : i32
    %get3A = arith.constant 0 : index
    %get3A_5 = tpu.vector_load %arg5[%get3A] {strides = array<i32>} : memref<6400xi32, #tpu.memory_space<vmem>>, vector<16xi32>,
    %shift_right_logical3A = arith.constant 14 : i32
    %shift_right_logical3A_6 = vector.broadcast %shift_right_logical3A : i32 to vector<16xi32>
    %shift_right_logical3A_7 = arith.shrui %get3A_5, %shift_right_logical3A_6 : vector<16xi32>
    %shift_left3A = arith.constant 13 : i32
    %shift_left3A_8 = vector.broadcast %shift_left3A : i32 to vector<16xi32>
    %shift_left3A_9 = arith.shli %shift_right_logical3A_7, %shift_left3A_8 : vector<16xi32>
    %and3A = arith.constant 8191 : i32
    %and3A_10 = vector.broadcast %and3A : i32 to vector<16xi32>
    %and3A_11 = arith.andi %get3A_5, %and3A_10 : vector<16xi32>
    %or3A = arith.ori %shift_left3A_9, %and3A_11 : vector<16xi32>
    %swap3A = arith.index_cast %rem3A_4 : i32 to index
    %swap3A_12 = arith.constant 0 : index
    %swap3A_13 = tpu.vector_load %arg6[%swap3A, %swap3A_12] {strides = array<i32>} : memref<4x128xi32, #tpu.memory_space<vmem>>, vector<16xi32>,
    tpu.vector_store %arg6[%swap3A, %swap3A_12], %or3A {strides = array<i32>} : memref<4x128xi32, #tpu.memory_space<vmem>>, vector<16xi32>,
    %shift_right_logical3A_14 = arith.constant 13 : i32
    %shift_right_logical3A_15 = vector.broadcast %shift_right_logical3A_14 : i32 to vector<16xi32>
    %shift_right_logical3A_16 = arith.shrui %get3A_5, %shift_right_logical3A_15 : vector<16xi32>
    %and3A_17 = arith.constant 1 : i32
    %and3A_18 = vector.broadcast %and3A_17 : i32 to vector<16xi32>
    %and3A_19 = arith.andi %shift_right_logical3A_16, %and3A_18 : vector<16xi32>
    %mul3A_20 = arith.constant 64 : i32
    %mul3A_21 = vector.broadcast %mul3A_20 : i32 to vector<16xi32>
    %mul3A_22 = arith.muli %and3A_19, %mul3A_21 : vector<16xi32>
    %swap3A_23 = arith.index_cast %rem3A_4 : i32 to index
    %swap3A_24 = arith.constant 0 : index
    %swap3A_25 = tpu.vector_load %arg7[%swap3A_23, %swap3A_24] {strides = array<i32>} : memref<4x128xi32, #tpu.memory_space<vmem>>, vector<16xi32>,
    tpu.vector_store %arg7[%swap3A_23, %swap3A_24], %mul3A_22 {strides = array<i32>} : memref<4x128xi32, #tpu.memory_space<vmem>>, vector<16xi32>,
    %get3A_26 = arith.constant 16 : index
    %get3A_27 = tpu.vector_load %arg5[%get3A_26] {strides = array<i32>} : memref<6400xi32, #tpu.memory_space<vmem>>, vector<16xi32>,
    %shift_right_logical3A_28 = arith.constant 14 : i32
    %shift_right_logical3A_29 = vector.broadcast %shift_right_logical3A_28 : i32 to vector<16xi32>
    %shift_right_logical3A_30 = arith.shrui %get3A_27, %shift_right_logical3A_29 : vector<16xi32>
    %shift_left3A_31 = arith.constant 13 : i32
    %shift_left3A_32 = vector.broadcast %shift_left3A_31 : i32 to vector<16xi32>
    %shift_left3A_33 = arith.shli %shift_right_logical3A_30, %shift_left3A_32 : vector<16xi32>
    %and3A_34 = arith.constant 8191 : i32
    %and3A_35 = vector.broadcast %and3A_34 : i32 to vector<16xi32>
    %and3A_36 = arith.andi %get3A_27, %and3A_35 : vector<16xi32>
    %or3A_37 = arith.ori %shift_left3A_33, %and3A_36 : vector<16xi32>
    %swap3A_38 = arith.index_cast %rem3A_4 : i32 to index
    %swap3A_39 = arith.constant 16 : index
    %swap3A_40 = tpu.vector_load %arg6[%swap3A_38, %swap3A_39] {strides = array<i32>} : memref<4x128xi32, #tpu.memory_space<vmem>>, vector<16xi32>,
    tpu.vector_store %arg6[%swap3A_38, %swap3A_39], %or3A_37 {strides = array<i32>} : memref<4x128xi32, #tpu.memory_space<vmem>>, vector<16xi32>,
    %shift_right_logical3A_41 = arith.constant 13 : i32
    %shift_right_logical3A_42 = vector.broadcast %shift_right_logical3A_41 : i32 to vector<16xi32>
    %shift_right_logical3A_43 = arith.shrui %get3A_27, %shift_right_logical3A_42 : vector<16xi32>
    %and3A_44 = arith.constant 1 : i32
    %and3A_45 = vector.broadcast %and3A_44 : i32 to vector<16xi32>
    %and3A_46 = arith.andi %shift_right_logical3A_43, %and3A_45 : vector<16xi32>
    %mul3A_47 = arith.constant 64 : i32
    %mul3A_48 = vector.broadcast %mul3A_47 : i32 to vector<16xi32>
    %mul3A_49 = arith.muli %and3A_46, %mul3A_48 : vector<16xi32>
    %swap3A_50 = arith.index_cast %rem3A_4 : i32 to index
    %swap3A_51 = arith.constant 16 : index
    %swap3A_52 = tpu.vector_load %arg7[%swap3A_50, %swap3A_51] {strides = array<i32>} : memref<4x128xi32, #tpu.memory_space<vmem>>, vector<16xi32>,
    tpu.vector_store %arg7[%swap3A_50, %swap3A_51], %mul3A_49 {strides = array<i32>} : memref<4x128xi32, #tpu.memory_space<vmem>>, vector<16xi32>,
    %get3A_53 = arith.constant 32 : index
    %get3A_54 = tpu.vector_load %arg5[%get3A_53] {strides = array<i32>} : memref<6400xi32, #tpu.memory_space<vmem>>, vector<16xi32>,
    %shift_right_logical3A_55 = arith.constant 14 : i32
    %shift_right_logical3A_56 = vector.broadcast %shift_right_logical3A_55 : i32 to vector<16xi32>
    %shift_right_logical3A_57 = arith.shrui %get3A_54, %shift_right_logical3A_56 : vector<16xi32>
    %shift_left3A_58 = arith.constant 13 : i32
    %shift_left3A_59 = vector.broadcast %shift_left3A_58 : i32 to vector<16xi32>
    %shift_left3A_60 = arith.shli %shift_right_logical3A_57, %shift_left3A_59 : vector<16xi32>
    %and3A_61 = arith.constant 8191 : i32
    %and3A_62 = vector.broadcast %and3A_61 : i32 to vector<16xi32>
    %and3A_63 = arith.andi %get3A_54, %and3A_62 : vector<16xi32>
    %or3A_64 = arith.ori %shift_left3A_60, %and3A_63 : vector<16xi32>
    %swap3A_65 = arith.index_cast %rem3A_4 : i32 to index
    %swap3A_66 = arith.constant 32 : index
    %swap3A_67 = tpu.vector_load %arg6[%swap3A_65, %swap3A_66] {strides = array<i32>} : memref<4x128xi32, #tpu.memory_space<vmem>>, vector<16xi32>,
    tpu.vector_store %arg6[%swap3A_65, %swap3A_66], %or3A_64 {strides = array<i32>} : memref<4x128xi32, #tpu.memory_space<vmem>>, vector<16xi32>,
    %shift_right_logical3A_68 = arith.constant 13 : i32
    %shift_right_logical3A_69 = vector.broadcast %shift_right_logical3A_68 : i32 to vector<16xi32>
    %shift_right_logical3A_70 = arith.shrui %get3A_54, %shift_right_logical3A_69 : vector<16xi32>
    %and3A_71 = arith.constant 1 : i32
    %and3A_72 = vector.broadcast %and3A_71 : i32 to vector<16xi32>
    %and3A_73 = arith.andi %shift_right_logical3A_70, %and3A_72 : vector<16xi32>
    %mul3A_74 = arith.constant 64 : i32
    %mul3A_75 = vector.broadcast %mul3A_74 : i32 to vector<16xi32>
    %mul3A_76 = arith.muli %and3A_73, %mul3A_75 : vector<16xi32>
    %swap3A_77 = arith.index_cast %rem3A_4 : i32 to index
    %swap3A_78 = arith.constant 32 : index
    %swap3A_79 = tpu.vector_load %arg7[%swap3A_77, %swap3A_78] {strides = array<i32>} : memref<4x128xi32, #tpu.memory_space<vmem>>, vector<16xi32>,
    tpu.vector_store %arg7[%swap3A_77, %swap3A_78], %mul3A_76 {strides = array<i32>} : memref<4x128xi32, #tpu.memory_space<vmem>>, vector<16xi32>,
    %get3A_80 = arith.constant 48 : index
    %get3A_81 = tpu.vector_load %arg5[%get3A_80] {strides = array<i32>} : memref<6400xi32, #tpu.memory_space<vmem>>, vector<16xi32>,
    %shift_right_logical3A_82 = arith.constant 14 : i32
    %shift_right_logical3A_83 = vector.broadcast %shift_right_logical3A_82 : i32 to vector<16xi32>
    %shift_right_logical3A_84 = arith.shrui %get3A_81, %shift_right_logical3A_83 : vector<16xi32>
    %shift_left3A_85 = arith.constant 13 : i32
    %shift_left3A_86 = vector.broadcast %shift_left3A_85 : i32 to vector<16xi32>
    %shift_left3A_87 = arith.shli %shift_right_logical3A_84, %shift_left3A_86 : vector<16xi32>
    %and3A_88 = arith.constant 8191 : i32
    %and3A_89 = vector.broadcast %and3A_88 : i32 to vector<16xi32>
    %and3A_90 = arith.andi %get3A_81, %and3A_89 : vector<16xi32>
    %or3A_91 = arith.ori %shift_left3A_87, %and3A_90 : vector<16xi32>
    %swap3A_92 = arith.index_cast %rem3A_4 : i32 to index
    %swap3A_93 = arith.constant 48 : index
    %swap3A_94 = tpu.vector_load %arg6[%swap3A_92, %swap3A_93] {strides = array<i32>} : memref<4x128xi32, #tpu.memory_space<vmem>>, vector<16xi32>,
    tpu.vector_store %arg6[%swap3A_92, %swap3A_93], %or3A_91 {strides = array<i32>} : memref<4x128xi32, #tpu.memory_space<vmem>>, vector<16xi32>,
    %shift_right_logical3A_95 = arith.constant 13 : i32
    %shift_right_logical3A_96 = vector.broadcast %shift_right_logical3A_95 : i32 to vector<16xi32>
    %shift_right_logical3A_97 = arith.shrui %get3A_81, %shift_right_logical3A_96 : vector<16xi32>
    %and3A_98 = arith.constant 1 : i32
    %and3A_99 = vector.broadcast %and3A_98 : i32 to vector<16xi32>
    %and3A_100 = arith.andi %shift_right_logical3A_97, %and3A_99 : vector<16xi32>
    %mul3A_101 = arith.constant 64 : i32
    %mul3A_102 = vector.broadcast %mul3A_101 : i32 to vector<16xi32>
    %mul3A_103 = arith.muli %and3A_100, %mul3A_102 : vector<16xi32>
    %swap3A_104 = arith.index_cast %rem3A_4 : i32 to index
    %swap3A_105 = arith.constant 48 : index
    %swap3A_106 = tpu.vector_load %arg7[%swap3A_104, %swap3A_105] {strides = array<i32>} : memref<4x128xi32, #tpu.memory_space<vmem>>, vector<16xi32>,
    tpu.vector_store %arg7[%swap3A_104, %swap3A_105], %mul3A_103 {strides = array<i32>} : memref<4x128xi32, #tpu.memory_space<vmem>>, vector<16xi32>,
    %get3A_107 = arith.constant 64 : index
    %get3A_108 = tpu.vector_load %arg5[%get3A_107] {strides = array<i32>} : memref<6400xi32, #tpu.memory_space<vmem>>, vector<16xi32>,
    %shift_right_logical3A_109 = arith.constant 14 : i32
    %shift_right_logical3A_110 = vector.broadcast %shift_right_logical3A_109 : i32 to vector<16xi32>
    %shift_right_logical3A_111 = arith.shrui %get3A_108, %shift_right_logical3A_110 : vector<16xi32>
    %shift_left3A_112 = arith.constant 13 : i32
    %shift_left3A_113 = vector.broadcast %shift_left3A_112 : i32 to vector<16xi32>
    %shift_left3A_114 = arith.shli %shift_right_logical3A_111, %shift_left3A_113 : vector<16xi32>
    %and3A_115 = arith.constant 8191 : i32
    %and3A_116 = vector.broadcast %and3A_115 : i32 to vector<16xi32>
    %and3A_117 = arith.andi %get3A_108, %and3A_116 : vector<16xi32>
    %or3A_118 = arith.ori %shift_left3A_114, %and3A_117 : vector<16xi32>
    %swap3A_119 = arith.index_cast %rem3A_4 : i32 to index
    %swap3A_120 = arith.constant 64 : index
    %swap3A_121 = tpu.vector_load %arg6[%swap3A_119, %swap3A_120] {strides = array<i32>} : memref<4x128xi32, #tpu.memory_space<vmem>>, vector<16xi32>,
    tpu.vector_store %arg6[%swap3A_119, %swap3A_120], %or3A_118 {strides = array<i32>} : memref<4x128xi32, #tpu.memory_space<vmem>>, vector<16xi32>,
    %shift_right_logical3A_122 = arith.constant 13 : i32
    %shift_right_logical3A_123 = vector.broadcast %shift_right_logical3A_122 : i32 to vector<16xi32>
    %shift_right_logical3A_124 = arith.shrui %get3A_108, %shift_right_logical3A_123 : vector<16xi32>
    %and3A_125 = arith.constant 1 : i32
    %and3A_126 = vector.broadcast %and3A_125 : i32 to vector<16xi32>
    %and3A_127 = arith.andi %shift_right_logical3A_124, %and3A_126 : vector<16xi32>
    %mul3A_128 = arith.constant 64 : i32
    %mul3A_129 = vector.broadcast %mul3A_128 : i32 to vector<16xi32>
    %mul3A_130 = arith.muli %and3A_127, %mul3A_129 : vector<16xi32>
    %swap3A_131 = arith.index_cast %rem3A_4 : i32 to index
    %swap3A_132 = arith.constant 64 : index
    %swap3A_133 = tpu.vector_load %arg7[%swap3A_131, %swap3A_132] {strides = array<i32>} : memref<4x128xi32, #tpu.memory_space<vmem>>, vector<16xi32>,
    tpu.vector_store %arg7[%swap3A_131, %swap3A_132], %mul3A_130 {strides = array<i32>} : memref<4x128xi32, #tpu.memory_space<vmem>>, vector<16xi32>,
    %get3A_134 = arith.constant 80 : index
    %get3A_135 = tpu.vector_load %arg5[%get3A_134] {strides = array<i32>} : memref<6400xi32, #tpu.memory_space<vmem>>, vector<16xi32>,
    %shift_right_logical3A_136 = arith.constant 14 : i32
    %shift_right_logical3A_137 = vector.broadcast %shift_right_logical3A_136 : i32 to vector<16xi32>
    %shift_right_logical3A_138 = arith.shrui %get3A_135, %shift_right_logical3A_137 : vector<16xi32>
    %shift_left3A_139 = arith.constant 13 : i32
    %shift_left3A_140 = vector.broadcast %shift_left3A_139 : i32 to vector<16xi32>
    %shift_left3A_141 = arith.shli %shift_right_logical3A_138, %shift_left3A_140 : vector<16xi32>
    %and3A_142 = arith.constant 8191 : i32
    %and3A_143 = vector.broadcast %and3A_142 : i32 to vector<16xi32>
    %and3A_144 = arith.andi %get3A_135, %and3A_143 : vector<16xi32>
    %or3A_145 = arith.ori %shift_left3A_141, %and3A_144 : vector<16xi32>
    %swap3A_146 = arith.index_cast %rem3A_4 : i32 to index
    %swap3A_147 = arith.constant 80 : index
    %swap3A_148 = tpu.vector_load %arg6[%swap3A_146, %swap3A_147] {strides = array<i32>} : memref<4x128xi32, #tpu.memory_space<vmem>>, vector<16xi32>,
    tpu.vector_store %arg6[%swap3A_146, %swap3A_147], %or3A_145 {strides = array<i32>} : memref<4x128xi32, #tpu.memory_space<vmem>>, vector<16xi32>,
    %shift_right_logical3A_149 = arith.constant 13 : i32
    %shift_right_logical3A_150 = vector.broadcast %shift_right_logical3A_149 : i32 to vector<16xi32>
    %shift_right_logical3A_151 = arith.shrui %get3A_135, %shift_right_logical3A_150 : vector<16xi32>
    %and3A_152 = arith.constant 1 : i32
    %and3A_153 = vector.broadcast %and3A_152 : i32 to vector<16xi32>
    %and3A_154 = arith.andi %shift_right_logical3A_151, %and3A_153 : vector<16xi32>
    %mul3A_155 = arith.constant 64 : i32
    %mul3A_156 = vector.broadcast %mul3A_155 : i32 to vector<16xi32>
    %mul3A_157 = arith.muli %and3A_154, %mul3A_156 : vector<16xi32>
    %swap3A_158 = arith.index_cast %rem3A_4 : i32 to index
    %swap3A_159 = arith.constant 80 : index
    %swap3A_160 = tpu.vector_load %arg7[%swap3A_158, %swap3A_159] {strides = array<i32>} : memref<4x128xi32, #tpu.memory_space<vmem>>, vector<16xi32>,
    tpu.vector_store %arg7[%swap3A_158, %swap3A_159], %mul3A_157 {strides = array<i32>} : memref<4x128xi32, #tpu.memory_space<vmem>>, vector<16xi32>,
    %get3A_161 = arith.constant 96 : index
    %get3A_162 = tpu.vector_load %arg5[%get3A_161] {strides = array<i32>} : memref<6400xi32, #tpu.memory_space<vmem>>, vector<16xi32>,
    %shift_right_logical3A_163 = arith.constant 14 : i32
    %shift_right_logical3A_164 = vector.broadcast %shift_right_logical3A_163 : i32 to vector<16xi32>
    %shift_right_logical3A_165 = arith.shrui %get3A_162, %shift_right_logical3A_164 : vector<16xi32>
    %shift_left3A_166 = arith.constant 13 : i32
    %shift_left3A_167 = vector.broadcast %shift_left3A_166 : i32 to vector<16xi32>
    %shift_left3A_168 = arith.shli %shift_right_logical3A_165, %shift_left3A_167 : vector<16xi32>
    %and3A_169 = arith.constant 8191 : i32
    %and3A_170 = vector.broadcast %and3A_169 : i32 to vector<16xi32>
    %and3A_171 = arith.andi %get3A_162, %and3A_170 : vector<16xi32>
    %or3A_172 = arith.ori %shift_left3A_168, %and3A_171 : vector<16xi32>
    %swap3A_173 = arith.index_cast %rem3A_4 : i32 to index
    %swap3A_174 = arith.constant 96 : index
    %swap3A_175 = tpu.vector_load %arg6[%swap3A_173, %swap3A_174] {strides = array<i32>} : memref<4x128xi32, #tpu.memory_space<vmem>>, vector<16xi32>,
    tpu.vector_store %arg6[%swap3A_173, %swap3A_174], %or3A_172 {strides = array<i32>} : memref<4x128xi32, #tpu.memory_space<vmem>>, vector<16xi32>,
    %shift_right_logical3A_176 = arith.constant 13 : i32
    %shift_right_logical3A_177 = vector.broadcast %shift_right_logical3A_176 : i32 to vector<16xi32>
    %shift_right_logical3A_178 = arith.shrui %get3A_162, %shift_right_logical3A_177 : vector<16xi32>
    %and3A_179 = arith.constant 1 : i32
    %and3A_180 = vector.broadcast %and3A_179 : i32 to vector<16xi32>
    %and3A_181 = arith.andi %shift_right_logical3A_178, %and3A_180 : vector<16xi32>
    %mul3A_182 = arith.constant 64 : i32
    %mul3A_183 = vector.broadcast %mul3A_182 : i32 to vector<16xi32>
    %mul3A_184 = arith.muli %and3A_181, %mul3A_183 : vector<16xi32>
    %swap3A_185 = arith.index_cast %rem3A_4 : i32 to index
    %swap3A_186 = arith.constant 96 : index
    %swap3A_187 = tpu.vector_load %arg7[%swap3A_185, %swap3A_186] {strides = array<i32>} : memref<4x128xi32, #tpu.memory_space<vmem>>, vector<16xi32>,
    tpu.vector_store %arg7[%swap3A_185, %swap3A_186], %mul3A_184 {strides = array<i32>} : memref<4x128xi32, #tpu.memory_space<vmem>>, vector<16xi32>,
    %get3A_188 = arith.constant 112 : index
    %get3A_189 = tpu.vector_load %arg5[%get3A_188] {strides = array<i32>} : memref<6400xi32, #tpu.memory_space<vmem>>, vector<16xi32>,
    %shift_right_logical3A_190 = arith.constant 14 : i32
    %shift_right_logical3A_191 = vector.broadcast %shift_right_logical3A_190 : i32 to vector<16xi32>
    %shift_right_logical3A_192 = arith.shrui %get3A_189, %shift_right_logical3A_191 : vector<16xi32>
    %shift_left3A_193 = arith.constant 13 : i32
    %shift_left3A_194 = vector.broadcast %shift_left3A_193 : i32 to vector<16xi32>
    %shift_left3A_195 = arith.shli %shift_right_logical3A_192, %shift_left3A_194 : vector<16xi32>
    %and3A_196 = arith.constant 8191 : i32
    %and3A_197 = vector.broadcast %and3A_196 : i32 to vector<16xi32>
    %and3A_198 = arith.andi %get3A_189, %and3A_197 : vector<16xi32>
    %or3A_199 = arith.ori %shift_left3A_195, %and3A_198 : vector<16xi32>
    %swap3A_200 = arith.index_cast %rem3A_4 : i32 to index
    %swap3A_201 = arith.constant 112 : index
    %swap3A_202 = tpu.vector_load %arg6[%swap3A_200, %swap3A_201] {strides = array<i32>} : memref<4x128xi32, #tpu.memory_space<vmem>>, vector<16xi32>,
    tpu.vector_store %arg6[%swap3A_200, %swap3A_201], %or3A_199 {strides = array<i32>} : memref<4x128xi32, #tpu.memory_space<vmem>>, vector<16xi32>,
    %shift_right_logical3A_203 = arith.constant 13 : i32
    %shift_right_logical3A_204 = vector.broadcast %shift_right_logical3A_203 : i32 to vector<16xi32>
    %shift_right_logical3A_205 = arith.shrui %get3A_189, %shift_right_logical3A_204 : vector<16xi32>
    %and3A_206 = arith.constant 1 : i32
    %and3A_207 = vector.broadcast %and3A_206 : i32 to vector<16xi32>
    %and3A_208 = arith.andi %shift_right_logical3A_205, %and3A_207 : vector<16xi32>
    %mul3A_209 = arith.constant 64 : i32
    %mul3A_210 = vector.broadcast %mul3A_209 : i32 to vector<16xi32>
    %mul3A_211 = arith.muli %and3A_208, %mul3A_210 : vector<16xi32>
    %swap3A_212 = arith.index_cast %rem3A_4 : i32 to index
    %swap3A_213 = arith.constant 112 : index
    %swap3A_214 = tpu.vector_load %arg7[%swap3A_212, %swap3A_213] {strides = array<i32>} : memref<4x128xi32, #tpu.memory_space<vmem>>, vector<16xi32>,
    tpu.vector_store %arg7[%swap3A_212, %swap3A_213], %mul3A_211 {strides = array<i32>} : memref<4x128xi32, #tpu.memory_space<vmem>>, vector<16xi32>,
    %eq3A = arith.constant 0 : i32
    %eq3A_215 = arith.cmpi eq, %rem3A_4, %eq3A : i32
    %convert_element_type3A = arith.extui %eq3A_215 : i1 to i32
    %cond3A = arith.constant 0 : i32
    %cond3A_216 = arith.cmpi ne, %convert_element_type3A, %cond3A : i32
    scf.if %cond3A_216 {
      %dma_start3A = arith.constant 0 : i32
      %dma_start3A_791 = arith.constant 0 : i32
      %dma_start3A_792 = arith.constant 0 : i32
      %dma_start3A_793 = arith.constant 0 : i32
      %dma_start3A_794 = tpu.memref_slice %arg8[%dma_start3A_791, %dma_start3A_792, %dma_start3A_793] : memref<4x128x128xf32, #tpu.memory_space<vmem>> -> memref<1x128x128xf32, #tpu.memory_space<vmem>>
      %dma_start3A_795 = tpu.memref_squeeze %dma_start3A_794 : memref<1x128x128xf32, #tpu.memory_space<vmem>> -> memref<128x128xf32, #tpu.memory_space<vmem>>
      %dma_start3A_796 = arith.constant 0 : i32
      %dma_start3A_797 = tpu.memref_slice %arg6[%dma_start3A, %dma_start3A_796] : memref<4x128xi32, #tpu.memory_space<vmem>> -> memref<1x128xi32, #tpu.memory_space<vmem>>
      %dma_start3A_798 = tpu.memref_squeeze %dma_start3A_797 : memref<1x128xi32, #tpu.memory_space<vmem>> -> memref<128xi32, #tpu.memory_space<vmem>>
      %dma_start3A_799 = arith.constant 0 : i32
      %dma_start3A_800 = arith.constant 0 : i32
      %dma_start3A_801 = tpu.memref_slice %arg2[%dma_start3A_799, %dma_start3A_800] : memref<507904x128xf32, #tpu.memory_space<hbm>> -> memref<507904x128xf32, #tpu.memory_space<hbm>>
      tpu.enqueue_indirect_dma source(%dma_start3A_801 : memref<507904x128xf32, #tpu.memory_space<hbm>>) target(%dma_start3A_795 : memref<128x128xf32, #tpu.memory_space<vmem>>) offsets(%dma_start3A_798 : memref<128xi32, #tpu.memory_space<vmem>>) semaphore(%arg10 : memref<!tpu.dma_semaphore, #tpu.memory_space<semaphore_mem>>)
    } else {
    }
    %eq3A_217 = arith.constant 1 : i32
    %eq3A_218 = arith.cmpi eq, %rem3A_4, %eq3A_217 : i32
    %convert_element_type3A_219 = arith.extui %eq3A_218 : i1 to i32
    %cond3A_220 = arith.constant 0 : i32
    %cond3A_221 = arith.cmpi ne, %convert_element_type3A_219, %cond3A_220 : i32
    scf.if %cond3A_221 {
      %dma_start3A = arith.constant 1 : i32
      %dma_start3A_791 = arith.constant 1 : i32
      %dma_start3A_792 = arith.constant 0 : i32
      %dma_start3A_793 = arith.constant 0 : i32
      %dma_start3A_794 = tpu.memref_slice %arg8[%dma_start3A_791, %dma_start3A_792, %dma_start3A_793] : memref<4x128x128xf32, #tpu.memory_space<vmem>> -> memref<1x128x128xf32, #tpu.memory_space<vmem>>
      %dma_start3A_795 = tpu.memref_squeeze %dma_start3A_794 : memref<1x128x128xf32, #tpu.memory_space<vmem>> -> memref<128x128xf32, #tpu.memory_space<vmem>>
      %dma_start3A_796 = arith.constant 0 : i32
      %dma_start3A_797 = tpu.memref_slice %arg6[%dma_start3A, %dma_start3A_796] : memref<4x128xi32, #tpu.memory_space<vmem>> -> memref<1x128xi32, #tpu.memory_space<vmem>>
      %dma_start3A_798 = tpu.memref_squeeze %dma_start3A_797 : memref<1x128xi32, #tpu.memory_space<vmem>> -> memref<128xi32, #tpu.memory_space<vmem>>
      %dma_start3A_799 = arith.constant 0 : i32
      %dma_start3A_800 = arith.constant 0 : i32
      %dma_start3A_801 = tpu.memref_slice %arg2[%dma_start3A_799, %dma_start3A_800] : memref<507904x128xf32, #tpu.memory_space<hbm>> -> memref<507904x128xf32, #tpu.memory_space<hbm>>
      tpu.enqueue_indirect_dma source(%dma_start3A_801 : memref<507904x128xf32, #tpu.memory_space<hbm>>) target(%dma_start3A_795 : memref<128x128xf32, #tpu.memory_space<vmem>>) offsets(%dma_start3A_798 : memref<128xi32, #tpu.memory_space<vmem>>) semaphore(%arg11 : memref<!tpu.dma_semaphore, #tpu.memory_space<semaphore_mem>>)
    } else {
    }
    %eq3A_222 = arith.constant 2 : i32
    %eq3A_223 = arith.cmpi eq, %rem3A_4, %eq3A_222 : i32
    %convert_element_type3A_224 = arith.extui %eq3A_223 : i1 to i32
    %cond3A_225 = arith.constant 0 : i32
    %cond3A_226 = arith.cmpi ne, %convert_element_type3A_224, %cond3A_225 : i32
    scf.if %cond3A_226 {
      %dma_start3A = arith.constant 2 : i32
      %dma_start3A_791 = arith.constant 2 : i32
      %dma_start3A_792 = arith.constant 0 : i32
      %dma_start3A_793 = arith.constant 0 : i32
      %dma_start3A_794 = tpu.memref_slice %arg8[%dma_start3A_791, %dma_start3A_792, %dma_start3A_793] : memref<4x128x128xf32, #tpu.memory_space<vmem>> -> memref<1x128x128xf32, #tpu.memory_space<vmem>>
      %dma_start3A_795 = tpu.memref_squeeze %dma_start3A_794 : memref<1x128x128xf32, #tpu.memory_space<vmem>> -> memref<128x128xf32, #tpu.memory_space<vmem>>
      %dma_start3A_796 = arith.constant 0 : i32
      %dma_start3A_797 = tpu.memref_slice %arg6[%dma_start3A, %dma_start3A_796] : memref<4x128xi32, #tpu.memory_space<vmem>> -> memref<1x128xi32, #tpu.memory_space<vmem>>
      %dma_start3A_798 = tpu.memref_squeeze %dma_start3A_797 : memref<1x128xi32, #tpu.memory_space<vmem>> -> memref<128xi32, #tpu.memory_space<vmem>>
      %dma_start3A_799 = arith.constant 0 : i32
      %dma_start3A_800 = arith.constant 0 : i32
      %dma_start3A_801 = tpu.memref_slice %arg2[%dma_start3A_799, %dma_start3A_800] : memref<507904x128xf32, #tpu.memory_space<hbm>> -> memref<507904x128xf32, #tpu.memory_space<hbm>>
      tpu.enqueue_indirect_dma source(%dma_start3A_801 : memref<507904x128xf32, #tpu.memory_space<hbm>>) target(%dma_start3A_795 : memref<128x128xf32, #tpu.memory_space<vmem>>) offsets(%dma_start3A_798 : memref<128xi32, #tpu.memory_space<vmem>>) semaphore(%arg12 : memref<!tpu.dma_semaphore, #tpu.memory_space<semaphore_mem>>)
    } else {
    }
    %eq3A_227 = arith.constant 3 : i32
    %eq3A_228 = arith.cmpi eq, %rem3A_4, %eq3A_227 : i32
    %convert_element_type3A_229 = arith.extui %eq3A_228 : i1 to i32
    %cond3A_230 = arith.constant 0 : i32
    %cond3A_231 = arith.cmpi ne, %convert_element_type3A_229, %cond3A_230 : i32
    scf.if %cond3A_231 {
      %dma_start3A = arith.constant 3 : i32
      %dma_start3A_791 = arith.constant 3 : i32
      %dma_start3A_792 = arith.constant 0 : i32
      %dma_start3A_793 = arith.constant 0 : i32
      %dma_start3A_794 = tpu.memref_slice %arg8[%dma_start3A_791, %dma_start3A_792, %dma_start3A_793] : memref<4x128x128xf32, #tpu.memory_space<vmem>> -> memref<1x128x128xf32, #tpu.memory_space<vmem>>
      %dma_start3A_795 = tpu.memref_squeeze %dma_start3A_794 : memref<1x128x128xf32, #tpu.memory_space<vmem>> -> memref<128x128xf32, #tpu.memory_space<vmem>>
      %dma_start3A_796 = arith.constant 0 : i32
      %dma_start3A_797 = tpu.memref_slice %arg6[%dma_start3A, %dma_start3A_796] : memref<4x128xi32, #tpu.memory_space<vmem>> -> memref<1x128xi32, #tpu.memory_space<vmem>>
      %dma_start3A_798 = tpu.memref_squeeze %dma_start3A_797 : memref<1x128xi32, #tpu.memory_space<vmem>> -> memref<128xi32, #tpu.memory_space<vmem>>
      %dma_start3A_799 = arith.constant 0 : i32
      %dma_start3A_800 = arith.constant 0 : i32
      %dma_start3A_801 = tpu.memref_slice %arg2[%dma_start3A_799, %dma_start3A_800] : memref<507904x128xf32, #tpu.memory_space<hbm>> -> memref<507904x128xf32, #tpu.memory_space<hbm>>
      tpu.enqueue_indirect_dma source(%dma_start3A_801 : memref<507904x128xf32, #tpu.memory_space<hbm>>) target(%dma_start3A_795 : memref<128x128xf32, #tpu.memory_space<vmem>>) offsets(%dma_start3A_798 : memref<128xi32, #tpu.memory_space<vmem>>) semaphore(%arg13 : memref<!tpu.dma_semaphore, #tpu.memory_space<semaphore_mem>>)
    } else {
    }
    %rem3A_232 = arith.constant 1 : i32
    %rem3A_233 = arith.constant 4 : i32
    %rem3A_234 = arith.remsi %rem3A_232, %rem3A_233 : i32
    %get3A_235 = arith.constant 128 : index
    %get3A_236 = tpu.vector_load %arg5[%get3A_235] {strides = array<i32>} : memref<6400xi32, #tpu.memory_space<vmem>>, vector<16xi32>,
    %shift_right_logical3A_237 = arith.constant 14 : i32
    %shift_right_logical3A_238 = vector.broadcast %shift_right_logical3A_237 : i32 to vector<16xi32>
    %shift_right_logical3A_239 = arith.shrui %get3A_236, %shift_right_logical3A_238 : vector<16xi32>
    %shift_left3A_240 = arith.constant 13 : i32
    %shift_left3A_241 = vector.broadcast %shift_left3A_240 : i32 to vector<16xi32>
    %shift_left3A_242 = arith.shli %shift_right_logical3A_239, %shift_left3A_241 : vector<16xi32>
    %and3A_243 = arith.constant 8191 : i32
    %and3A_244 = vector.broadcast %and3A_243 : i32 to vector<16xi32>
    %and3A_245 = arith.andi %get3A_236, %and3A_244 : vector<16xi32>
    %or3A_246 = arith.ori %shift_left3A_242, %and3A_245 : vector<16xi32>
    %swap3A_247 = arith.index_cast %rem3A_234 : i32 to index
    %swap3A_248 = arith.constant 0 : index
    %swap3A_249 = tpu.vector_load %arg6[%swap3A_247, %swap3A_248] {strides = array<i32>} : memref<4x128xi32, #tpu.memory_space<vmem>>, vector<16xi32>,
    tpu.vector_store %arg6[%swap3A_247, %swap3A_248], %or3A_246 {strides = array<i32>} : memref<4x128xi32, #tpu.memory_space<vmem>>, vector<16xi32>,
    %shift_right_logical3A_250 = arith.constant 13 : i32
    %shift_right_logical3A_251 = vector.broadcast %shift_right_logical3A_250 : i32 to vector<16xi32>
    %shift_right_logical3A_252 = arith.shrui %get3A_236, %shift_right_logical3A_251 : vector<16xi32>
    %and3A_253 = arith.constant 1 : i32
    %and3A_254 = vector.broadcast %and3A_253 : i32 to vector<16xi32>
    %and3A_255 = arith.andi %shift_right_logical3A_252, %and3A_254 : vector<16xi32>
    %mul3A_256 = arith.constant 64 : i32
    %mul3A_257 = vector.broadcast %mul3A_256 : i32 to vector<16xi32>
    %mul3A_258 = arith.muli %and3A_255, %mul3A_257 : vector<16xi32>
    %swap3A_259 = arith.index_cast %rem3A_234 : i32 to index
    %swap3A_260 = arith.constant 0 : index
    %swap3A_261 = tpu.vector_load %arg7[%swap3A_259, %swap3A_260] {strides = array<i32>} : memref<4x128xi32, #tpu.memory_space<vmem>>, vector<16xi32>,
    tpu.vector_store %arg7[%swap3A_259, %swap3A_260], %mul3A_258 {strides = array<i32>} : memref<4x128xi32, #tpu.memory_space<vmem>>, vector<16xi32>,
    %get3A_262 = arith.constant 144 : index
    %get3A_263 = tpu.vector_load %arg5[%get3A_262] {strides = array<i32>} : memref<6400xi32, #tpu.memory_space<vmem>>, vector<16xi32>,
    %shift_right_logical3A_264 = arith.constant 14 : i32
    %shift_right_logical3A_265 = vector.broadcast %shift_right_logical3A_264 : i32 to vector<16xi32>
    %shift_right_logical3A_266 = arith.shrui %get3A_263, %shift_right_logical3A_265 : vector<16xi32>
    %shift_left3A_267 = arith.constant 13 : i32
    %shift_left3A_268 = vector.broadcast %shift_left3A_267 : i32 to vector<16xi32>
    %shift_left3A_269 = arith.shli %shift_right_logical3A_266, %shift_left3A_268 : vector<16xi32>
    %and3A_270 = arith.constant 8191 : i32
    %and3A_271 = vector.broadcast %and3A_270 : i32 to vector<16xi32>
    %and3A_272 = arith.andi %get3A_263, %and3A_271 : vector<16xi32>
    %or3A_273 = arith.ori %shift_left3A_269, %and3A_272 : vector<16xi32>
    %swap3A_274 = arith.index_cast %rem3A_234 : i32 to index
    %swap3A_275 = arith.constant 16 : index
    %swap3A_276 = tpu.vector_load %arg6[%swap3A_274, %swap3A_275] {strides = array<i32>} : memref<4x128xi32, #tpu.memory_space<vmem>>, vector<16xi32>,
    tpu.vector_store %arg6[%swap3A_274, %swap3A_275], %or3A_273 {strides = array<i32>} : memref<4x128xi32, #tpu.memory_space<vmem>>, vector<16xi32>,
    %shift_right_logical3A_277 = arith.constant 13 : i32
    %shift_right_logical3A_278 = vector.broadcast %shift_right_logical3A_277 : i32 to vector<16xi32>
    %shift_right_logical3A_279 = arith.shrui %get3A_263, %shift_right_logical3A_278 : vector<16xi32>
    %and3A_280 = arith.constant 1 : i32
    %and3A_281 = vector.broadcast %and3A_280 : i32 to vector<16xi32>
    %and3A_282 = arith.andi %shift_right_logical3A_279, %and3A_281 : vector<16xi32>
    %mul3A_283 = arith.constant 64 : i32
    %mul3A_284 = vector.broadcast %mul3A_283 : i32 to vector<16xi32>
    %mul3A_285 = arith.muli %and3A_282, %mul3A_284 : vector<16xi32>
    %swap3A_286 = arith.index_cast %rem3A_234 : i32 to index
    %swap3A_287 = arith.constant 16 : index
    %swap3A_288 = tpu.vector_load %arg7[%swap3A_286, %swap3A_287] {strides = array<i32>} : memref<4x128xi32, #tpu.memory_space<vmem>>, vector<16xi32>,
    tpu.vector_store %arg7[%swap3A_286, %swap3A_287], %mul3A_285 {strides = array<i32>} : memref<4x128xi32, #tpu.memory_space<vmem>>, vector<16xi32>,
    %get3A_289 = arith.constant 160 : index
    %get3A_290 = tpu.vector_load %arg5[%get3A_289] {strides = array<i32>} : memref<6400xi32, #tpu.memory_space<vmem>>, vector<16xi32>,
    %shift_right_logical3A_291 = arith.constant 14 : i32
    %shift_right_logical3A_292 = vector.broadcast %shift_right_logical3A_291 : i32 to vector<16xi32>
    %shift_right_logical3A_293 = arith.shrui %get3A_290, %shift_right_logical3A_292 : vector<16xi32>
    %shift_left3A_294 = arith.constant 13 : i32
    %shift_left3A_295 = vector.broadcast %shift_left3A_294 : i32 to vector<16xi32>
    %shift_left3A_296 = arith.shli %shift_right_logical3A_293, %shift_left3A_295 : vector<16xi32>
    %and3A_297 = arith.constant 8191 : i32
    %and3A_298 = vector.broadcast %and3A_297 : i32 to vector<16xi32>
    %and3A_299 = arith.andi %get3A_290, %and3A_298 : vector<16xi32>
    %or3A_300 = arith.ori %shift_left3A_296, %and3A_299 : vector<16xi32>
    %swap3A_301 = arith.index_cast %rem3A_234 : i32 to index
    %swap3A_302 = arith.constant 32 : index
    %swap3A_303 = tpu.vector_load %arg6[%swap3A_301, %swap3A_302] {strides = array<i32>} : memref<4x128xi32, #tpu.memory_space<vmem>>, vector<16xi32>,
    tpu.vector_store %arg6[%swap3A_301, %swap3A_302], %or3A_300 {strides = array<i32>} : memref<4x128xi32, #tpu.memory_space<vmem>>, vector<16xi32>,
    %shift_right_logical3A_304 = arith.constant 13 : i32
    %shift_right_logical3A_305 = vector.broadcast %shift_right_logical3A_304 : i32 to vector<16xi32>
    %shift_right_logical3A_306 = arith.shrui %get3A_290, %shift_right_logical3A_305 : vector<16xi32>
    %and3A_307 = arith.constant 1 : i32
    %and3A_308 = vector.broadcast %and3A_307 : i32 to vector<16xi32>
    %and3A_309 = arith.andi %shift_right_logical3A_306, %and3A_308 : vector<16xi32>
    %mul3A_310 = arith.constant 64 : i32
    %mul3A_311 = vector.broadcast %mul3A_310 : i32 to vector<16xi32>
    %mul3A_312 = arith.muli %and3A_309, %mul3A_311 : vector<16xi32>
    %swap3A_313 = arith.index_cast %rem3A_234 : i32 to index
    %swap3A_314 = arith.constant 32 : index
    %swap3A_315 = tpu.vector_load %arg7[%swap3A_313, %swap3A_314] {strides = array<i32>} : memref<4x128xi32, #tpu.memory_space<vmem>>, vector<16xi32>,
    tpu.vector_store %arg7[%swap3A_313, %swap3A_314], %mul3A_312 {strides = array<i32>} : memref<4x128xi32, #tpu.memory_space<vmem>>, vector<16xi32>,
    %get3A_316 = arith.constant 176 : index
    %get3A_317 = tpu.vector_load %arg5[%get3A_316] {strides = array<i32>} : memref<6400xi32, #tpu.memory_space<vmem>>, vector<16xi32>,
    %shift_right_logical3A_318 = arith.constant 14 : i32
    %shift_right_logical3A_319 = vector.broadcast %shift_right_logical3A_318 : i32 to vector<16xi32>
    %shift_right_logical3A_320 = arith.shrui %get3A_317, %shift_right_logical3A_319 : vector<16xi32>
    %shift_left3A_321 = arith.constant 13 : i32
    %shift_left3A_322 = vector.broadcast %shift_left3A_321 : i32 to vector<16xi32>
    %shift_left3A_323 = arith.shli %shift_right_logical3A_320, %shift_left3A_322 : vector<16xi32>
    %and3A_324 = arith.constant 8191 : i32
    %and3A_325 = vector.broadcast %and3A_324 : i32 to vector<16xi32>
    %and3A_326 = arith.andi %get3A_317, %and3A_325 : vector<16xi32>
    %or3A_327 = arith.ori %shift_left3A_323, %and3A_326 : vector<16xi32>
    %swap3A_328 = arith.index_cast %rem3A_234 : i32 to index
    %swap3A_329 = arith.constant 48 : index
    %swap3A_330 = tpu.vector_load %arg6[%swap3A_328, %swap3A_329] {strides = array<i32>} : memref<4x128xi32, #tpu.memory_space<vmem>>, vector<16xi32>,
    tpu.vector_store %arg6[%swap3A_328, %swap3A_329], %or3A_327 {strides = array<i32>} : memref<4x128xi32, #tpu.memory_space<vmem>>, vector<16xi32>,
    %shift_right_logical3A_331 = arith.constant 13 : i32
    %shift_right_logical3A_332 = vector.broadcast %shift_right_logical3A_331 : i32 to vector<16xi32>
    %shift_right_logical3A_333 = arith.shrui %get3A_317, %shift_right_logical3A_332 : vector<16xi32>
    %and3A_334 = arith.constant 1 : i32
    %and3A_335 = vector.broadcast %and3A_334 : i32 to vector<16xi32>
    %and3A_336 = arith.andi %shift_right_logical3A_333, %and3A_335 : vector<16xi32>
    %mul3A_337 = arith.constant 64 : i32
    %mul3A_338 = vector.broadcast %mul3A_337 : i32 to vector<16xi32>
    %mul3A_339 = arith.muli %and3A_336, %mul3A_338 : vector<16xi32>
    %swap3A_340 = arith.index_cast %rem3A_234 : i32 to index
    %swap3A_341 = arith.constant 48 : index
    %swap3A_342 = tpu.vector_load %arg7[%swap3A_340, %swap3A_341] {strides = array<i32>} : memref<4x128xi32, #tpu.memory_space<vmem>>, vector<16xi32>,
    tpu.vector_store %arg7[%swap3A_340, %swap3A_341], %mul3A_339 {strides = array<i32>} : memref<4x128xi32, #tpu.memory_space<vmem>>, vector<16xi32>,
    %get3A_343 = arith.constant 192 : index
    %get3A_344 = tpu.vector_load %arg5[%get3A_343] {strides = array<i32>} : memref<6400xi32, #tpu.memory_space<vmem>>, vector<16xi32>,
    %shift_right_logical3A_345 = arith.constant 14 : i32
    %shift_right_logical3A_346 = vector.broadcast %shift_right_logical3A_345 : i32 to vector<16xi32>
    %shift_right_logical3A_347 = arith.shrui %get3A_344, %shift_right_logical3A_346 : vector<16xi32>
    %shift_left3A_348 = arith.constant 13 : i32
    %shift_left3A_349 = vector.broadcast %shift_left3A_348 : i32 to vector<16xi32>
    %shift_left3A_350 = arith.shli %shift_right_logical3A_347, %shift_left3A_349 : vector<16xi32>
    %and3A_351 = arith.constant 8191 : i32
    %and3A_352 = vector.broadcast %and3A_351 : i32 to vector<16xi32>
    %and3A_353 = arith.andi %get3A_344, %and3A_352 : vector<16xi32>
    %or3A_354 = arith.ori %shift_left3A_350, %and3A_353 : vector<16xi32>
    %swap3A_355 = arith.index_cast %rem3A_234 : i32 to index
    %swap3A_356 = arith.constant 64 : index
    %swap3A_357 = tpu.vector_load %arg6[%swap3A_355, %swap3A_356] {strides = array<i32>} : memref<4x128xi32, #tpu.memory_space<vmem>>, vector<16xi32>,
    tpu.vector_store %arg6[%swap3A_355, %swap3A_356], %or3A_354 {strides = array<i32>} : memref<4x128xi32, #tpu.memory_space<vmem>>, vector<16xi32>,
    %shift_right_logical3A_358 = arith.constant 13 : i32
    %shift_right_logical3A_359 = vector.broadcast %shift_right_logical3A_358 : i32 to vector<16xi32>
    %shift_right_logical3A_360 = arith.shrui %get3A_344, %shift_right_logical3A_359 : vector<16xi32>
    %and3A_361 = arith.constant 1 : i32
    %and3A_362 = vector.broadcast %and3A_361 : i32 to vector<16xi32>
    %and3A_363 = arith.andi %shift_right_logical3A_360, %and3A_362 : vector<16xi32>
    %mul3A_364 = arith.constant 64 : i32
    %mul3A_365 = vector.broadcast %mul3A_364 : i32 to vector<16xi32>
    %mul3A_366 = arith.muli %and3A_363, %mul3A_365 : vector<16xi32>
    %swap3A_367 = arith.index_cast %rem3A_234 : i32 to index
    %swap3A_368 = arith.constant 64 : index
    %swap3A_369 = tpu.vector_load %arg7[%swap3A_367, %swap3A_368] {strides = array<i32>} : memref<4x128xi32, #tpu.memory_space<vmem>>, vector<16xi32>,
    tpu.vector_store %arg7[%swap3A_367, %swap3A_368], %mul3A_366 {strides = array<i32>} : memref<4x128xi32, #tpu.memory_space<vmem>>, vector<16xi32>,
    %get3A_370 = arith.constant 208 : index
    %get3A_371 = tpu.vector_load %arg5[%get3A_370] {strides = array<i32>} : memref<6400xi32, #tpu.memory_space<vmem>>, vector<16xi32>,
    %shift_right_logical3A_372 = arith.constant 14 : i32
    %shift_right_logical3A_373 = vector.broadcast %shift_right_logical3A_372 : i32 to vector<16xi32>
    %shift_right_logical3A_374 = arith.shrui %get3A_371, %shift_right_logical3A_373 : vector<16xi32>
    %shift_left3A_375 = arith.constant 13 : i32
    %shift_left3A_376 = vector.broadcast %shift_left3A_375 : i32 to vector<16xi32>
    %shift_left3A_377 = arith.shli %shift_right_logical3A_374, %shift_left3A_376 : vector<16xi32>
    %and3A_378 = arith.constant 8191 : i32
    %and3A_379 = vector.broadcast %and3A_378 : i32 to vector<16xi32>
    %and3A_380 = arith.andi %get3A_371, %and3A_379 : vector<16xi32>
    %or3A_381 = arith.ori %shift_left3A_377, %and3A_380 : vector<16xi32>
    %swap3A_382 = arith.index_cast %rem3A_234 : i32 to index
    %swap3A_383 = arith.constant 80 : index
    %swap3A_384 = tpu.vector_load %arg6[%swap3A_382, %swap3A_383] {strides = array<i32>} : memref<4x128xi32, #tpu.memory_space<vmem>>, vector<16xi32>,
    tpu.vector_store %arg6[%swap3A_382, %swap3A_383], %or3A_381 {strides = array<i32>} : memref<4x128xi32, #tpu.memory_space<vmem>>, vector<16xi32>,
    %shift_right_logical3A_385 = arith.constant 13 : i32
    %shift_right_logical3A_386 = vector.broadcast %shift_right_logical3A_385 : i32 to vector<16xi32>
    %shift_right_logical3A_387 = arith.shrui %get3A_371, %shift_right_logical3A_386 : vector<16xi32>
    %and3A_388 = arith.constant 1 : i32
    %and3A_389 = vector.broadcast %and3A_388 : i32 to vector<16xi32>
    %and3A_390 = arith.andi %shift_right_logical3A_387, %and3A_389 : vector<16xi32>
    %mul3A_391 = arith.constant 64 : i32
    %mul3A_392 = vector.broadcast %mul3A_391 : i32 to vector<16xi32>
    %mul3A_393 = arith.muli %and3A_390, %mul3A_392 : vector<16xi32>
    %swap3A_394 = arith.index_cast %rem3A_234 : i32 to index
    %swap3A_395 = arith.constant 80 : index
    %swap3A_396 = tpu.vector_load %arg7[%swap3A_394, %swap3A_395] {strides = array<i32>} : memref<4x128xi32, #tpu.memory_space<vmem>>, vector<16xi32>,
    tpu.vector_store %arg7[%swap3A_394, %swap3A_395], %mul3A_393 {strides = array<i32>} : memref<4x128xi32, #tpu.memory_space<vmem>>, vector<16xi32>,
    %get3A_397 = arith.constant 224 : index
    %get3A_398 = tpu.vector_load %arg5[%get3A_397] {strides = array<i32>} : memref<6400xi32, #tpu.memory_space<vmem>>, vector<16xi32>,
    %shift_right_logical3A_399 = arith.constant 14 : i32
    %shift_right_logical3A_400 = vector.broadcast %shift_right_logical3A_399 : i32 to vector<16xi32>
    %shift_right_logical3A_401 = arith.shrui %get3A_398, %shift_right_logical3A_400 : vector<16xi32>
    %shift_left3A_402 = arith.constant 13 : i32
    %shift_left3A_403 = vector.broadcast %shift_left3A_402 : i32 to vector<16xi32>
    %shift_left3A_404 = arith.shli %shift_right_logical3A_401, %shift_left3A_403 : vector<16xi32>
    %and3A_405 = arith.constant 8191 : i32
    %and3A_406 = vector.broadcast %and3A_405 : i32 to vector<16xi32>
    %and3A_407 = arith.andi %get3A_398, %and3A_406 : vector<16xi32>
    %or3A_408 = arith.ori %shift_left3A_404, %and3A_407 : vector<16xi32>
    %swap3A_409 = arith.index_cast %rem3A_234 : i32 to index
    %swap3A_410 = arith.constant 96 : index
    %swap3A_411 = tpu.vector_load %arg6[%swap3A_409, %swap3A_410] {strides = array<i32>} : memref<4x128xi32, #tpu.memory_space<vmem>>, vector<16xi32>,
    tpu.vector_store %arg6[%swap3A_409, %swap3A_410], %or3A_408 {strides = array<i32>} : memref<4x128xi32, #tpu.memory_space<vmem>>, vector<16xi32>,
    %shift_right_logical3A_412 = arith.constant 13 : i32
    %shift_right_logical3A_413 = vector.broadcast %shift_right_logical3A_412 : i32 to vector<16xi32>
    %shift_right_logical3A_414 = arith.shrui %get3A_398, %shift_right_logical3A_413 : vector<16xi32>
    %and3A_415 = arith.constant 1 : i32
    %and3A_416 = vector.broadcast %and3A_415 : i32 to vector<16xi32>
    %and3A_417 = arith.andi %shift_right_logical3A_414, %and3A_416 : vector<16xi32>
    %mul3A_418 = arith.constant 64 : i32
    %mul3A_419 = vector.broadcast %mul3A_418 : i32 to vector<16xi32>
    %mul3A_420 = arith.muli %and3A_417, %mul3A_419 : vector<16xi32>
    %swap3A_421 = arith.index_cast %rem3A_234 : i32 to index
    %swap3A_422 = arith.constant 96 : index
    %swap3A_423 = tpu.vector_load %arg7[%swap3A_421, %swap3A_422] {strides = array<i32>} : memref<4x128xi32, #tpu.memory_space<vmem>>, vector<16xi32>,
    tpu.vector_store %arg7[%swap3A_421, %swap3A_422], %mul3A_420 {strides = array<i32>} : memref<4x128xi32, #tpu.memory_space<vmem>>, vector<16xi32>,
    %get3A_424 = arith.constant 240 : index
    %get3A_425 = tpu.vector_load %arg5[%get3A_424] {strides = array<i32>} : memref<6400xi32, #tpu.memory_space<vmem>>, vector<16xi32>,
    %shift_right_logical3A_426 = arith.constant 14 : i32
    %shift_right_logical3A_427 = vector.broadcast %shift_right_logical3A_426 : i32 to vector<16xi32>
    %shift_right_logical3A_428 = arith.shrui %get3A_425, %shift_right_logical3A_427 : vector<16xi32>
    %shift_left3A_429 = arith.constant 13 : i32
    %shift_left3A_430 = vector.broadcast %shift_left3A_429 : i32 to vector<16xi32>
    %shift_left3A_431 = arith.shli %shift_right_logical3A_428, %shift_left3A_430 : vector<16xi32>
    %and3A_432 = arith.constant 8191 : i32
    %and3A_433 = vector.broadcast %and3A_432 : i32 to vector<16xi32>
    %and3A_434 = arith.andi %get3A_425, %and3A_433 : vector<16xi32>
    %or3A_435 = arith.ori %shift_left3A_431, %and3A_434 : vector<16xi32>
    %swap3A_436 = arith.index_cast %rem3A_234 : i32 to index
    %swap3A_437 = arith.constant 112 : index
    %swap3A_438 = tpu.vector_load %arg6[%swap3A_436, %swap3A_437] {strides = array<i32>} : memref<4x128xi32, #tpu.memory_space<vmem>>, vector<16xi32>,
    tpu.vector_store %arg6[%swap3A_436, %swap3A_437], %or3A_435 {strides = array<i32>} : memref<4x128xi32, #tpu.memory_space<vmem>>, vector<16xi32>,
    %shift_right_logical3A_439 = arith.constant 13 : i32
    %shift_right_logical3A_440 = vector.broadcast %shift_right_logical3A_439 : i32 to vector<16xi32>
    %shift_right_logical3A_441 = arith.shrui %get3A_425, %shift_right_logical3A_440 : vector<16xi32>
    %and3A_442 = arith.constant 1 : i32
    %and3A_443 = vector.broadcast %and3A_442 : i32 to vector<16xi32>
    %and3A_444 = arith.andi %shift_right_logical3A_441, %and3A_443 : vector<16xi32>
    %mul3A_445 = arith.constant 64 : i32
    %mul3A_446 = vector.broadcast %mul3A_445 : i32 to vector<16xi32>
    %mul3A_447 = arith.muli %and3A_444, %mul3A_446 : vector<16xi32>
    %swap3A_448 = arith.index_cast %rem3A_234 : i32 to index
    %swap3A_449 = arith.constant 112 : index
    %swap3A_450 = tpu.vector_load %arg7[%swap3A_448, %swap3A_449] {strides = array<i32>} : memref<4x128xi32, #tpu.memory_space<vmem>>, vector<16xi32>,
    tpu.vector_store %arg7[%swap3A_448, %swap3A_449], %mul3A_447 {strides = array<i32>} : memref<4x128xi32, #tpu.memory_space<vmem>>, vector<16xi32>,
    %eq3A_451 = arith.constant 0 : i32
    %eq3A_452 = arith.cmpi eq, %rem3A_234, %eq3A_451 : i32
    %convert_element_type3A_453 = arith.extui %eq3A_452 : i1 to i32
    %cond3A_454 = arith.constant 0 : i32
    %cond3A_455 = arith.cmpi ne, %convert_element_type3A_453, %cond3A_454 : i32
    scf.if %cond3A_455 {
      %dma_start3A = arith.constant 0 : i32
      %dma_start3A_791 = arith.constant 0 : i32
      %dma_start3A_792 = arith.constant 0 : i32
      %dma_start3A_793 = arith.constant 0 : i32
      %dma_start3A_794 = tpu.memref_slice %arg8[%dma_start3A_791, %dma_start3A_792, %dma_start3A_793] : memref<4x128x128xf32, #tpu.memory_space<vmem>> -> memref<1x128x128xf32, #tpu.memory_space<vmem>>
      %dma_start3A_795 = tpu.memref_squeeze %dma_start3A_794 : memref<1x128x128xf32, #tpu.memory_space<vmem>> -> memref<128x128xf32, #tpu.memory_space<vmem>>
      %dma_start3A_796 = arith.constant 0 : i32
      %dma_start3A_797 = tpu.memref_slice %arg6[%dma_start3A, %dma_start3A_796] : memref<4x128xi32, #tpu.memory_space<vmem>> -> memref<1x128xi32, #tpu.memory_space<vmem>>
      %dma_start3A_798 = tpu.memref_squeeze %dma_start3A_797 : memref<1x128xi32, #tpu.memory_space<vmem>> -> memref<128xi32, #tpu.memory_space<vmem>>
      %dma_start3A_799 = arith.constant 0 : i32
      %dma_start3A_800 = arith.constant 0 : i32
      %dma_start3A_801 = tpu.memref_slice %arg2[%dma_start3A_799, %dma_start3A_800] : memref<507904x128xf32, #tpu.memory_space<hbm>> -> memref<507904x128xf32, #tpu.memory_space<hbm>>
      tpu.enqueue_indirect_dma source(%dma_start3A_801 : memref<507904x128xf32, #tpu.memory_space<hbm>>) target(%dma_start3A_795 : memref<128x128xf32, #tpu.memory_space<vmem>>) offsets(%dma_start3A_798 : memref<128xi32, #tpu.memory_space<vmem>>) semaphore(%arg10 : memref<!tpu.dma_semaphore, #tpu.memory_space<semaphore_mem>>)
    } else {
    }
    %eq3A_456 = arith.constant 1 : i32
    %eq3A_457 = arith.cmpi eq, %rem3A_234, %eq3A_456 : i32
    %convert_element_type3A_458 = arith.extui %eq3A_457 : i1 to i32
    %cond3A_459 = arith.constant 0 : i32
    %cond3A_460 = arith.cmpi ne, %convert_element_type3A_458, %cond3A_459 : i32
    scf.if %cond3A_460 {
      %dma_start3A = arith.constant 1 : i32
      %dma_start3A_791 = arith.constant 1 : i32
      %dma_start3A_792 = arith.constant 0 : i32
      %dma_start3A_793 = arith.constant 0 : i32
      %dma_start3A_794 = tpu.memref_slice %arg8[%dma_start3A_791, %dma_start3A_792, %dma_start3A_793] : memref<4x128x128xf32, #tpu.memory_space<vmem>> -> memref<1x128x128xf32, #tpu.memory_space<vmem>>
      %dma_start3A_795 = tpu.memref_squeeze %dma_start3A_794 : memref<1x128x128xf32, #tpu.memory_space<vmem>> -> memref<128x128xf32, #tpu.memory_space<vmem>>
      %dma_start3A_796 = arith.constant 0 : i32
      %dma_start3A_797 = tpu.memref_slice %arg6[%dma_start3A, %dma_start3A_796] : memref<4x128xi32, #tpu.memory_space<vmem>> -> memref<1x128xi32, #tpu.memory_space<vmem>>
      %dma_start3A_798 = tpu.memref_squeeze %dma_start3A_797 : memref<1x128xi32, #tpu.memory_space<vmem>> -> memref<128xi32, #tpu.memory_space<vmem>>
      %dma_start3A_799 = arith.constant 0 : i32
      %dma_start3A_800 = arith.constant 0 : i32
      %dma_start3A_801 = tpu.memref_slice %arg2[%dma_start3A_799, %dma_start3A_800] : memref<507904x128xf32, #tpu.memory_space<hbm>> -> memref<507904x128xf32, #tpu.memory_space<hbm>>
      tpu.enqueue_indirect_dma source(%dma_start3A_801 : memref<507904x128xf32, #tpu.memory_space<hbm>>) target(%dma_start3A_795 : memref<128x128xf32, #tpu.memory_space<vmem>>) offsets(%dma_start3A_798 : memref<128xi32, #tpu.memory_space<vmem>>) semaphore(%arg11 : memref<!tpu.dma_semaphore, #tpu.memory_space<semaphore_mem>>)
    } else {
    }
    %eq3A_461 = arith.constant 2 : i32
    %eq3A_462 = arith.cmpi eq, %rem3A_234, %eq3A_461 : i32
    %convert_element_type3A_463 = arith.extui %eq3A_462 : i1 to i32
    %cond3A_464 = arith.constant 0 : i32
    %cond3A_465 = arith.cmpi ne, %convert_element_type3A_463, %cond3A_464 : i32
    scf.if %cond3A_465 {
      %dma_start3A = arith.constant 2 : i32
      %dma_start3A_791 = arith.constant 2 : i32
      %dma_start3A_792 = arith.constant 0 : i32
      %dma_start3A_793 = arith.constant 0 : i32
      %dma_start3A_794 = tpu.memref_slice %arg8[%dma_start3A_791, %dma_start3A_792, %dma_start3A_793] : memref<4x128x128xf32, #tpu.memory_space<vmem>> -> memref<1x128x128xf32, #tpu.memory_space<vmem>>
      %dma_start3A_795 = tpu.memref_squeeze %dma_start3A_794 : memref<1x128x128xf32, #tpu.memory_space<vmem>> -> memref<128x128xf32, #tpu.memory_space<vmem>>
      %dma_start3A_796 = arith.constant 0 : i32
      %dma_start3A_797 = tpu.memref_slice %arg6[%dma_start3A, %dma_start3A_796] : memref<4x128xi32, #tpu.memory_space<vmem>> -> memref<1x128xi32, #tpu.memory_space<vmem>>
      %dma_start3A_798 = tpu.memref_squeeze %dma_start3A_797 : memref<1x128xi32, #tpu.memory_space<vmem>> -> memref<128xi32, #tpu.memory_space<vmem>>
      %dma_start3A_799 = arith.constant 0 : i32
      %dma_start3A_800 = arith.constant 0 : i32
      %dma_start3A_801 = tpu.memref_slice %arg2[%dma_start3A_799, %dma_start3A_800] : memref<507904x128xf32, #tpu.memory_space<hbm>> -> memref<507904x128xf32, #tpu.memory_space<hbm>>
      tpu.enqueue_indirect_dma source(%dma_start3A_801 : memref<507904x128xf32, #tpu.memory_space<hbm>>) target(%dma_start3A_795 : memref<128x128xf32, #tpu.memory_space<vmem>>) offsets(%dma_start3A_798 : memref<128xi32, #tpu.memory_space<vmem>>) semaphore(%arg12 : memref<!tpu.dma_semaphore, #tpu.memory_space<semaphore_mem>>)
    } else {
    }
    %eq3A_466 = arith.constant 3 : i32
    %eq3A_467 = arith.cmpi eq, %rem3A_234, %eq3A_466 : i32
    %convert_element_type3A_468 = arith.extui %eq3A_467 : i1 to i32
    %cond3A_469 = arith.constant 0 : i32
    %cond3A_470 = arith.cmpi ne, %convert_element_type3A_468, %cond3A_469 : i32
    scf.if %cond3A_470 {
      %dma_start3A = arith.constant 3 : i32
      %dma_start3A_791 = arith.constant 3 : i32
      %dma_start3A_792 = arith.constant 0 : i32
      %dma_start3A_793 = arith.constant 0 : i32
      %dma_start3A_794 = tpu.memref_slice %arg8[%dma_start3A_791, %dma_start3A_792, %dma_start3A_793] : memref<4x128x128xf32, #tpu.memory_space<vmem>> -> memref<1x128x128xf32, #tpu.memory_space<vmem>>
      %dma_start3A_795 = tpu.memref_squeeze %dma_start3A_794 : memref<1x128x128xf32, #tpu.memory_space<vmem>> -> memref<128x128xf32, #tpu.memory_space<vmem>>
      %dma_start3A_796 = arith.constant 0 : i32
      %dma_start3A_797 = tpu.memref_slice %arg6[%dma_start3A, %dma_start3A_796] : memref<4x128xi32, #tpu.memory_space<vmem>> -> memref<1x128xi32, #tpu.memory_space<vmem>>
      %dma_start3A_798 = tpu.memref_squeeze %dma_start3A_797 : memref<1x128xi32, #tpu.memory_space<vmem>> -> memref<128xi32, #tpu.memory_space<vmem>>
      %dma_start3A_799 = arith.constant 0 : i32
      %dma_start3A_800 = arith.constant 0 : i32
      %dma_start3A_801 = tpu.memref_slice %arg2[%dma_start3A_799, %dma_start3A_800] : memref<507904x128xf32, #tpu.memory_space<hbm>> -> memref<507904x128xf32, #tpu.memory_space<hbm>>
      tpu.enqueue_indirect_dma source(%dma_start3A_801 : memref<507904x128xf32, #tpu.memory_space<hbm>>) target(%dma_start3A_795 : memref<128x128xf32, #tpu.memory_space<vmem>>) offsets(%dma_start3A_798 : memref<128xi32, #tpu.memory_space<vmem>>) semaphore(%arg13 : memref<!tpu.dma_semaphore, #tpu.memory_space<semaphore_mem>>)
    } else {
    }
    %rem3A_471 = arith.constant 2 : i32
    %rem3A_472 = arith.constant 4 : i32
    %rem3A_473 = arith.remsi %rem3A_471, %rem3A_472 : i32
    %get3A_474 = arith.constant 256 : index
    %get3A_475 = tpu.vector_load %arg5[%get3A_474] {strides = array<i32>} : memref<6400xi32, #tpu.memory_space<vmem>>, vector<16xi32>,
    %shift_right_logical3A_476 = arith.constant 14 : i32
    %shift_right_logical3A_477 = vector.broadcast %shift_right_logical3A_476 : i32 to vector<16xi32>
    %shift_right_logical3A_478 = arith.shrui %get3A_475, %shift_right_logical3A_477 : vector<16xi32>
    %shift_left3A_479 = arith.constant 13 : i32
    %shift_left3A_480 = vector.broadcast %shift_left3A_479 : i32 to vector<16xi32>
    %shift_left3A_481 = arith.shli %shift_right_logical3A_478, %shift_left3A_480 : vector<16xi32>
    %and3A_482 = arith.constant 8191 : i32
    %and3A_483 = vector.broadcast %and3A_482 : i32 to vector<16xi32>
    %and3A_484 = arith.andi %get3A_475, %and3A_483 : vector<16xi32>
    %or3A_485 = arith.ori %shift_left3A_481, %and3A_484 : vector<16xi32>
    %swap3A_486 = arith.index_cast %rem3A_473 : i32 to index
    %swap3A_487 = arith.constant 0 : index
    %swap3A_488 = tpu.vector_load %arg6[%swap3A_486, %swap3A_487] {strides = array<i32>} : memref<4x128xi32, #tpu.memory_space<vmem>>, vector<16xi32>,
    tpu.vector_store %arg6[%swap3A_486, %swap3A_487], %or3A_485 {strides = array<i32>} : memref<4x128xi32, #tpu.memory_space<vmem>>, vector<16xi32>,
    %shift_right_logical3A_489 = arith.constant 13 : i32
    %shift_right_logical3A_490 = vector.broadcast %shift_right_logical3A_489 : i32 to vector<16xi32>
    %shift_right_logical3A_491 = arith.shrui %get3A_475, %shift_right_logical3A_490 : vector<16xi32>
    %and3A_492 = arith.constant 1 : i32
    %and3A_493 = vector.broadcast %and3A_492 : i32 to vector<16xi32>
    %and3A_494 = arith.andi %shift_right_logical3A_491, %and3A_493 : vector<16xi32>
    %mul3A_495 = arith.constant 64 : i32
    %mul3A_496 = vector.broadcast %mul3A_495 : i32 to vector<16xi32>
    %mul3A_497 = arith.muli %and3A_494, %mul3A_496 : vector<16xi32>
    %swap3A_498 = arith.index_cast %rem3A_473 : i32 to index
    %swap3A_499 = arith.constant 0 : index
    %swap3A_500 = tpu.vector_load %arg7[%swap3A_498, %swap3A_499] {strides = array<i32>} : memref<4x128xi32, #tpu.memory_space<vmem>>, vector<16xi32>,
    tpu.vector_store %arg7[%swap3A_498, %swap3A_499], %mul3A_497 {strides = array<i32>} : memref<4x128xi32, #tpu.memory_space<vmem>>, vector<16xi32>,
    %get3A_501 = arith.constant 272 : index
    %get3A_502 = tpu.vector_load %arg5[%get3A_501] {strides = array<i32>} : memref<6400xi32, #tpu.memory_space<vmem>>, vector<16xi32>,
    %shift_right_logical3A_503 = arith.constant 14 : i32
    %shift_right_logical3A_504 = vector.broadcast %shift_right_logical3A_503 : i32 to vector<16xi32>
    %shift_right_logical3A_505 = arith.shrui %get3A_502, %shift_right_logical3A_504 : vector<16xi32>
    %shift_left3A_506 = arith.constant 13 : i32
    %shift_left3A_507 = vector.broadcast %shift_left3A_506 : i32 to vector<16xi32>
    %shift_left3A_508 = arith.shli %shift_right_logical3A_505, %shift_left3A_507 : vector<16xi32>
    %and3A_509 = arith.constant 8191 : i32
    %and3A_510 = vector.broadcast %and3A_509 : i32 to vector<16xi32>
    %and3A_511 = arith.andi %get3A_502, %and3A_510 : vector<16xi32>
    %or3A_512 = arith.ori %shift_left3A_508, %and3A_511 : vector<16xi32>
    %swap3A_513 = arith.index_cast %rem3A_473 : i32 to index
    %swap3A_514 = arith.constant 16 : index
    %swap3A_515 = tpu.vector_load %arg6[%swap3A_513, %swap3A_514] {strides = array<i32>} : memref<4x128xi32, #tpu.memory_space<vmem>>, vector<16xi32>,
    tpu.vector_store %arg6[%swap3A_513, %swap3A_514], %or3A_512 {strides = array<i32>} : memref<4x128xi32, #tpu.memory_space<vmem>>, vector<16xi32>,
    %shift_right_logical3A_516 = arith.constant 13 : i32
    %shift_right_logical3A_517 = vector.broadcast %shift_right_logical3A_516 : i32 to vector<16xi32>
    %shift_right_logical3A_518 = arith.shrui %get3A_502, %shift_right_logical3A_517 : vector<16xi32>
    %and3A_519 = arith.constant 1 : i32
    %and3A_520 = vector.broadcast %and3A_519 : i32 to vector<16xi32>
    %and3A_521 = arith.andi %shift_right_logical3A_518, %and3A_520 : vector<16xi32>
    %mul3A_522 = arith.constant 64 : i32
    %mul3A_523 = vector.broadcast %mul3A_522 : i32 to vector<16xi32>
    %mul3A_524 = arith.muli %and3A_521, %mul3A_523 : vector<16xi32>
    %swap3A_525 = arith.index_cast %rem3A_473 : i32 to index
    %swap3A_526 = arith.constant 16 : index
    %swap3A_527 = tpu.vector_load %arg7[%swap3A_525, %swap3A_526] {strides = array<i32>} : memref<4x128xi32, #tpu.memory_space<vmem>>, vector<16xi32>,
    tpu.vector_store %arg7[%swap3A_525, %swap3A_526], %mul3A_524 {strides = array<i32>} : memref<4x128xi32, #tpu.memory_space<vmem>>, vector<16xi32>,
    %get3A_528 = arith.constant 288 : index
    %get3A_529 = tpu.vector_load %arg5[%get3A_528] {strides = array<i32>} : memref<6400xi32, #tpu.memory_space<vmem>>, vector<16xi32>,
    %shift_right_logical3A_530 = arith.constant 14 : i32
    %shift_right_logical3A_531 = vector.broadcast %shift_right_logical3A_530 : i32 to vector<16xi32>
    %shift_right_logical3A_532 = arith.shrui %get3A_529, %shift_right_logical3A_531 : vector<16xi32>
    %shift_left3A_533 = arith.constant 13 : i32
    %shift_left3A_534 = vector.broadcast %shift_left3A_533 : i32 to vector<16xi32>
    %shift_left3A_535 = arith.shli %shift_right_logical3A_532, %shift_left3A_534 : vector<16xi32>
    %and3A_536 = arith.constant 8191 : i32
    %and3A_537 = vector.broadcast %and3A_536 : i32 to vector<16xi32>
    %and3A_538 = arith.andi %get3A_529, %and3A_537 : vector<16xi32>
    %or3A_539 = arith.ori %shift_left3A_535, %and3A_538 : vector<16xi32>
    %swap3A_540 = arith.index_cast %rem3A_473 : i32 to index
    %swap3A_541 = arith.constant 32 : index
    %swap3A_542 = tpu.vector_load %arg6[%swap3A_540, %swap3A_541] {strides = array<i32>} : memref<4x128xi32, #tpu.memory_space<vmem>>, vector<16xi32>,
    tpu.vector_store %arg6[%swap3A_540, %swap3A_541], %or3A_539 {strides = array<i32>} : memref<4x128xi32, #tpu.memory_space<vmem>>, vector<16xi32>,
    %shift_right_logical3A_543 = arith.constant 13 : i32
    %shift_right_logical3A_544 = vector.broadcast %shift_right_logical3A_543 : i32 to vector<16xi32>
    %shift_right_logical3A_545 = arith.shrui %get3A_529, %shift_right_logical3A_544 : vector<16xi32>
    %and3A_546 = arith.constant 1 : i32
    %and3A_547 = vector.broadcast %and3A_546 : i32 to vector<16xi32>
    %and3A_548 = arith.andi %shift_right_logical3A_545, %and3A_547 : vector<16xi32>
    %mul3A_549 = arith.constant 64 : i32
    %mul3A_550 = vector.broadcast %mul3A_549 : i32 to vector<16xi32>
    %mul3A_551 = arith.muli %and3A_548, %mul3A_550 : vector<16xi32>
    %swap3A_552 = arith.index_cast %rem3A_473 : i32 to index
    %swap3A_553 = arith.constant 32 : index
    %swap3A_554 = tpu.vector_load %arg7[%swap3A_552, %swap3A_553] {strides = array<i32>} : memref<4x128xi32, #tpu.memory_space<vmem>>, vector<16xi32>,
    tpu.vector_store %arg7[%swap3A_552, %swap3A_553], %mul3A_551 {strides = array<i32>} : memref<4x128xi32, #tpu.memory_space<vmem>>, vector<16xi32>,
    %get3A_555 = arith.constant 304 : index
    %get3A_556 = tpu.vector_load %arg5[%get3A_555] {strides = array<i32>} : memref<6400xi32, #tpu.memory_space<vmem>>, vector<16xi32>,
    %shift_right_logical3A_557 = arith.constant 14 : i32
    %shift_right_logical3A_558 = vector.broadcast %shift_right_logical3A_557 : i32 to vector<16xi32>
    %shift_right_logical3A_559 = arith.shrui %get3A_556, %shift_right_logical3A_558 : vector<16xi32>
    %shift_left3A_560 = arith.constant 13 : i32
    %shift_left3A_561 = vector.broadcast %shift_left3A_560 : i32 to vector<16xi32>
    %shift_left3A_562 = arith.shli %shift_right_logical3A_559, %shift_left3A_561 : vector<16xi32>
    %and3A_563 = arith.constant 8191 : i32
    %and3A_564 = vector.broadcast %and3A_563 : i32 to vector<16xi32>
    %and3A_565 = arith.andi %get3A_556, %and3A_564 : vector<16xi32>
    %or3A_566 = arith.ori %shift_left3A_562, %and3A_565 : vector<16xi32>
    %swap3A_567 = arith.index_cast %rem3A_473 : i32 to index
    %swap3A_568 = arith.constant 48 : index
    %swap3A_569 = tpu.vector_load %arg6[%swap3A_567, %swap3A_568] {strides = array<i32>} : memref<4x128xi32, #tpu.memory_space<vmem>>, vector<16xi32>,
    tpu.vector_store %arg6[%swap3A_567, %swap3A_568], %or3A_566 {strides = array<i32>} : memref<4x128xi32, #tpu.memory_space<vmem>>, vector<16xi32>,
    %shift_right_logical3A_570 = arith.constant 13 : i32
    %shift_right_logical3A_571 = vector.broadcast %shift_right_logical3A_570 : i32 to vector<16xi32>
    %shift_right_logical3A_572 = arith.shrui %get3A_556, %shift_right_logical3A_571 : vector<16xi32>
    %and3A_573 = arith.constant 1 : i32
    %and3A_574 = vector.broadcast %and3A_573 : i32 to vector<16xi32>
    %and3A_575 = arith.andi %shift_right_logical3A_572, %and3A_574 : vector<16xi32>
    %mul3A_576 = arith.constant 64 : i32
    %mul3A_577 = vector.broadcast %mul3A_576 : i32 to vector<16xi32>
    %mul3A_578 = arith.muli %and3A_575, %mul3A_577 : vector<16xi32>
    %swap3A_579 = arith.index_cast %rem3A_473 : i32 to index
    %swap3A_580 = arith.constant 48 : index
    %swap3A_581 = tpu.vector_load %arg7[%swap3A_579, %swap3A_580] {strides = array<i32>} : memref<4x128xi32, #tpu.memory_space<vmem>>, vector<16xi32>,
    tpu.vector_store %arg7[%swap3A_579, %swap3A_580], %mul3A_578 {strides = array<i32>} : memref<4x128xi32, #tpu.memory_space<vmem>>, vector<16xi32>,
    %get3A_582 = arith.constant 320 : index
    %get3A_583 = tpu.vector_load %arg5[%get3A_582] {strides = array<i32>} : memref<6400xi32, #tpu.memory_space<vmem>>, vector<16xi32>,
    %shift_right_logical3A_584 = arith.constant 14 : i32
    %shift_right_logical3A_585 = vector.broadcast %shift_right_logical3A_584 : i32 to vector<16xi32>
    %shift_right_logical3A_586 = arith.shrui %get3A_583, %shift_right_logical3A_585 : vector<16xi32>
    %shift_left3A_587 = arith.constant 13 : i32
    %shift_left3A_588 = vector.broadcast %shift_left3A_587 : i32 to vector<16xi32>
    %shift_left3A_589 = arith.shli %shift_right_logical3A_586, %shift_left3A_588 : vector<16xi32>
    %and3A_590 = arith.constant 8191 : i32
    %and3A_591 = vector.broadcast %and3A_590 : i32 to vector<16xi32>
    %and3A_592 = arith.andi %get3A_583, %and3A_591 : vector<16xi32>
    %or3A_593 = arith.ori %shift_left3A_589, %and3A_592 : vector<16xi32>
    %swap3A_594 = arith.index_cast %rem3A_473 : i32 to index
    %swap3A_595 = arith.constant 64 : index
    %swap3A_596 = tpu.vector_load %arg6[%swap3A_594, %swap3A_595] {strides = array<i32>} : memref<4x128xi32, #tpu.memory_space<vmem>>, vector<16xi32>,
    tpu.vector_store %arg6[%swap3A_594, %swap3A_595], %or3A_593 {strides = array<i32>} : memref<4x128xi32, #tpu.memory_space<vmem>>, vector<16xi32>,
    %shift_right_logical3A_597 = arith.constant 13 : i32
    %shift_right_logical3A_598 = vector.broadcast %shift_right_logical3A_597 : i32 to vector<16xi32>
    %shift_right_logical3A_599 = arith.shrui %get3A_583, %shift_right_logical3A_598 : vector<16xi32>
    %and3A_600 = arith.constant 1 : i32
    %and3A_601 = vector.broadcast %and3A_600 : i32 to vector<16xi32>
    %and3A_602 = arith.andi %shift_right_logical3A_599, %and3A_601 : vector<16xi32>
    %mul3A_603 = arith.constant 64 : i32
    %mul3A_604 = vector.broadcast %mul3A_603 : i32 to vector<16xi32>
    %mul3A_605 = arith.muli %and3A_602, %mul3A_604 : vector<16xi32>
    %swap3A_606 = arith.index_cast %rem3A_473 : i32 to index
    %swap3A_607 = arith.constant 64 : index
    %swap3A_608 = tpu.vector_load %arg7[%swap3A_606, %swap3A_607] {strides = array<i32>} : memref<4x128xi32, #tpu.memory_space<vmem>>, vector<16xi32>,
    tpu.vector_store %arg7[%swap3A_606, %swap3A_607], %mul3A_605 {strides = array<i32>} : memref<4x128xi32, #tpu.memory_space<vmem>>, vector<16xi32>,
    %get3A_609 = arith.constant 336 : index
    %get3A_610 = tpu.vector_load %arg5[%get3A_609] {strides = array<i32>} : memref<6400xi32, #tpu.memory_space<vmem>>, vector<16xi32>,
    %shift_right_logical3A_611 = arith.constant 14 : i32
    %shift_right_logical3A_612 = vector.broadcast %shift_right_logical3A_611 : i32 to vector<16xi32>
    %shift_right_logical3A_613 = arith.shrui %get3A_610, %shift_right_logical3A_612 : vector<16xi32>
    %shift_left3A_614 = arith.constant 13 : i32
    %shift_left3A_615 = vector.broadcast %shift_left3A_614 : i32 to vector<16xi32>
    %shift_left3A_616 = arith.shli %shift_right_logical3A_613, %shift_left3A_615 : vector<16xi32>
    %and3A_617 = arith.constant 8191 : i32
    %and3A_618 = vector.broadcast %and3A_617 : i32 to vector<16xi32>
    %and3A_619 = arith.andi %get3A_610, %and3A_618 : vector<16xi32>
    %or3A_620 = arith.ori %shift_left3A_616, %and3A_619 : vector<16xi32>
    %swap3A_621 = arith.index_cast %rem3A_473 : i32 to index
    %swap3A_622 = arith.constant 80 : index
    %swap3A_623 = tpu.vector_load %arg6[%swap3A_621, %swap3A_622] {strides = array<i32>} : memref<4x128xi32, #tpu.memory_space<vmem>>, vector<16xi32>,
    tpu.vector_store %arg6[%swap3A_621, %swap3A_622], %or3A_620 {strides = array<i32>} : memref<4x128xi32, #tpu.memory_space<vmem>>, vector<16xi32>,
    %shift_right_logical3A_624 = arith.constant 13 : i32
    %shift_right_logical3A_625 = vector.broadcast %shift_right_logical3A_624 : i32 to vector<16xi32>
    %shift_right_logical3A_626 = arith.shrui %get3A_610, %shift_right_logical3A_625 : vector<16xi32>
    %and3A_627 = arith.constant 1 : i32
    %and3A_628 = vector.broadcast %and3A_627 : i32 to vector<16xi32>
    %and3A_629 = arith.andi %shift_right_logical3A_626, %and3A_628 : vector<16xi32>
    %mul3A_630 = arith.constant 64 : i32
    %mul3A_631 = vector.broadcast %mul3A_630 : i32 to vector<16xi32>
    %mul3A_632 = arith.muli %and3A_629, %mul3A_631 : vector<16xi32>
    %swap3A_633 = arith.index_cast %rem3A_473 : i32 to index
    %swap3A_634 = arith.constant 80 : index
    %swap3A_635 = tpu.vector_load %arg7[%swap3A_633, %swap3A_634] {strides = array<i32>} : memref<4x128xi32, #tpu.memory_space<vmem>>, vector<16xi32>,
    tpu.vector_store %arg7[%swap3A_633, %swap3A_634], %mul3A_632 {strides = array<i32>} : memref<4x128xi32, #tpu.memory_space<vmem>>, vector<16xi32>,
    %get3A_636 = arith.constant 352 : index
    %get3A_637 = tpu.vector_load %arg5[%get3A_636] {strides = array<i32>} : memref<6400xi32, #tpu.memory_space<vmem>>, vector<16xi32>,
    %shift_right_logical3A_638 = arith.constant 14 : i32
    %shift_right_logical3A_639 = vector.broadcast %shift_right_logical3A_638 : i32 to vector<16xi32>
    %shift_right_logical3A_640 = arith.shrui %get3A_637, %shift_right_logical3A_639 : vector<16xi32>
    %shift_left3A_641 = arith.constant 13 : i32
    %shift_left3A_642 = vector.broadcast %shift_left3A_641 : i32 to vector<16xi32>
    %shift_left3A_643 = arith.shli %shift_right_logical3A_640, %shift_left3A_642 : vector<16xi32>
    %and3A_644 = arith.constant 8191 : i32
    %and3A_645 = vector.broadcast %and3A_644 : i32 to vector<16xi32>
    %and3A_646 = arith.andi %get3A_637, %and3A_645 : vector<16xi32>
    %or3A_647 = arith.ori %shift_left3A_643, %and3A_646 : vector<16xi32>
    %swap3A_648 = arith.index_cast %rem3A_473 : i32 to index
    %swap3A_649 = arith.constant 96 : index
    %swap3A_650 = tpu.vector_load %arg6[%swap3A_648, %swap3A_649] {strides = array<i32>} : memref<4x128xi32, #tpu.memory_space<vmem>>, vector<16xi32>,
    tpu.vector_store %arg6[%swap3A_648, %swap3A_649], %or3A_647 {strides = array<i32>} : memref<4x128xi32, #tpu.memory_space<vmem>>, vector<16xi32>,
    %shift_right_logical3A_651 = arith.constant 13 : i32
    %shift_right_logical3A_652 = vector.broadcast %shift_right_logical3A_651 : i32 to vector<16xi32>
    %shift_right_logical3A_653 = arith.shrui %get3A_637, %shift_right_logical3A_652 : vector<16xi32>
    %and3A_654 = arith.constant 1 : i32
    %and3A_655 = vector.broadcast %and3A_654 : i32 to vector<16xi32>
    %and3A_656 = arith.andi %shift_right_logical3A_653, %and3A_655 : vector<16xi32>
    %mul3A_657 = arith.constant 64 : i32
    %mul3A_658 = vector.broadcast %mul3A_657 : i32 to vector<16xi32>
    %mul3A_659 = arith.muli %and3A_656, %mul3A_658 : vector<16xi32>
    %swap3A_660 = arith.index_cast %rem3A_473 : i32 to index
    %swap3A_661 = arith.constant 96 : index
    %swap3A_662 = tpu.vector_load %arg7[%swap3A_660, %swap3A_661] {strides = array<i32>} : memref<4x128xi32, #tpu.memory_space<vmem>>, vector<16xi32>,
    tpu.vector_store %arg7[%swap3A_660, %swap3A_661], %mul3A_659 {strides = array<i32>} : memref<4x128xi32, #tpu.memory_space<vmem>>, vector<16xi32>,
    %get3A_663 = arith.constant 368 : index
    %get3A_664 = tpu.vector_load %arg5[%get3A_663] {strides = array<i32>} : memref<6400xi32, #tpu.memory_space<vmem>>, vector<16xi32>,
    %shift_right_logical3A_665 = arith.constant 14 : i32
    %shift_right_logical3A_666 = vector.broadcast %shift_right_logical3A_665 : i32 to vector<16xi32>
    %shift_right_logical3A_667 = arith.shrui %get3A_664, %shift_right_logical3A_666 : vector<16xi32>
    %shift_left3A_668 = arith.constant 13 : i32
    %shift_left3A_669 = vector.broadcast %shift_left3A_668 : i32 to vector<16xi32>
    %shift_left3A_670 = arith.shli %shift_right_logical3A_667, %shift_left3A_669 : vector<16xi32>
    %and3A_671 = arith.constant 8191 : i32
    %and3A_672 = vector.broadcast %and3A_671 : i32 to vector<16xi32>
    %and3A_673 = arith.andi %get3A_664, %and3A_672 : vector<16xi32>
    %or3A_674 = arith.ori %shift_left3A_670, %and3A_673 : vector<16xi32>
    %swap3A_675 = arith.index_cast %rem3A_473 : i32 to index
    %swap3A_676 = arith.constant 112 : index
    %swap3A_677 = tpu.vector_load %arg6[%swap3A_675, %swap3A_676] {strides = array<i32>} : memref<4x128xi32, #tpu.memory_space<vmem>>, vector<16xi32>,
    tpu.vector_store %arg6[%swap3A_675, %swap3A_676], %or3A_674 {strides = array<i32>} : memref<4x128xi32, #tpu.memory_space<vmem>>, vector<16xi32>,
    %shift_right_logical3A_678 = arith.constant 13 : i32
    %shift_right_logical3A_679 = vector.broadcast %shift_right_logical3A_678 : i32 to vector<16xi32>
    %shift_right_logical3A_680 = arith.shrui %get3A_664, %shift_right_logical3A_679 : vector<16xi32>
    %and3A_681 = arith.constant 1 : i32
    %and3A_682 = vector.broadcast %and3A_681 : i32 to vector<16xi32>
    %and3A_683 = arith.andi %shift_right_logical3A_680, %and3A_682 : vector<16xi32>
    %mul3A_684 = arith.constant 64 : i32
    %mul3A_685 = vector.broadcast %mul3A_684 : i32 to vector<16xi32>
    %mul3A_686 = arith.muli %and3A_683, %mul3A_685 : vector<16xi32>
    %swap3A_687 = arith.index_cast %rem3A_473 : i32 to index
    %swap3A_688 = arith.constant 112 : index
    %swap3A_689 = tpu.vector_load %arg7[%swap3A_687, %swap3A_688] {strides = array<i32>} : memref<4x128xi32, #tpu.memory_space<vmem>>, vector<16xi32>,
    tpu.vector_store %arg7[%swap3A_687, %swap3A_688], %mul3A_686 {strides = array<i32>} : memref<4x128xi32, #tpu.memory_space<vmem>>, vector<16xi32>,
    %eq3A_690 = arith.constant 0 : i32
    %eq3A_691 = arith.cmpi eq, %rem3A_473, %eq3A_690 : i32
    %convert_element_type3A_692 = arith.extui %eq3A_691 : i1 to i32
    %cond3A_693 = arith.constant 0 : i32
    %cond3A_694 = arith.cmpi ne, %convert_element_type3A_692, %cond3A_693 : i32
    scf.if %cond3A_694 {
      %dma_start3A = arith.constant 0 : i32
      %dma_start3A_791 = arith.constant 0 : i32
      %dma_start3A_792 = arith.constant 0 : i32
      %dma_start3A_793 = arith.constant 0 : i32
      %dma_start3A_794 = tpu.memref_slice %arg8[%dma_start3A_791, %dma_start3A_792, %dma_start3A_793] : memref<4x128x128xf32, #tpu.memory_space<vmem>> -> memref<1x128x128xf32, #tpu.memory_space<vmem>>
      %dma_start3A_795 = tpu.memref_squeeze %dma_start3A_794 : memref<1x128x128xf32, #tpu.memory_space<vmem>> -> memref<128x128xf32, #tpu.memory_space<vmem>>
      %dma_start3A_796 = arith.constant 0 : i32
      %dma_start3A_797 = tpu.memref_slice %arg6[%dma_start3A, %dma_start3A_796] : memref<4x128xi32, #tpu.memory_space<vmem>> -> memref<1x128xi32, #tpu.memory_space<vmem>>
      %dma_start3A_798 = tpu.memref_squeeze %dma_start3A_797 : memref<1x128xi32, #tpu.memory_space<vmem>> -> memref<128xi32, #tpu.memory_space<vmem>>
      %dma_start3A_799 = arith.constant 0 : i32
      %dma_start3A_800 = arith.constant 0 : i32
      %dma_start3A_801 = tpu.memref_slice %arg2[%dma_start3A_799, %dma_start3A_800] : memref<507904x128xf32, #tpu.memory_space<hbm>> -> memref<507904x128xf32, #tpu.memory_space<hbm>>
      tpu.enqueue_indirect_dma source(%dma_start3A_801 : memref<507904x128xf32, #tpu.memory_space<hbm>>) target(%dma_start3A_795 : memref<128x128xf32, #tpu.memory_space<vmem>>) offsets(%dma_start3A_798 : memref<128xi32, #tpu.memory_space<vmem>>) semaphore(%arg10 : memref<!tpu.dma_semaphore, #tpu.memory_space<semaphore_mem>>)
    } else {
    }
    %eq3A_695 = arith.constant 1 : i32
    %eq3A_696 = arith.cmpi eq, %rem3A_473, %eq3A_695 : i32
    %convert_element_type3A_697 = arith.extui %eq3A_696 : i1 to i32
    %cond3A_698 = arith.constant 0 : i32
    %cond3A_699 = arith.cmpi ne, %convert_element_type3A_697, %cond3A_698 : i32
    scf.if %cond3A_699 {
      %dma_start3A = arith.constant 1 : i32
      %dma_start3A_791 = arith.constant 1 : i32
      %dma_start3A_792 = arith.constant 0 : i32
      %dma_start3A_793 = arith.constant 0 : i32
      %dma_start3A_794 = tpu.memref_slice %arg8[%dma_start3A_791, %dma_start3A_792, %dma_start3A_793] : memref<4x128x128xf32, #tpu.memory_space<vmem>> -> memref<1x128x128xf32, #tpu.memory_space<vmem>>
      %dma_start3A_795 = tpu.memref_squeeze %dma_start3A_794 : memref<1x128x128xf32, #tpu.memory_space<vmem>> -> memref<128x128xf32, #tpu.memory_space<vmem>>
      %dma_start3A_796 = arith.constant 0 : i32
      %dma_start3A_797 = tpu.memref_slice %arg6[%dma_start3A, %dma_start3A_796] : memref<4x128xi32, #tpu.memory_space<vmem>> -> memref<1x128xi32, #tpu.memory_space<vmem>>
      %dma_start3A_798 = tpu.memref_squeeze %dma_start3A_797 : memref<1x128xi32, #tpu.memory_space<vmem>> -> memref<128xi32, #tpu.memory_space<vmem>>
      %dma_start3A_799 = arith.constant 0 : i32
      %dma_start3A_800 = arith.constant 0 : i32
      %dma_start3A_801 = tpu.memref_slice %arg2[%dma_start3A_799, %dma_start3A_800] : memref<507904x128xf32, #tpu.memory_space<hbm>> -> memref<507904x128xf32, #tpu.memory_space<hbm>>
      tpu.enqueue_indirect_dma source(%dma_start3A_801 : memref<507904x128xf32, #tpu.memory_space<hbm>>) target(%dma_start3A_795 : memref<128x128xf32, #tpu.memory_space<vmem>>) offsets(%dma_start3A_798 : memref<128xi32, #tpu.memory_space<vmem>>) semaphore(%arg11 : memref<!tpu.dma_semaphore, #tpu.memory_space<semaphore_mem>>)
    } else {
    }
    %eq3A_700 = arith.constant 2 : i32
    %eq3A_701 = arith.cmpi eq, %rem3A_473, %eq3A_700 : i32
    %convert_element_type3A_702 = arith.extui %eq3A_701 : i1 to i32
    %cond3A_703 = arith.constant 0 : i32
    %cond3A_704 = arith.cmpi ne, %convert_element_type3A_702, %cond3A_703 : i32
    scf.if %cond3A_704 {
      %dma_start3A = arith.constant 2 : i32
      %dma_start3A_791 = arith.constant 2 : i32
      %dma_start3A_792 = arith.constant 0 : i32
      %dma_start3A_793 = arith.constant 0 : i32
      %dma_start3A_794 = tpu.memref_slice %arg8[%dma_start3A_791, %dma_start3A_792, %dma_start3A_793] : memref<4x128x128xf32, #tpu.memory_space<vmem>> -> memref<1x128x128xf32, #tpu.memory_space<vmem>>
      %dma_start3A_795 = tpu.memref_squeeze %dma_start3A_794 : memref<1x128x128xf32, #tpu.memory_space<vmem>> -> memref<128x128xf32, #tpu.memory_space<vmem>>
      %dma_start3A_796 = arith.constant 0 : i32
      %dma_start3A_797 = tpu.memref_slice %arg6[%dma_start3A, %dma_start3A_796] : memref<4x128xi32, #tpu.memory_space<vmem>> -> memref<1x128xi32, #tpu.memory_space<vmem>>
      %dma_start3A_798 = tpu.memref_squeeze %dma_start3A_797 : memref<1x128xi32, #tpu.memory_space<vmem>> -> memref<128xi32, #tpu.memory_space<vmem>>
      %dma_start3A_799 = arith.constant 0 : i32
      %dma_start3A_800 = arith.constant 0 : i32
      %dma_start3A_801 = tpu.memref_slice %arg2[%dma_start3A_799, %dma_start3A_800] : memref<507904x128xf32, #tpu.memory_space<hbm>> -> memref<507904x128xf32, #tpu.memory_space<hbm>>
      tpu.enqueue_indirect_dma source(%dma_start3A_801 : memref<507904x128xf32, #tpu.memory_space<hbm>>) target(%dma_start3A_795 : memref<128x128xf32, #tpu.memory_space<vmem>>) offsets(%dma_start3A_798 : memref<128xi32, #tpu.memory_space<vmem>>) semaphore(%arg12 : memref<!tpu.dma_semaphore, #tpu.memory_space<semaphore_mem>>)
    } else {
    }
    %eq3A_705 = arith.constant 3 : i32
    %eq3A_706 = arith.cmpi eq, %rem3A_473, %eq3A_705 : i32
    %convert_element_type3A_707 = arith.extui %eq3A_706 : i1 to i32
    %cond3A_708 = arith.constant 0 : i32
    %cond3A_709 = arith.cmpi ne, %convert_element_type3A_707, %cond3A_708 : i32
    scf.if %cond3A_709 {
      %dma_start3A = arith.constant 3 : i32
      %dma_start3A_791 = arith.constant 3 : i32
      %dma_start3A_792 = arith.constant 0 : i32
      %dma_start3A_793 = arith.constant 0 : i32
      %dma_start3A_794 = tpu.memref_slice %arg8[%dma_start3A_791, %dma_start3A_792, %dma_start3A_793] : memref<4x128x128xf32, #tpu.memory_space<vmem>> -> memref<1x128x128xf32, #tpu.memory_space<vmem>>
      %dma_start3A_795 = tpu.memref_squeeze %dma_start3A_794 : memref<1x128x128xf32, #tpu.memory_space<vmem>> -> memref<128x128xf32, #tpu.memory_space<vmem>>
      %dma_start3A_796 = arith.constant 0 : i32
      %dma_start3A_797 = tpu.memref_slice %arg6[%dma_start3A, %dma_start3A_796] : memref<4x128xi32, #tpu.memory_space<vmem>> -> memref<1x128xi32, #tpu.memory_space<vmem>>
      %dma_start3A_798 = tpu.memref_squeeze %dma_start3A_797 : memref<1x128xi32, #tpu.memory_space<vmem>> -> memref<128xi32, #tpu.memory_space<vmem>>
      %dma_start3A_799 = arith.constant 0 : i32
      %dma_start3A_800 = arith.constant 0 : i32
      %dma_start3A_801 = tpu.memref_slice %arg2[%dma_start3A_799, %dma_start3A_800] : memref<507904x128xf32, #tpu.memory_space<hbm>> -> memref<507904x128xf32, #tpu.memory_space<hbm>>
      tpu.enqueue_indirect_dma source(%dma_start3A_801 : memref<507904x128xf32, #tpu.memory_space<hbm>>) target(%dma_start3A_795 : memref<128x128xf32, #tpu.memory_space<vmem>>) offsets(%dma_start3A_798 : memref<128xi32, #tpu.memory_space<vmem>>) semaphore(%arg13 : memref<!tpu.dma_semaphore, #tpu.memory_space<semaphore_mem>>)
    } else {
    }
    %scan3A = arith.constant 0 : i32
    %scan3A_710 = arith.constant 50 : i32
    %scan3A_711 = arith.addi %scan3A, %scan3A_710 : i32
    %scan3A_712 = arith.constant 1 : i32
    scf.for %scan3A_791 = %scan3A to %scan3A_711 step %scan3A_712  : i32 {
      %rem3A_792 = arith.constant 4 : i32
      %rem3A_793 = arith.remsi %scan3A_791, %rem3A_792 : i32
      %rem3A_794 = arith.constant 2 : i32
      %rem3A_795 = arith.remsi %scan3A_791, %rem3A_794 : i32
      %add3A_796 = arith.constant 3 : i32
      %add3A_797 = arith.addi %scan3A_791, %add3A_796 : i32
      %lt3A = arith.constant 50 : i32
      %lt3A_798 = arith.cmpi slt, %add3A_797, %lt3A : i32
      %convert_element_type3A_799 = arith.extui %lt3A_798 : i1 to i32
      %cond3A_800 = arith.constant 0 : i32
      %cond3A_801 = arith.cmpi ne, %convert_element_type3A_799, %cond3A_800 : i32
      scf.if %cond3A_801 {
        %add3A_878 = arith.constant 3 : i32
        %add3A_879 = arith.addi %scan3A_791, %add3A_878 : i32
        %rem3A_880 = arith.constant 4 : i32
        %rem3A_881 = arith.remsi %add3A_879, %rem3A_880 : i32
        %mul3A_882 = arith.constant 128 : i32
        %mul3A_883 = arith.muli %add3A_879, %mul3A_882 : i32
        %add3A_884 = arith.constant 0 : i32
        %add3A_885 = arith.addi %mul3A_883, %add3A_884 : i32
        %get3A_886 = arith.index_cast %add3A_885 : i32 to index
        %get3A_887 = tpu.vector_load %arg5[%get3A_886] {strides = array<i32>} : memref<6400xi32, #tpu.memory_space<vmem>>, vector<16xi32>,
        %shift_right_logical3A_888 = arith.constant 14 : i32
        %shift_right_logical3A_889 = vector.broadcast %shift_right_logical3A_888 : i32 to vector<16xi32>
        %shift_right_logical3A_890 = arith.shrui %get3A_887, %shift_right_logical3A_889 : vector<16xi32>
        %shift_left3A_891 = arith.constant 13 : i32
        %shift_left3A_892 = vector.broadcast %shift_left3A_891 : i32 to vector<16xi32>
        %shift_left3A_893 = arith.shli %shift_right_logical3A_890, %shift_left3A_892 : vector<16xi32>
        %and3A_894 = arith.constant 8191 : i32
        %and3A_895 = vector.broadcast %and3A_894 : i32 to vector<16xi32>
        %and3A_896 = arith.andi %get3A_887, %and3A_895 : vector<16xi32>
        %or3A_897 = arith.ori %shift_left3A_893, %and3A_896 : vector<16xi32>
        %swap3A_898 = arith.index_cast %rem3A_881 : i32 to index
        %swap3A_899 = arith.constant 0 : index
        %swap3A_900 = tpu.vector_load %arg6[%swap3A_898, %swap3A_899] {strides = array<i32>} : memref<4x128xi32, #tpu.memory_space<vmem>>, vector<16xi32>,
        tpu.vector_store %arg6[%swap3A_898, %swap3A_899], %or3A_897 {strides = array<i32>} : memref<4x128xi32, #tpu.memory_space<vmem>>, vector<16xi32>,
        %shift_right_logical3A_901 = arith.constant 13 : i32
        %shift_right_logical3A_902 = vector.broadcast %shift_right_logical3A_901 : i32 to vector<16xi32>
        %shift_right_logical3A_903 = arith.shrui %get3A_887, %shift_right_logical3A_902 : vector<16xi32>
        %and3A_904 = arith.constant 1 : i32
        %and3A_905 = vector.broadcast %and3A_904 : i32 to vector<16xi32>
        %and3A_906 = arith.andi %shift_right_logical3A_903, %and3A_905 : vector<16xi32>
        %mul3A_907 = arith.constant 64 : i32
        %mul3A_908 = vector.broadcast %mul3A_907 : i32 to vector<16xi32>
        %mul3A_909 = arith.muli %and3A_906, %mul3A_908 : vector<16xi32>
        %swap3A_910 = arith.index_cast %rem3A_881 : i32 to index
        %swap3A_911 = arith.constant 0 : index
        %swap3A_912 = tpu.vector_load %arg7[%swap3A_910, %swap3A_911] {strides = array<i32>} : memref<4x128xi32, #tpu.memory_space<vmem>>, vector<16xi32>,
        tpu.vector_store %arg7[%swap3A_910, %swap3A_911], %mul3A_909 {strides = array<i32>} : memref<4x128xi32, #tpu.memory_space<vmem>>, vector<16xi32>,
        %mul3A_913 = arith.constant 128 : i32
        %mul3A_914 = arith.muli %add3A_879, %mul3A_913 : i32
        %add3A_915 = arith.constant 16 : i32
        %add3A_916 = arith.addi %mul3A_914, %add3A_915 : i32
        %get3A_917 = arith.index_cast %add3A_916 : i32 to index
        %get3A_918 = tpu.vector_load %arg5[%get3A_917] {strides = array<i32>} : memref<6400xi32, #tpu.memory_space<vmem>>, vector<16xi32>,
        %shift_right_logical3A_919 = arith.constant 14 : i32
        %shift_right_logical3A_920 = vector.broadcast %shift_right_logical3A_919 : i32 to vector<16xi32>
        %shift_right_logical3A_921 = arith.shrui %get3A_918, %shift_right_logical3A_920 : vector<16xi32>
        %shift_left3A_922 = arith.constant 13 : i32
        %shift_left3A_923 = vector.broadcast %shift_left3A_922 : i32 to vector<16xi32>
        %shift_left3A_924 = arith.shli %shift_right_logical3A_921, %shift_left3A_923 : vector<16xi32>
        %and3A_925 = arith.constant 8191 : i32
        %and3A_926 = vector.broadcast %and3A_925 : i32 to vector<16xi32>
        %and3A_927 = arith.andi %get3A_918, %and3A_926 : vector<16xi32>
        %or3A_928 = arith.ori %shift_left3A_924, %and3A_927 : vector<16xi32>
        %swap3A_929 = arith.index_cast %rem3A_881 : i32 to index
        %swap3A_930 = arith.constant 16 : index
        %swap3A_931 = tpu.vector_load %arg6[%swap3A_929, %swap3A_930] {strides = array<i32>} : memref<4x128xi32, #tpu.memory_space<vmem>>, vector<16xi32>,
        tpu.vector_store %arg6[%swap3A_929, %swap3A_930], %or3A_928 {strides = array<i32>} : memref<4x128xi32, #tpu.memory_space<vmem>>, vector<16xi32>,
        %shift_right_logical3A_932 = arith.constant 13 : i32
        %shift_right_logical3A_933 = vector.broadcast %shift_right_logical3A_932 : i32 to vector<16xi32>
        %shift_right_logical3A_934 = arith.shrui %get3A_918, %shift_right_logical3A_933 : vector<16xi32>
        %and3A_935 = arith.constant 1 : i32
        %and3A_936 = vector.broadcast %and3A_935 : i32 to vector<16xi32>
        %and3A_937 = arith.andi %shift_right_logical3A_934, %and3A_936 : vector<16xi32>
        %mul3A_938 = arith.constant 64 : i32
        %mul3A_939 = vector.broadcast %mul3A_938 : i32 to vector<16xi32>
        %mul3A_940 = arith.muli %and3A_937, %mul3A_939 : vector<16xi32>
        %swap3A_941 = arith.index_cast %rem3A_881 : i32 to index
        %swap3A_942 = arith.constant 16 : index
        %swap3A_943 = tpu.vector_load %arg7[%swap3A_941, %swap3A_942] {strides = array<i32>} : memref<4x128xi32, #tpu.memory_space<vmem>>, vector<16xi32>,
        tpu.vector_store %arg7[%swap3A_941, %swap3A_942], %mul3A_940 {strides = array<i32>} : memref<4x128xi32, #tpu.memory_space<vmem>>, vector<16xi32>,
        %mul3A_944 = arith.constant 128 : i32
        %mul3A_945 = arith.muli %add3A_879, %mul3A_944 : i32
        %add3A_946 = arith.constant 32 : i32
        %add3A_947 = arith.addi %mul3A_945, %add3A_946 : i32
        %get3A_948 = arith.index_cast %add3A_947 : i32 to index
        %get3A_949 = tpu.vector_load %arg5[%get3A_948] {strides = array<i32>} : memref<6400xi32, #tpu.memory_space<vmem>>, vector<16xi32>,
        %shift_right_logical3A_950 = arith.constant 14 : i32
        %shift_right_logical3A_951 = vector.broadcast %shift_right_logical3A_950 : i32 to vector<16xi32>
        %shift_right_logical3A_952 = arith.shrui %get3A_949, %shift_right_logical3A_951 : vector<16xi32>
        %shift_left3A_953 = arith.constant 13 : i32
        %shift_left3A_954 = vector.broadcast %shift_left3A_953 : i32 to vector<16xi32>
        %shift_left3A_955 = arith.shli %shift_right_logical3A_952, %shift_left3A_954 : vector<16xi32>
        %and3A_956 = arith.constant 8191 : i32
        %and3A_957 = vector.broadcast %and3A_956 : i32 to vector<16xi32>
        %and3A_958 = arith.andi %get3A_949, %and3A_957 : vector<16xi32>
        %or3A_959 = arith.ori %shift_left3A_955, %and3A_958 : vector<16xi32>
        %swap3A_960 = arith.index_cast %rem3A_881 : i32 to index
        %swap3A_961 = arith.constant 32 : index
        %swap3A_962 = tpu.vector_load %arg6[%swap3A_960, %swap3A_961] {strides = array<i32>} : memref<4x128xi32, #tpu.memory_space<vmem>>, vector<16xi32>,
        tpu.vector_store %arg6[%swap3A_960, %swap3A_961], %or3A_959 {strides = array<i32>} : memref<4x128xi32, #tpu.memory_space<vmem>>, vector<16xi32>,
        %shift_right_logical3A_963 = arith.constant 13 : i32
        %shift_right_logical3A_964 = vector.broadcast %shift_right_logical3A_963 : i32 to vector<16xi32>
        %shift_right_logical3A_965 = arith.shrui %get3A_949, %shift_right_logical3A_964 : vector<16xi32>
        %and3A_966 = arith.constant 1 : i32
        %and3A_967 = vector.broadcast %and3A_966 : i32 to vector<16xi32>
        %and3A_968 = arith.andi %shift_right_logical3A_965, %and3A_967 : vector<16xi32>
        %mul3A_969 = arith.constant 64 : i32
        %mul3A_970 = vector.broadcast %mul3A_969 : i32 to vector<16xi32>
        %mul3A_971 = arith.muli %and3A_968, %mul3A_970 : vector<16xi32>
        %swap3A_972 = arith.index_cast %rem3A_881 : i32 to index
        %swap3A_973 = arith.constant 32 : index
        %swap3A_974 = tpu.vector_load %arg7[%swap3A_972, %swap3A_973] {strides = array<i32>} : memref<4x128xi32, #tpu.memory_space<vmem>>, vector<16xi32>,
        tpu.vector_store %arg7[%swap3A_972, %swap3A_973], %mul3A_971 {strides = array<i32>} : memref<4x128xi32, #tpu.memory_space<vmem>>, vector<16xi32>,
        %mul3A_975 = arith.constant 128 : i32
        %mul3A_976 = arith.muli %add3A_879, %mul3A_975 : i32
        %add3A_977 = arith.constant 48 : i32
        %add3A_978 = arith.addi %mul3A_976, %add3A_977 : i32
        %get3A_979 = arith.index_cast %add3A_978 : i32 to index
        %get3A_980 = tpu.vector_load %arg5[%get3A_979] {strides = array<i32>} : memref<6400xi32, #tpu.memory_space<vmem>>, vector<16xi32>,
        %shift_right_logical3A_981 = arith.constant 14 : i32
        %shift_right_logical3A_982 = vector.broadcast %shift_right_logical3A_981 : i32 to vector<16xi32>
        %shift_right_logical3A_983 = arith.shrui %get3A_980, %shift_right_logical3A_982 : vector<16xi32>
        %shift_left3A_984 = arith.constant 13 : i32
        %shift_left3A_985 = vector.broadcast %shift_left3A_984 : i32 to vector<16xi32>
        %shift_left3A_986 = arith.shli %shift_right_logical3A_983, %shift_left3A_985 : vector<16xi32>
        %and3A_987 = arith.constant 8191 : i32
        %and3A_988 = vector.broadcast %and3A_987 : i32 to vector<16xi32>
        %and3A_989 = arith.andi %get3A_980, %and3A_988 : vector<16xi32>
        %or3A_990 = arith.ori %shift_left3A_986, %and3A_989 : vector<16xi32>
        %swap3A_991 = arith.index_cast %rem3A_881 : i32 to index
        %swap3A_992 = arith.constant 48 : index
        %swap3A_993 = tpu.vector_load %arg6[%swap3A_991, %swap3A_992] {strides = array<i32>} : memref<4x128xi32, #tpu.memory_space<vmem>>, vector<16xi32>,
        tpu.vector_store %arg6[%swap3A_991, %swap3A_992], %or3A_990 {strides = array<i32>} : memref<4x128xi32, #tpu.memory_space<vmem>>, vector<16xi32>,
        %shift_right_logical3A_994 = arith.constant 13 : i32
        %shift_right_logical3A_995 = vector.broadcast %shift_right_logical3A_994 : i32 to vector<16xi32>
        %shift_right_logical3A_996 = arith.shrui %get3A_980, %shift_right_logical3A_995 : vector<16xi32>
        %and3A_997 = arith.constant 1 : i32
        %and3A_998 = vector.broadcast %and3A_997 : i32 to vector<16xi32>
        %and3A_999 = arith.andi %shift_right_logical3A_996, %and3A_998 : vector<16xi32>
        %mul3A_1000 = arith.constant 64 : i32
        %mul3A_1001 = vector.broadcast %mul3A_1000 : i32 to vector<16xi32>
        %mul3A_1002 = arith.muli %and3A_999, %mul3A_1001 : vector<16xi32>
        %swap3A_1003 = arith.index_cast %rem3A_881 : i32 to index
        %swap3A_1004 = arith.constant 48 : index
        %swap3A_1005 = tpu.vector_load %arg7[%swap3A_1003, %swap3A_1004] {strides = array<i32>} : memref<4x128xi32, #tpu.memory_space<vmem>>, vector<16xi32>,
        tpu.vector_store %arg7[%swap3A_1003, %swap3A_1004], %mul3A_1002 {strides = array<i32>} : memref<4x128xi32, #tpu.memory_space<vmem>>, vector<16xi32>,
        %mul3A_1006 = arith.constant 128 : i32
        %mul3A_1007 = arith.muli %add3A_879, %mul3A_1006 : i32
        %add3A_1008 = arith.constant 64 : i32
        %add3A_1009 = arith.addi %mul3A_1007, %add3A_1008 : i32
        %get3A_1010 = arith.index_cast %add3A_1009 : i32 to index
        %get3A_1011 = tpu.vector_load %arg5[%get3A_1010] {strides = array<i32>} : memref<6400xi32, #tpu.memory_space<vmem>>, vector<16xi32>,
        %shift_right_logical3A_1012 = arith.constant 14 : i32
        %shift_right_logical3A_1013 = vector.broadcast %shift_right_logical3A_1012 : i32 to vector<16xi32>
        %shift_right_logical3A_1014 = arith.shrui %get3A_1011, %shift_right_logical3A_1013 : vector<16xi32>
        %shift_left3A_1015 = arith.constant 13 : i32
        %shift_left3A_1016 = vector.broadcast %shift_left3A_1015 : i32 to vector<16xi32>
        %shift_left3A_1017 = arith.shli %shift_right_logical3A_1014, %shift_left3A_1016 : vector<16xi32>
        %and3A_1018 = arith.constant 8191 : i32
        %and3A_1019 = vector.broadcast %and3A_1018 : i32 to vector<16xi32>
        %and3A_1020 = arith.andi %get3A_1011, %and3A_1019 : vector<16xi32>
        %or3A_1021 = arith.ori %shift_left3A_1017, %and3A_1020 : vector<16xi32>
        %swap3A_1022 = arith.index_cast %rem3A_881 : i32 to index
        %swap3A_1023 = arith.constant 64 : index
        %swap3A_1024 = tpu.vector_load %arg6[%swap3A_1022, %swap3A_1023] {strides = array<i32>} : memref<4x128xi32, #tpu.memory_space<vmem>>, vector<16xi32>,
        tpu.vector_store %arg6[%swap3A_1022, %swap3A_1023], %or3A_1021 {strides = array<i32>} : memref<4x128xi32, #tpu.memory_space<vmem>>, vector<16xi32>,
        %shift_right_logical3A_1025 = arith.constant 13 : i32
        %shift_right_logical3A_1026 = vector.broadcast %shift_right_logical3A_1025 : i32 to vector<16xi32>
        %shift_right_logical3A_1027 = arith.shrui %get3A_1011, %shift_right_logical3A_1026 : vector<16xi32>
        %and3A_1028 = arith.constant 1 : i32
        %and3A_1029 = vector.broadcast %and3A_1028 : i32 to vector<16xi32>
        %and3A_1030 = arith.andi %shift_right_logical3A_1027, %and3A_1029 : vector<16xi32>
        %mul3A_1031 = arith.constant 64 : i32
        %mul3A_1032 = vector.broadcast %mul3A_1031 : i32 to vector<16xi32>
        %mul3A_1033 = arith.muli %and3A_1030, %mul3A_1032 : vector<16xi32>
        %swap3A_1034 = arith.index_cast %rem3A_881 : i32 to index
        %swap3A_1035 = arith.constant 64 : index
        %swap3A_1036 = tpu.vector_load %arg7[%swap3A_1034, %swap3A_1035] {strides = array<i32>} : memref<4x128xi32, #tpu.memory_space<vmem>>, vector<16xi32>,
        tpu.vector_store %arg7[%swap3A_1034, %swap3A_1035], %mul3A_1033 {strides = array<i32>} : memref<4x128xi32, #tpu.memory_space<vmem>>, vector<16xi32>,
        %mul3A_1037 = arith.constant 128 : i32
        %mul3A_1038 = arith.muli %add3A_879, %mul3A_1037 : i32
        %add3A_1039 = arith.constant 80 : i32
        %add3A_1040 = arith.addi %mul3A_1038, %add3A_1039 : i32
        %get3A_1041 = arith.index_cast %add3A_1040 : i32 to index
        %get3A_1042 = tpu.vector_load %arg5[%get3A_1041] {strides = array<i32>} : memref<6400xi32, #tpu.memory_space<vmem>>, vector<16xi32>,
        %shift_right_logical3A_1043 = arith.constant 14 : i32
        %shift_right_logical3A_1044 = vector.broadcast %shift_right_logical3A_1043 : i32 to vector<16xi32>
        %shift_right_logical3A_1045 = arith.shrui %get3A_1042, %shift_right_logical3A_1044 : vector<16xi32>
        %shift_left3A_1046 = arith.constant 13 : i32
        %shift_left3A_1047 = vector.broadcast %shift_left3A_1046 : i32 to vector<16xi32>
        %shift_left3A_1048 = arith.shli %shift_right_logical3A_1045, %shift_left3A_1047 : vector<16xi32>
        %and3A_1049 = arith.constant 8191 : i32
        %and3A_1050 = vector.broadcast %and3A_1049 : i32 to vector<16xi32>
        %and3A_1051 = arith.andi %get3A_1042, %and3A_1050 : vector<16xi32>
        %or3A_1052 = arith.ori %shift_left3A_1048, %and3A_1051 : vector<16xi32>
        %swap3A_1053 = arith.index_cast %rem3A_881 : i32 to index
        %swap3A_1054 = arith.constant 80 : index
        %swap3A_1055 = tpu.vector_load %arg6[%swap3A_1053, %swap3A_1054] {strides = array<i32>} : memref<4x128xi32, #tpu.memory_space<vmem>>, vector<16xi32>,
        tpu.vector_store %arg6[%swap3A_1053, %swap3A_1054], %or3A_1052 {strides = array<i32>} : memref<4x128xi32, #tpu.memory_space<vmem>>, vector<16xi32>,
        %shift_right_logical3A_1056 = arith.constant 13 : i32
        %shift_right_logical3A_1057 = vector.broadcast %shift_right_logical3A_1056 : i32 to vector<16xi32>
        %shift_right_logical3A_1058 = arith.shrui %get3A_1042, %shift_right_logical3A_1057 : vector<16xi32>
        %and3A_1059 = arith.constant 1 : i32
        %and3A_1060 = vector.broadcast %and3A_1059 : i32 to vector<16xi32>
        %and3A_1061 = arith.andi %shift_right_logical3A_1058, %and3A_1060 : vector<16xi32>
        %mul3A_1062 = arith.constant 64 : i32
        %mul3A_1063 = vector.broadcast %mul3A_1062 : i32 to vector<16xi32>
        %mul3A_1064 = arith.muli %and3A_1061, %mul3A_1063 : vector<16xi32>
        %swap3A_1065 = arith.index_cast %rem3A_881 : i32 to index
        %swap3A_1066 = arith.constant 80 : index
        %swap3A_1067 = tpu.vector_load %arg7[%swap3A_1065, %swap3A_1066] {strides = array<i32>} : memref<4x128xi32, #tpu.memory_space<vmem>>, vector<16xi32>,
        tpu.vector_store %arg7[%swap3A_1065, %swap3A_1066], %mul3A_1064 {strides = array<i32>} : memref<4x128xi32, #tpu.memory_space<vmem>>, vector<16xi32>,
        %mul3A_1068 = arith.constant 128 : i32
        %mul3A_1069 = arith.muli %add3A_879, %mul3A_1068 : i32
        %add3A_1070 = arith.constant 96 : i32
        %add3A_1071 = arith.addi %mul3A_1069, %add3A_1070 : i32
        %get3A_1072 = arith.index_cast %add3A_1071 : i32 to index
        %get3A_1073 = tpu.vector_load %arg5[%get3A_1072] {strides = array<i32>} : memref<6400xi32, #tpu.memory_space<vmem>>, vector<16xi32>,
        %shift_right_logical3A_1074 = arith.constant 14 : i32
        %shift_right_logical3A_1075 = vector.broadcast %shift_right_logical3A_1074 : i32 to vector<16xi32>
        %shift_right_logical3A_1076 = arith.shrui %get3A_1073, %shift_right_logical3A_1075 : vector<16xi32>
        %shift_left3A_1077 = arith.constant 13 : i32
        %shift_left3A_1078 = vector.broadcast %shift_left3A_1077 : i32 to vector<16xi32>
        %shift_left3A_1079 = arith.shli %shift_right_logical3A_1076, %shift_left3A_1078 : vector<16xi32>
        %and3A_1080 = arith.constant 8191 : i32
        %and3A_1081 = vector.broadcast %and3A_1080 : i32 to vector<16xi32>
        %and3A_1082 = arith.andi %get3A_1073, %and3A_1081 : vector<16xi32>
        %or3A_1083 = arith.ori %shift_left3A_1079, %and3A_1082 : vector<16xi32>
        %swap3A_1084 = arith.index_cast %rem3A_881 : i32 to index
        %swap3A_1085 = arith.constant 96 : index
        %swap3A_1086 = tpu.vector_load %arg6[%swap3A_1084, %swap3A_1085] {strides = array<i32>} : memref<4x128xi32, #tpu.memory_space<vmem>>, vector<16xi32>,
        tpu.vector_store %arg6[%swap3A_1084, %swap3A_1085], %or3A_1083 {strides = array<i32>} : memref<4x128xi32, #tpu.memory_space<vmem>>, vector<16xi32>,
        %shift_right_logical3A_1087 = arith.constant 13 : i32
        %shift_right_logical3A_1088 = vector.broadcast %shift_right_logical3A_1087 : i32 to vector<16xi32>
        %shift_right_logical3A_1089 = arith.shrui %get3A_1073, %shift_right_logical3A_1088 : vector<16xi32>
        %and3A_1090 = arith.constant 1 : i32
        %and3A_1091 = vector.broadcast %and3A_1090 : i32 to vector<16xi32>
        %and3A_1092 = arith.andi %shift_right_logical3A_1089, %and3A_1091 : vector<16xi32>
        %mul3A_1093 = arith.constant 64 : i32
        %mul3A_1094 = vector.broadcast %mul3A_1093 : i32 to vector<16xi32>
        %mul3A_1095 = arith.muli %and3A_1092, %mul3A_1094 : vector<16xi32>
        %swap3A_1096 = arith.index_cast %rem3A_881 : i32 to index
        %swap3A_1097 = arith.constant 96 : index
        %swap3A_1098 = tpu.vector_load %arg7[%swap3A_1096, %swap3A_1097] {strides = array<i32>} : memref<4x128xi32, #tpu.memory_space<vmem>>, vector<16xi32>,
        tpu.vector_store %arg7[%swap3A_1096, %swap3A_1097], %mul3A_1095 {strides = array<i32>} : memref<4x128xi32, #tpu.memory_space<vmem>>, vector<16xi32>,
        %mul3A_1099 = arith.constant 128 : i32
        %mul3A_1100 = arith.muli %add3A_879, %mul3A_1099 : i32
        %add3A_1101 = arith.constant 112 : i32
        %add3A_1102 = arith.addi %mul3A_1100, %add3A_1101 : i32
        %get3A_1103 = arith.index_cast %add3A_1102 : i32 to index
        %get3A_1104 = tpu.vector_load %arg5[%get3A_1103] {strides = array<i32>} : memref<6400xi32, #tpu.memory_space<vmem>>, vector<16xi32>,
        %shift_right_logical3A_1105 = arith.constant 14 : i32
        %shift_right_logical3A_1106 = vector.broadcast %shift_right_logical3A_1105 : i32 to vector<16xi32>
        %shift_right_logical3A_1107 = arith.shrui %get3A_1104, %shift_right_logical3A_1106 : vector<16xi32>
        %shift_left3A_1108 = arith.constant 13 : i32
        %shift_left3A_1109 = vector.broadcast %shift_left3A_1108 : i32 to vector<16xi32>
        %shift_left3A_1110 = arith.shli %shift_right_logical3A_1107, %shift_left3A_1109 : vector<16xi32>
        %and3A_1111 = arith.constant 8191 : i32
        %and3A_1112 = vector.broadcast %and3A_1111 : i32 to vector<16xi32>
        %and3A_1113 = arith.andi %get3A_1104, %and3A_1112 : vector<16xi32>
        %or3A_1114 = arith.ori %shift_left3A_1110, %and3A_1113 : vector<16xi32>
        %swap3A_1115 = arith.index_cast %rem3A_881 : i32 to index
        %swap3A_1116 = arith.constant 112 : index
        %swap3A_1117 = tpu.vector_load %arg6[%swap3A_1115, %swap3A_1116] {strides = array<i32>} : memref<4x128xi32, #tpu.memory_space<vmem>>, vector<16xi32>,
        tpu.vector_store %arg6[%swap3A_1115, %swap3A_1116], %or3A_1114 {strides = array<i32>} : memref<4x128xi32, #tpu.memory_space<vmem>>, vector<16xi32>,
        %shift_right_logical3A_1118 = arith.constant 13 : i32
        %shift_right_logical3A_1119 = vector.broadcast %shift_right_logical3A_1118 : i32 to vector<16xi32>
        %shift_right_logical3A_1120 = arith.shrui %get3A_1104, %shift_right_logical3A_1119 : vector<16xi32>
        %and3A_1121 = arith.constant 1 : i32
        %and3A_1122 = vector.broadcast %and3A_1121 : i32 to vector<16xi32>
        %and3A_1123 = arith.andi %shift_right_logical3A_1120, %and3A_1122 : vector<16xi32>
        %mul3A_1124 = arith.constant 64 : i32
        %mul3A_1125 = vector.broadcast %mul3A_1124 : i32 to vector<16xi32>
        %mul3A_1126 = arith.muli %and3A_1123, %mul3A_1125 : vector<16xi32>
        %swap3A_1127 = arith.index_cast %rem3A_881 : i32 to index
        %swap3A_1128 = arith.constant 112 : index
        %swap3A_1129 = tpu.vector_load %arg7[%swap3A_1127, %swap3A_1128] {strides = array<i32>} : memref<4x128xi32, #tpu.memory_space<vmem>>, vector<16xi32>,
        tpu.vector_store %arg7[%swap3A_1127, %swap3A_1128], %mul3A_1126 {strides = array<i32>} : memref<4x128xi32, #tpu.memory_space<vmem>>, vector<16xi32>,
        %eq3A_1130 = arith.constant 0 : i32
        %eq3A_1131 = arith.cmpi eq, %rem3A_881, %eq3A_1130 : i32
        %convert_element_type3A_1132 = arith.extui %eq3A_1131 : i1 to i32
        %cond3A_1133 = arith.constant 0 : i32
        %cond3A_1134 = arith.cmpi ne, %convert_element_type3A_1132, %cond3A_1133 : i32
        scf.if %cond3A_1134 {
          %dma_start3A_1150 = arith.constant 0 : i32
          %dma_start3A_1151 = arith.constant 0 : i32
          %dma_start3A_1152 = arith.constant 0 : i32
          %dma_start3A_1153 = arith.constant 0 : i32
          %dma_start3A_1154 = tpu.memref_slice %arg8[%dma_start3A_1151, %dma_start3A_1152, %dma_start3A_1153] : memref<4x128x128xf32, #tpu.memory_space<vmem>> -> memref<1x128x128xf32, #tpu.memory_space<vmem>>
          %dma_start3A_1155 = tpu.memref_squeeze %dma_start3A_1154 : memref<1x128x128xf32, #tpu.memory_space<vmem>> -> memref<128x128xf32, #tpu.memory_space<vmem>>
          %dma_start3A_1156 = arith.constant 0 : i32
          %dma_start3A_1157 = tpu.memref_slice %arg6[%dma_start3A_1150, %dma_start3A_1156] : memref<4x128xi32, #tpu.memory_space<vmem>> -> memref<1x128xi32, #tpu.memory_space<vmem>>
          %dma_start3A_1158 = tpu.memref_squeeze %dma_start3A_1157 : memref<1x128xi32, #tpu.memory_space<vmem>> -> memref<128xi32, #tpu.memory_space<vmem>>
          %dma_start3A_1159 = arith.constant 0 : i32
          %dma_start3A_1160 = arith.constant 0 : i32
          %dma_start3A_1161 = tpu.memref_slice %arg2[%dma_start3A_1159, %dma_start3A_1160] : memref<507904x128xf32, #tpu.memory_space<hbm>> -> memref<507904x128xf32, #tpu.memory_space<hbm>>
          tpu.enqueue_indirect_dma source(%dma_start3A_1161 : memref<507904x128xf32, #tpu.memory_space<hbm>>) target(%dma_start3A_1155 : memref<128x128xf32, #tpu.memory_space<vmem>>) offsets(%dma_start3A_1158 : memref<128xi32, #tpu.memory_space<vmem>>) semaphore(%arg10 : memref<!tpu.dma_semaphore, #tpu.memory_space<semaphore_mem>>)
        } else {
        }
        %eq3A_1135 = arith.constant 1 : i32
        %eq3A_1136 = arith.cmpi eq, %rem3A_881, %eq3A_1135 : i32
        %convert_element_type3A_1137 = arith.extui %eq3A_1136 : i1 to i32
        %cond3A_1138 = arith.constant 0 : i32
        %cond3A_1139 = arith.cmpi ne, %convert_element_type3A_1137, %cond3A_1138 : i32
        scf.if %cond3A_1139 {
          %dma_start3A_1150 = arith.constant 1 : i32
          %dma_start3A_1151 = arith.constant 1 : i32
          %dma_start3A_1152 = arith.constant 0 : i32
          %dma_start3A_1153 = arith.constant 0 : i32
          %dma_start3A_1154 = tpu.memref_slice %arg8[%dma_start3A_1151, %dma_start3A_1152, %dma_start3A_1153] : memref<4x128x128xf32, #tpu.memory_space<vmem>> -> memref<1x128x128xf32, #tpu.memory_space<vmem>>
          %dma_start3A_1155 = tpu.memref_squeeze %dma_start3A_1154 : memref<1x128x128xf32, #tpu.memory_space<vmem>> -> memref<128x128xf32, #tpu.memory_space<vmem>>
          %dma_start3A_1156 = arith.constant 0 : i32
          %dma_start3A_1157 = tpu.memref_slice %arg6[%dma_start3A_1150, %dma_start3A_1156] : memref<4x128xi32, #tpu.memory_space<vmem>> -> memref<1x128xi32, #tpu.memory_space<vmem>>
          %dma_start3A_1158 = tpu.memref_squeeze %dma_start3A_1157 : memref<1x128xi32, #tpu.memory_space<vmem>> -> memref<128xi32, #tpu.memory_space<vmem>>
          %dma_start3A_1159 = arith.constant 0 : i32
          %dma_start3A_1160 = arith.constant 0 : i32
          %dma_start3A_1161 = tpu.memref_slice %arg2[%dma_start3A_1159, %dma_start3A_1160] : memref<507904x128xf32, #tpu.memory_space<hbm>> -> memref<507904x128xf32, #tpu.memory_space<hbm>>
          tpu.enqueue_indirect_dma source(%dma_start3A_1161 : memref<507904x128xf32, #tpu.memory_space<hbm>>) target(%dma_start3A_1155 : memref<128x128xf32, #tpu.memory_space<vmem>>) offsets(%dma_start3A_1158 : memref<128xi32, #tpu.memory_space<vmem>>) semaphore(%arg11 : memref<!tpu.dma_semaphore, #tpu.memory_space<semaphore_mem>>)
        } else {
        }
        %eq3A_1140 = arith.constant 2 : i32
        %eq3A_1141 = arith.cmpi eq, %rem3A_881, %eq3A_1140 : i32
        %convert_element_type3A_1142 = arith.extui %eq3A_1141 : i1 to i32
        %cond3A_1143 = arith.constant 0 : i32
        %cond3A_1144 = arith.cmpi ne, %convert_element_type3A_1142, %cond3A_1143 : i32
        scf.if %cond3A_1144 {
          %dma_start3A_1150 = arith.constant 2 : i32
          %dma_start3A_1151 = arith.constant 2 : i32
          %dma_start3A_1152 = arith.constant 0 : i32
          %dma_start3A_1153 = arith.constant 0 : i32
          %dma_start3A_1154 = tpu.memref_slice %arg8[%dma_start3A_1151, %dma_start3A_1152, %dma_start3A_1153] : memref<4x128x128xf32, #tpu.memory_space<vmem>> -> memref<1x128x128xf32, #tpu.memory_space<vmem>>
          %dma_start3A_1155 = tpu.memref_squeeze %dma_start3A_1154 : memref<1x128x128xf32, #tpu.memory_space<vmem>> -> memref<128x128xf32, #tpu.memory_space<vmem>>
          %dma_start3A_1156 = arith.constant 0 : i32
          %dma_start3A_1157 = tpu.memref_slice %arg6[%dma_start3A_1150, %dma_start3A_1156] : memref<4x128xi32, #tpu.memory_space<vmem>> -> memref<1x128xi32, #tpu.memory_space<vmem>>
          %dma_start3A_1158 = tpu.memref_squeeze %dma_start3A_1157 : memref<1x128xi32, #tpu.memory_space<vmem>> -> memref<128xi32, #tpu.memory_space<vmem>>
          %dma_start3A_1159 = arith.constant 0 : i32
          %dma_start3A_1160 = arith.constant 0 : i32
          %dma_start3A_1161 = tpu.memref_slice %arg2[%dma_start3A_1159, %dma_start3A_1160] : memref<507904x128xf32, #tpu.memory_space<hbm>> -> memref<507904x128xf32, #tpu.memory_space<hbm>>
          tpu.enqueue_indirect_dma source(%dma_start3A_1161 : memref<507904x128xf32, #tpu.memory_space<hbm>>) target(%dma_start3A_1155 : memref<128x128xf32, #tpu.memory_space<vmem>>) offsets(%dma_start3A_1158 : memref<128xi32, #tpu.memory_space<vmem>>) semaphore(%arg12 : memref<!tpu.dma_semaphore, #tpu.memory_space<semaphore_mem>>)
        } else {
        }
        %eq3A_1145 = arith.constant 3 : i32
        %eq3A_1146 = arith.cmpi eq, %rem3A_881, %eq3A_1145 : i32
        %convert_element_type3A_1147 = arith.extui %eq3A_1146 : i1 to i32
        %cond3A_1148 = arith.constant 0 : i32
        %cond3A_1149 = arith.cmpi ne, %convert_element_type3A_1147, %cond3A_1148 : i32
        scf.if %cond3A_1149 {
          %dma_start3A_1150 = arith.constant 3 : i32
          %dma_start3A_1151 = arith.constant 3 : i32
          %dma_start3A_1152 = arith.constant 0 : i32
          %dma_start3A_1153 = arith.constant 0 : i32
          %dma_start3A_1154 = tpu.memref_slice %arg8[%dma_start3A_1151, %dma_start3A_1152, %dma_start3A_1153] : memref<4x128x128xf32, #tpu.memory_space<vmem>> -> memref<1x128x128xf32, #tpu.memory_space<vmem>>
          %dma_start3A_1155 = tpu.memref_squeeze %dma_start3A_1154 : memref<1x128x128xf32, #tpu.memory_space<vmem>> -> memref<128x128xf32, #tpu.memory_space<vmem>>
          %dma_start3A_1156 = arith.constant 0 : i32
          %dma_start3A_1157 = tpu.memref_slice %arg6[%dma_start3A_1150, %dma_start3A_1156] : memref<4x128xi32, #tpu.memory_space<vmem>> -> memref<1x128xi32, #tpu.memory_space<vmem>>
          %dma_start3A_1158 = tpu.memref_squeeze %dma_start3A_1157 : memref<1x128xi32, #tpu.memory_space<vmem>> -> memref<128xi32, #tpu.memory_space<vmem>>
          %dma_start3A_1159 = arith.constant 0 : i32
          %dma_start3A_1160 = arith.constant 0 : i32
          %dma_start3A_1161 = tpu.memref_slice %arg2[%dma_start3A_1159, %dma_start3A_1160] : memref<507904x128xf32, #tpu.memory_space<hbm>> -> memref<507904x128xf32, #tpu.memory_space<hbm>>
          tpu.enqueue_indirect_dma source(%dma_start3A_1161 : memref<507904x128xf32, #tpu.memory_space<hbm>>) target(%dma_start3A_1155 : memref<128x128xf32, #tpu.memory_space<vmem>>) offsets(%dma_start3A_1158 : memref<128xi32, #tpu.memory_space<vmem>>) semaphore(%arg13 : memref<!tpu.dma_semaphore, #tpu.memory_space<semaphore_mem>>)
        } else {
        }
      } else {
      }
      %rem3A_802 = arith.constant 4 : i32
      %rem3A_803 = arith.remsi %scan3A_791, %rem3A_802 : i32
      %eq3A_804 = arith.constant 0 : i32
      %eq3A_805 = arith.cmpi eq, %rem3A_803, %eq3A_804 : i32
      %convert_element_type3A_806 = arith.extui %eq3A_805 : i1 to i32
      %cond3A_807 = arith.constant 0 : i32
      %cond3A_808 = arith.cmpi ne, %convert_element_type3A_806, %cond3A_807 : i32
      scf.if %cond3A_808 {
        %dma_wait3A_878 = arith.constant 0 : i32
        %dma_wait3A_879 = arith.constant 0 : i32
        %dma_wait3A_880 = arith.constant 0 : i32
        %dma_wait3A_881 = arith.constant 0 : i32
        %dma_wait3A_882 = tpu.memref_slice %arg8[%dma_wait3A_879, %dma_wait3A_880, %dma_wait3A_881] : memref<4x128x128xf32, #tpu.memory_space<vmem>> -> memref<1x128x128xf32, #tpu.memory_space<vmem>>
        %dma_wait3A_883 = tpu.memref_squeeze %dma_wait3A_882 : memref<1x128x128xf32, #tpu.memory_space<vmem>> -> memref<128x128xf32, #tpu.memory_space<vmem>>
        %dma_wait3A_884 = arith.constant 0 : i32
        %dma_wait3A_885 = tpu.memref_slice %arg6[%dma_wait3A_878, %dma_wait3A_884] : memref<4x128xi32, #tpu.memory_space<vmem>> -> memref<1x128xi32, #tpu.memory_space<vmem>>
        %dma_wait3A_886 = tpu.memref_squeeze %dma_wait3A_885 : memref<1x128xi32, #tpu.memory_space<vmem>> -> memref<128xi32, #tpu.memory_space<vmem>>
        %dma_wait3A_887 = arith.constant 0 : i32
        %dma_wait3A_888 = arith.constant 0 : i32
        %dma_wait3A_889 = tpu.memref_slice %arg2[%dma_wait3A_887, %dma_wait3A_888] : memref<507904x128xf32, #tpu.memory_space<hbm>> -> memref<507904x128xf32, #tpu.memory_space<hbm>>
        tpu.wait_indirect_dma semaphore(%arg10 : memref<!tpu.dma_semaphore, #tpu.memory_space<semaphore_mem>>) src(%dma_wait3A_889 : memref<507904x128xf32, #tpu.memory_space<hbm>>) dst(%dma_wait3A_883 : memref<128x128xf32, #tpu.memory_space<vmem>>)
      } else {
      }
      %rem3A_809 = arith.constant 4 : i32
      %rem3A_810 = arith.remsi %scan3A_791, %rem3A_809 : i32
      %eq3A_811 = arith.constant 1 : i32
      %eq3A_812 = arith.cmpi eq, %rem3A_810, %eq3A_811 : i32
      %convert_element_type3A_813 = arith.extui %eq3A_812 : i1 to i32
      %cond3A_814 = arith.constant 0 : i32
      %cond3A_815 = arith.cmpi ne, %convert_element_type3A_813, %cond3A_814 : i32
      scf.if %cond3A_815 {
        %dma_wait3A_878 = arith.constant 1 : i32
        %dma_wait3A_879 = arith.constant 1 : i32
        %dma_wait3A_880 = arith.constant 0 : i32
        %dma_wait3A_881 = arith.constant 0 : i32
        %dma_wait3A_882 = tpu.memref_slice %arg8[%dma_wait3A_879, %dma_wait3A_880, %dma_wait3A_881] : memref<4x128x128xf32, #tpu.memory_space<vmem>> -> memref<1x128x128xf32, #tpu.memory_space<vmem>>
        %dma_wait3A_883 = tpu.memref_squeeze %dma_wait3A_882 : memref<1x128x128xf32, #tpu.memory_space<vmem>> -> memref<128x128xf32, #tpu.memory_space<vmem>>
        %dma_wait3A_884 = arith.constant 0 : i32
        %dma_wait3A_885 = tpu.memref_slice %arg6[%dma_wait3A_878, %dma_wait3A_884] : memref<4x128xi32, #tpu.memory_space<vmem>> -> memref<1x128xi32, #tpu.memory_space<vmem>>
        %dma_wait3A_886 = tpu.memref_squeeze %dma_wait3A_885 : memref<1x128xi32, #tpu.memory_space<vmem>> -> memref<128xi32, #tpu.memory_space<vmem>>
        %dma_wait3A_887 = arith.constant 0 : i32
        %dma_wait3A_888 = arith.constant 0 : i32
        %dma_wait3A_889 = tpu.memref_slice %arg2[%dma_wait3A_887, %dma_wait3A_888] : memref<507904x128xf32, #tpu.memory_space<hbm>> -> memref<507904x128xf32, #tpu.memory_space<hbm>>
        tpu.wait_indirect_dma semaphore(%arg11 : memref<!tpu.dma_semaphore, #tpu.memory_space<semaphore_mem>>) src(%dma_wait3A_889 : memref<507904x128xf32, #tpu.memory_space<hbm>>) dst(%dma_wait3A_883 : memref<128x128xf32, #tpu.memory_space<vmem>>)
      } else {
      }
      %rem3A_816 = arith.constant 4 : i32
      %rem3A_817 = arith.remsi %scan3A_791, %rem3A_816 : i32
      %eq3A_818 = arith.constant 2 : i32
      %eq3A_819 = arith.cmpi eq, %rem3A_817, %eq3A_818 : i32
      %convert_element_type3A_820 = arith.extui %eq3A_819 : i1 to i32
      %cond3A_821 = arith.constant 0 : i32
      %cond3A_822 = arith.cmpi ne, %convert_element_type3A_820, %cond3A_821 : i32
      scf.if %cond3A_822 {
        %dma_wait3A_878 = arith.constant 2 : i32
        %dma_wait3A_879 = arith.constant 2 : i32
        %dma_wait3A_880 = arith.constant 0 : i32
        %dma_wait3A_881 = arith.constant 0 : i32
        %dma_wait3A_882 = tpu.memref_slice %arg8[%dma_wait3A_879, %dma_wait3A_880, %dma_wait3A_881] : memref<4x128x128xf32, #tpu.memory_space<vmem>> -> memref<1x128x128xf32, #tpu.memory_space<vmem>>
        %dma_wait3A_883 = tpu.memref_squeeze %dma_wait3A_882 : memref<1x128x128xf32, #tpu.memory_space<vmem>> -> memref<128x128xf32, #tpu.memory_space<vmem>>
        %dma_wait3A_884 = arith.constant 0 : i32
        %dma_wait3A_885 = tpu.memref_slice %arg6[%dma_wait3A_878, %dma_wait3A_884] : memref<4x128xi32, #tpu.memory_space<vmem>> -> memref<1x128xi32, #tpu.memory_space<vmem>>
        %dma_wait3A_886 = tpu.memref_squeeze %dma_wait3A_885 : memref<1x128xi32, #tpu.memory_space<vmem>> -> memref<128xi32, #tpu.memory_space<vmem>>
        %dma_wait3A_887 = arith.constant 0 : i32
        %dma_wait3A_888 = arith.constant 0 : i32
        %dma_wait3A_889 = tpu.memref_slice %arg2[%dma_wait3A_887, %dma_wait3A_888] : memref<507904x128xf32, #tpu.memory_space<hbm>> -> memref<507904x128xf32, #tpu.memory_space<hbm>>
        tpu.wait_indirect_dma semaphore(%arg12 : memref<!tpu.dma_semaphore, #tpu.memory_space<semaphore_mem>>) src(%dma_wait3A_889 : memref<507904x128xf32, #tpu.memory_space<hbm>>) dst(%dma_wait3A_883 : memref<128x128xf32, #tpu.memory_space<vmem>>)
      } else {
      }
      %rem3A_823 = arith.constant 4 : i32
      %rem3A_824 = arith.remsi %scan3A_791, %rem3A_823 : i32
      %eq3A_825 = arith.constant 3 : i32
      %eq3A_826 = arith.cmpi eq, %rem3A_824, %eq3A_825 : i32
      %convert_element_type3A_827 = arith.extui %eq3A_826 : i1 to i32
      %cond3A_828 = arith.constant 0 : i32
      %cond3A_829 = arith.cmpi ne, %convert_element_type3A_827, %cond3A_828 : i32
      scf.if %cond3A_829 {
        %dma_wait3A_878 = arith.constant 3 : i32
        %dma_wait3A_879 = arith.constant 3 : i32
        %dma_wait3A_880 = arith.constant 0 : i32
        %dma_wait3A_881 = arith.constant 0 : i32
        %dma_wait3A_882 = tpu.memref_slice %arg8[%dma_wait3A_879, %dma_wait3A_880, %dma_wait3A_881] : memref<4x128x128xf32, #tpu.memory_space<vmem>> -> memref<1x128x128xf32, #tpu.memory_space<vmem>>
        %dma_wait3A_883 = tpu.memref_squeeze %dma_wait3A_882 : memref<1x128x128xf32, #tpu.memory_space<vmem>> -> memref<128x128xf32, #tpu.memory_space<vmem>>
        %dma_wait3A_884 = arith.constant 0 : i32
        %dma_wait3A_885 = tpu.memref_slice %arg6[%dma_wait3A_878, %dma_wait3A_884] : memref<4x128xi32, #tpu.memory_space<vmem>> -> memref<1x128xi32, #tpu.memory_space<vmem>>
        %dma_wait3A_886 = tpu.memref_squeeze %dma_wait3A_885 : memref<1x128xi32, #tpu.memory_space<vmem>> -> memref<128xi32, #tpu.memory_space<vmem>>
        %dma_wait3A_887 = arith.constant 0 : i32
        %dma_wait3A_888 = arith.constant 0 : i32
        %dma_wait3A_889 = tpu.memref_slice %arg2[%dma_wait3A_887, %dma_wait3A_888] : memref<507904x128xf32, #tpu.memory_space<hbm>> -> memref<507904x128xf32, #tpu.memory_space<hbm>>
        tpu.wait_indirect_dma semaphore(%arg13 : memref<!tpu.dma_semaphore, #tpu.memory_space<semaphore_mem>>) src(%dma_wait3A_889 : memref<507904x128xf32, #tpu.memory_space<hbm>>) dst(%dma_wait3A_883 : memref<128x128xf32, #tpu.memory_space<vmem>>)
      } else {
      }
      %ge3A = arith.constant 2 : i32
      %ge3A_830 = arith.cmpi sge, %scan3A_791, %ge3A : i32
      %convert_element_type3A_831 = arith.extui %ge3A_830 : i1 to i32
      %cond3A_832 = arith.constant 0 : i32
      %cond3A_833 = arith.cmpi ne, %convert_element_type3A_831, %cond3A_832 : i32
      scf.if %cond3A_833 {
        %sub3A_878 = arith.constant 2 : i32
        %sub3A_879 = arith.subi %scan3A_791, %sub3A_878 : i32
        %mul3A_880 = arith.constant 128 : i32
        %mul3A_881 = arith.muli %sub3A_879, %mul3A_880 : i32
        %add3A_882 = arith.addi %multiple_of3A, %mul3A_881 : i32
        %jit3A_883 = arith.constant 2 : i32
        %div3A_884 = arith.divsi %add3A_882, %jit3A_883 : i32
        %sign3A_885 = arith.constant 0 : i32
        %sign3A_886 = arith.cmpi sgt, %add3A_882, %sign3A_885 : i32
        %sign3A_887 = arith.extui %sign3A_886 : i1 to i32
        %sign3A_888 = arith.constant 0 : i32
        %sign3A_889 = arith.cmpi slt, %add3A_882, %sign3A_888 : i32
        %sign3A_890 = arith.extui %sign3A_889 : i1 to i32
        %sign3A_891 = arith.subi %sign3A_887, %sign3A_890 : i32
        %sign3A_892 = arith.constant 0 : i32
        %sign3A_893 = arith.cmpi sgt, %jit3A_883, %sign3A_892 : i32
        %sign3A_894 = arith.extui %sign3A_893 : i1 to i32
        %sign3A_895 = arith.constant 0 : i32
        %sign3A_896 = arith.cmpi slt, %jit3A_883, %sign3A_895 : i32
        %sign3A_897 = arith.extui %sign3A_896 : i1 to i32
        %sign3A_898 = arith.subi %sign3A_894, %sign3A_897 : i32
        %ne3A_899 = arith.cmpi ne, %sign3A_891, %sign3A_898 : i32
        %rem3A_900 = arith.remsi %add3A_882, %jit3A_883 : i32
        %ne3A_901 = arith.constant 0 : i32
        %ne3A_902 = arith.cmpi ne, %rem3A_900, %ne3A_901 : i32
        %and3A_903 = arith.andi %ne3A_899, %ne3A_902 : i1
        %sub3A_904 = arith.constant 1 : i32
        %sub3A_905 = arith.subi %div3A_884, %sub3A_904 : i32
        %select_n3A_906 = arith.select %and3A_903, %sub3A_905, %div3A_884 : i32
        %multiple_of3A_907 = tpu.assume_multiple %select_n3A_906, 64 : i32
        %dma_wait3A_908 = arith.constant 0 : i32
        %dma_wait3A_909 = arith.constant 0 : i32
        %dma_wait3A_910 = tpu.memref_slice %arg9[%rem3A_795, %dma_wait3A_908, %dma_wait3A_909] : memref<2x64x128xf32, #tpu.memory_space<vmem>> -> memref<1x64x128xf32, #tpu.memory_space<vmem>>
        %dma_wait3A_911 = tpu.memref_squeeze %dma_wait3A_910 : memref<1x64x128xf32, #tpu.memory_space<vmem>> -> memref<64x128xf32, #tpu.memory_space<vmem>>
        %dma_wait3A_912 = arith.constant 0 : i32
        %dma_wait3A_913 = tpu.memref_slice %arg4[%multiple_of3A_907, %dma_wait3A_912] : memref<102400x128xf32, #tpu.memory_space<hbm>> -> memref<64x128xf32, #tpu.memory_space<hbm>>
        %dma_wait3A_914 = arith.constant 0 : i32
        %dma_wait3A_915 = tpu.memref_slice %arg4[%multiple_of3A_907, %dma_wait3A_914] : memref<102400x128xf32, #tpu.memory_space<hbm>> -> memref<64x128xf32, #tpu.memory_space<hbm>>
        %dma_wait3A_916 = arith.constant 0 : i32
        %dma_wait3A_917 = arith.constant 0 : i32
        %dma_wait3A_918 = tpu.memref_slice %arg9[%rem3A_795, %dma_wait3A_916, %dma_wait3A_917] : memref<2x64x128xf32, #tpu.memory_space<vmem>> -> memref<1x64x128xf32, #tpu.memory_space<vmem>>
        %dma_wait3A_919 = tpu.memref_squeeze %dma_wait3A_918 : memref<1x64x128xf32, #tpu.memory_space<vmem>> -> memref<64x128xf32, #tpu.memory_space<vmem>>
        tpu.wait_dma2 semaphore(%arg14 : memref<!tpu.dma_semaphore, #tpu.memory_space<semaphore_mem>>) src(%dma_wait3A_919 : memref<64x128xf32, #tpu.memory_space<vmem>>) dst(%dma_wait3A_915 : memref<64x128xf32, #tpu.memory_space<hbm>>)
      } else {
      }
      %scan3A_834 = arith.constant 0 : i32
      %scan3A_835 = arith.constant 128 : i32
      %scan3A_836 = arith.addi %scan3A_834, %scan3A_835 : i32
      %scan3A_837 = arith.constant 8 : i32
      scf.for %scan3A_878 = %scan3A_834 to %scan3A_836 step %scan3A_837  : i32 {
        %broadcast_in_dim3A = vector.broadcast %scan3A_878 : i32 to vector<16xi32>
        %broadcast_in_dim3A_879 = vector.broadcast %rem3A_793 : i32 to vector<16xi32>
        %gather3A = tpu.vector_load_idx %arg7[%broadcast_in_dim3A_879, %broadcast_in_dim3A] : memref<4x128xi32, #tpu.memory_space<vmem>>[vector<16xi32>, vector<16xi32>], vector<16xi32>,
        %div3A_880 = arith.constant 2 : i32
        %div3A_881 = arith.divsi %scan3A_878, %div3A_880 : i32
        %rem3A_882 = arith.constant 2 : i32
        %rem3A_883 = arith.remsi %scan3A_878, %rem3A_882 : i32
        %mul3A_884 = arith.constant 64 : i32
        %mul3A_885 = arith.muli %rem3A_883, %mul3A_884 : i32
        %add3A_886 = arith.constant 0 : i32
        %add3A_887 = vector.broadcast %add3A_886 : i32 to vector<16xi32>
        %add3A_888 = arith.addi %iota3A, %add3A_887 : vector<16xi32>
        %add3A_889 = arith.addi %gather3A, %add3A_888 : vector<16xi32>
        %broadcast_in_dim3A_890 = vector.broadcast %rem3A_793 : i32 to vector<16xi32>
        %gather3A_891 = tpu.vector_load_idx %arg8[%broadcast_in_dim3A_890, %broadcast_in_dim3A, %add3A_889] : memref<4x128x128xf32, #tpu.memory_space<vmem>>[vector<16xi32>, vector<16xi32>, vector<16xi32>], vector<16xf32>,
        %add3A_892 = arith.constant 0 : i32
        %add3A_893 = arith.addi %mul3A_885, %add3A_892 : i32
        %swap3A_894 = arith.index_cast %rem3A_795 : i32 to index
        %swap3A_895 = arith.index_cast %div3A_881 : i32 to index
        %swap3A_896 = arith.index_cast %add3A_893 : i32 to index
        %swap3A_897 = tpu.vector_load %arg9[%swap3A_894, %swap3A_895, %swap3A_896] {strides = array<i32>} : memref<2x64x128xf32, #tpu.memory_space<vmem>>, vector<16xf32>,
        tpu.vector_store %arg9[%swap3A_894, %swap3A_895, %swap3A_896], %gather3A_891 {strides = array<i32>} : memref<2x64x128xf32, #tpu.memory_space<vmem>>, vector<16xf32>,
        %add3A_898 = arith.constant 16 : i32
        %add3A_899 = vector.broadcast %add3A_898 : i32 to vector<16xi32>
        %add3A_900 = arith.addi %iota3A, %add3A_899 : vector<16xi32>
        %add3A_901 = arith.addi %gather3A, %add3A_900 : vector<16xi32>
        %broadcast_in_dim3A_902 = vector.broadcast %rem3A_793 : i32 to vector<16xi32>
        %gather3A_903 = tpu.vector_load_idx %arg8[%broadcast_in_dim3A_902, %broadcast_in_dim3A, %add3A_901] : memref<4x128x128xf32, #tpu.memory_space<vmem>>[vector<16xi32>, vector<16xi32>, vector<16xi32>], vector<16xf32>,
        %add3A_904 = arith.constant 16 : i32
        %add3A_905 = arith.addi %mul3A_885, %add3A_904 : i32
        %swap3A_906 = arith.index_cast %rem3A_795 : i32 to index
        %swap3A_907 = arith.index_cast %div3A_881 : i32 to index
        %swap3A_908 = arith.index_cast %add3A_905 : i32 to index
        %swap3A_909 = tpu.vector_load %arg9[%swap3A_906, %swap3A_907, %swap3A_908] {strides = array<i32>} : memref<2x64x128xf32, #tpu.memory_space<vmem>>, vector<16xf32>,
        tpu.vector_store %arg9[%swap3A_906, %swap3A_907, %swap3A_908], %gather3A_903 {strides = array<i32>} : memref<2x64x128xf32, #tpu.memory_space<vmem>>, vector<16xf32>,
        %add3A_910 = arith.constant 32 : i32
        %add3A_911 = vector.broadcast %add3A_910 : i32 to vector<16xi32>
        %add3A_912 = arith.addi %iota3A, %add3A_911 : vector<16xi32>
        %add3A_913 = arith.addi %gather3A, %add3A_912 : vector<16xi32>
        %broadcast_in_dim3A_914 = vector.broadcast %rem3A_793 : i32 to vector<16xi32>
        %gather3A_915 = tpu.vector_load_idx %arg8[%broadcast_in_dim3A_914, %broadcast_in_dim3A, %add3A_913] : memref<4x128x128xf32, #tpu.memory_space<vmem>>[vector<16xi32>, vector<16xi32>, vector<16xi32>], vector<16xf32>,
        %add3A_916 = arith.constant 32 : i32
        %add3A_917 = arith.addi %mul3A_885, %add3A_916 : i32
        %swap3A_918 = arith.index_cast %rem3A_795 : i32 to index
        %swap3A_919 = arith.index_cast %div3A_881 : i32 to index
        %swap3A_920 = arith.index_cast %add3A_917 : i32 to index
        %swap3A_921 = tpu.vector_load %arg9[%swap3A_918, %swap3A_919, %swap3A_920] {strides = array<i32>} : memref<2x64x128xf32, #tpu.memory_space<vmem>>, vector<16xf32>,
        tpu.vector_store %arg9[%swap3A_918, %swap3A_919, %swap3A_920], %gather3A_915 {strides = array<i32>} : memref<2x64x128xf32, #tpu.memory_space<vmem>>, vector<16xf32>,
        %add3A_922 = arith.constant 48 : i32
        %add3A_923 = vector.broadcast %add3A_922 : i32 to vector<16xi32>
        %add3A_924 = arith.addi %iota3A, %add3A_923 : vector<16xi32>
        %add3A_925 = arith.addi %gather3A, %add3A_924 : vector<16xi32>
        %broadcast_in_dim3A_926 = vector.broadcast %rem3A_793 : i32 to vector<16xi32>
        %gather3A_927 = tpu.vector_load_idx %arg8[%broadcast_in_dim3A_926, %broadcast_in_dim3A, %add3A_925] : memref<4x128x128xf32, #tpu.memory_space<vmem>>[vector<16xi32>, vector<16xi32>, vector<16xi32>], vector<16xf32>,
        %add3A_928 = arith.constant 48 : i32
        %add3A_929 = arith.addi %mul3A_885, %add3A_928 : i32
        %swap3A_930 = arith.index_cast %rem3A_795 : i32 to index
        %swap3A_931 = arith.index_cast %div3A_881 : i32 to index
        %swap3A_932 = arith.index_cast %add3A_929 : i32 to index
        %swap3A_933 = tpu.vector_load %arg9[%swap3A_930, %swap3A_931, %swap3A_932] {strides = array<i32>} : memref<2x64x128xf32, #tpu.memory_space<vmem>>, vector<16xf32>,
        tpu.vector_store %arg9[%swap3A_930, %swap3A_931, %swap3A_932], %gather3A_927 {strides = array<i32>} : memref<2x64x128xf32, #tpu.memory_space<vmem>>, vector<16xf32>,
        %scan3A_934 = arith.constant 1 : i32
        %scan3A_935 = arith.addi %scan3A_878, %scan3A_934 : i32
        %broadcast_in_dim3A_936 = vector.broadcast %scan3A_935 : i32 to vector<16xi32>
        %broadcast_in_dim3A_937 = vector.broadcast %rem3A_793 : i32 to vector<16xi32>
        %gather3A_938 = tpu.vector_load_idx %arg7[%broadcast_in_dim3A_937, %broadcast_in_dim3A_936] : memref<4x128xi32, #tpu.memory_space<vmem>>[vector<16xi32>, vector<16xi32>], vector<16xi32>,
        %div3A_939 = arith.constant 2 : i32
        %div3A_940 = arith.divsi %scan3A_935, %div3A_939 : i32
        %rem3A_941 = arith.constant 2 : i32
        %rem3A_942 = arith.remsi %scan3A_935, %rem3A_941 : i32
        %mul3A_943 = arith.constant 64 : i32
        %mul3A_944 = arith.muli %rem3A_942, %mul3A_943 : i32
        %add3A_945 = arith.constant 0 : i32
        %add3A_946 = vector.broadcast %add3A_945 : i32 to vector<16xi32>
        %add3A_947 = arith.addi %iota3A, %add3A_946 : vector<16xi32>
        %add3A_948 = arith.addi %gather3A_938, %add3A_947 : vector<16xi32>
        %broadcast_in_dim3A_949 = vector.broadcast %rem3A_793 : i32 to vector<16xi32>
        %gather3A_950 = tpu.vector_load_idx %arg8[%broadcast_in_dim3A_949, %broadcast_in_dim3A_936, %add3A_948] : memref<4x128x128xf32, #tpu.memory_space<vmem>>[vector<16xi32>, vector<16xi32>, vector<16xi32>], vector<16xf32>,
        %add3A_951 = arith.constant 0 : i32
        %add3A_952 = arith.addi %mul3A_944, %add3A_951 : i32
        %swap3A_953 = arith.index_cast %rem3A_795 : i32 to index
        %swap3A_954 = arith.index_cast %div3A_940 : i32 to index
        %swap3A_955 = arith.index_cast %add3A_952 : i32 to index
        %swap3A_956 = tpu.vector_load %arg9[%swap3A_953, %swap3A_954, %swap3A_955] {strides = array<i32>} : memref<2x64x128xf32, #tpu.memory_space<vmem>>, vector<16xf32>,
        tpu.vector_store %arg9[%swap3A_953, %swap3A_954, %swap3A_955], %gather3A_950 {strides = array<i32>} : memref<2x64x128xf32, #tpu.memory_space<vmem>>, vector<16xf32>,
        %add3A_957 = arith.constant 16 : i32
        %add3A_958 = vector.broadcast %add3A_957 : i32 to vector<16xi32>
        %add3A_959 = arith.addi %iota3A, %add3A_958 : vector<16xi32>
        %add3A_960 = arith.addi %gather3A_938, %add3A_959 : vector<16xi32>
        %broadcast_in_dim3A_961 = vector.broadcast %rem3A_793 : i32 to vector<16xi32>
        %gather3A_962 = tpu.vector_load_idx %arg8[%broadcast_in_dim3A_961, %broadcast_in_dim3A_936, %add3A_960] : memref<4x128x128xf32, #tpu.memory_space<vmem>>[vector<16xi32>, vector<16xi32>, vector<16xi32>], vector<16xf32>,
        %add3A_963 = arith.constant 16 : i32
        %add3A_964 = arith.addi %mul3A_944, %add3A_963 : i32
        %swap3A_965 = arith.index_cast %rem3A_795 : i32 to index
        %swap3A_966 = arith.index_cast %div3A_940 : i32 to index
        %swap3A_967 = arith.index_cast %add3A_964 : i32 to index
        %swap3A_968 = tpu.vector_load %arg9[%swap3A_965, %swap3A_966, %swap3A_967] {strides = array<i32>} : memref<2x64x128xf32, #tpu.memory_space<vmem>>, vector<16xf32>,
        tpu.vector_store %arg9[%swap3A_965, %swap3A_966, %swap3A_967], %gather3A_962 {strides = array<i32>} : memref<2x64x128xf32, #tpu.memory_space<vmem>>, vector<16xf32>,
        %add3A_969 = arith.constant 32 : i32
        %add3A_970 = vector.broadcast %add3A_969 : i32 to vector<16xi32>
        %add3A_971 = arith.addi %iota3A, %add3A_970 : vector<16xi32>
        %add3A_972 = arith.addi %gather3A_938, %add3A_971 : vector<16xi32>
        %broadcast_in_dim3A_973 = vector.broadcast %rem3A_793 : i32 to vector<16xi32>
        %gather3A_974 = tpu.vector_load_idx %arg8[%broadcast_in_dim3A_973, %broadcast_in_dim3A_936, %add3A_972] : memref<4x128x128xf32, #tpu.memory_space<vmem>>[vector<16xi32>, vector<16xi32>, vector<16xi32>], vector<16xf32>,
        %add3A_975 = arith.constant 32 : i32
        %add3A_976 = arith.addi %mul3A_944, %add3A_975 : i32
        %swap3A_977 = arith.index_cast %rem3A_795 : i32 to index
        %swap3A_978 = arith.index_cast %div3A_940 : i32 to index
        %swap3A_979 = arith.index_cast %add3A_976 : i32 to index
        %swap3A_980 = tpu.vector_load %arg9[%swap3A_977, %swap3A_978, %swap3A_979] {strides = array<i32>} : memref<2x64x128xf32, #tpu.memory_space<vmem>>, vector<16xf32>,
        tpu.vector_store %arg9[%swap3A_977, %swap3A_978, %swap3A_979], %gather3A_974 {strides = array<i32>} : memref<2x64x128xf32, #tpu.memory_space<vmem>>, vector<16xf32>,
        %add3A_981 = arith.constant 48 : i32
        %add3A_982 = vector.broadcast %add3A_981 : i32 to vector<16xi32>
        %add3A_983 = arith.addi %iota3A, %add3A_982 : vector<16xi32>
        %add3A_984 = arith.addi %gather3A_938, %add3A_983 : vector<16xi32>
        %broadcast_in_dim3A_985 = vector.broadcast %rem3A_793 : i32 to vector<16xi32>
        %gather3A_986 = tpu.vector_load_idx %arg8[%broadcast_in_dim3A_985, %broadcast_in_dim3A_936, %add3A_984] : memref<4x128x128xf32, #tpu.memory_space<vmem>>[vector<16xi32>, vector<16xi32>, vector<16xi32>], vector<16xf32>,
        %add3A_987 = arith.constant 48 : i32
        %add3A_988 = arith.addi %mul3A_944, %add3A_987 : i32
        %swap3A_989 = arith.index_cast %rem3A_795 : i32 to index
        %swap3A_990 = arith.index_cast %div3A_940 : i32 to index
        %swap3A_991 = arith.index_cast %add3A_988 : i32 to index
        %swap3A_992 = tpu.vector_load %arg9[%swap3A_989, %swap3A_990, %swap3A_991] {strides = array<i32>} : memref<2x64x128xf32, #tpu.memory_space<vmem>>, vector<16xf32>,
        tpu.vector_store %arg9[%swap3A_989, %swap3A_990, %swap3A_991], %gather3A_986 {strides = array<i32>} : memref<2x64x128xf32, #tpu.memory_space<vmem>>, vector<16xf32>,
        %scan3A_993 = arith.constant 2 : i32
        %scan3A_994 = arith.addi %scan3A_878, %scan3A_993 : i32
        %broadcast_in_dim3A_995 = vector.broadcast %scan3A_994 : i32 to vector<16xi32>
        %broadcast_in_dim3A_996 = vector.broadcast %rem3A_793 : i32 to vector<16xi32>
        %gather3A_997 = tpu.vector_load_idx %arg7[%broadcast_in_dim3A_996, %broadcast_in_dim3A_995] : memref<4x128xi32, #tpu.memory_space<vmem>>[vector<16xi32>, vector<16xi32>], vector<16xi32>,
        %div3A_998 = arith.constant 2 : i32
        %div3A_999 = arith.divsi %scan3A_994, %div3A_998 : i32
        %rem3A_1000 = arith.constant 2 : i32
        %rem3A_1001 = arith.remsi %scan3A_994, %rem3A_1000 : i32
        %mul3A_1002 = arith.constant 64 : i32
        %mul3A_1003 = arith.muli %rem3A_1001, %mul3A_1002 : i32
        %add3A_1004 = arith.constant 0 : i32
        %add3A_1005 = vector.broadcast %add3A_1004 : i32 to vector<16xi32>
        %add3A_1006 = arith.addi %iota3A, %add3A_1005 : vector<16xi32>
        %add3A_1007 = arith.addi %gather3A_997, %add3A_1006 : vector<16xi32>
        %broadcast_in_dim3A_1008 = vector.broadcast %rem3A_793 : i32 to vector<16xi32>
        %gather3A_1009 = tpu.vector_load_idx %arg8[%broadcast_in_dim3A_1008, %broadcast_in_dim3A_995, %add3A_1007] : memref<4x128x128xf32, #tpu.memory_space<vmem>>[vector<16xi32>, vector<16xi32>, vector<16xi32>], vector<16xf32>,
        %add3A_1010 = arith.constant 0 : i32
        %add3A_1011 = arith.addi %mul3A_1003, %add3A_1010 : i32
        %swap3A_1012 = arith.index_cast %rem3A_795 : i32 to index
        %swap3A_1013 = arith.index_cast %div3A_999 : i32 to index
        %swap3A_1014 = arith.index_cast %add3A_1011 : i32 to index
        %swap3A_1015 = tpu.vector_load %arg9[%swap3A_1012, %swap3A_1013, %swap3A_1014] {strides = array<i32>} : memref<2x64x128xf32, #tpu.memory_space<vmem>>, vector<16xf32>,
        tpu.vector_store %arg9[%swap3A_1012, %swap3A_1013, %swap3A_1014], %gather3A_1009 {strides = array<i32>} : memref<2x64x128xf32, #tpu.memory_space<vmem>>, vector<16xf32>,
        %add3A_1016 = arith.constant 16 : i32
        %add3A_1017 = vector.broadcast %add3A_1016 : i32 to vector<16xi32>
        %add3A_1018 = arith.addi %iota3A, %add3A_1017 : vector<16xi32>
        %add3A_1019 = arith.addi %gather3A_997, %add3A_1018 : vector<16xi32>
        %broadcast_in_dim3A_1020 = vector.broadcast %rem3A_793 : i32 to vector<16xi32>
        %gather3A_1021 = tpu.vector_load_idx %arg8[%broadcast_in_dim3A_1020, %broadcast_in_dim3A_995, %add3A_1019] : memref<4x128x128xf32, #tpu.memory_space<vmem>>[vector<16xi32>, vector<16xi32>, vector<16xi32>], vector<16xf32>,
        %add3A_1022 = arith.constant 16 : i32
        %add3A_1023 = arith.addi %mul3A_1003, %add3A_1022 : i32
        %swap3A_1024 = arith.index_cast %rem3A_795 : i32 to index
        %swap3A_1025 = arith.index_cast %div3A_999 : i32 to index
        %swap3A_1026 = arith.index_cast %add3A_1023 : i32 to index
        %swap3A_1027 = tpu.vector_load %arg9[%swap3A_1024, %swap3A_1025, %swap3A_1026] {strides = array<i32>} : memref<2x64x128xf32, #tpu.memory_space<vmem>>, vector<16xf32>,
        tpu.vector_store %arg9[%swap3A_1024, %swap3A_1025, %swap3A_1026], %gather3A_1021 {strides = array<i32>} : memref<2x64x128xf32, #tpu.memory_space<vmem>>, vector<16xf32>,
        %add3A_1028 = arith.constant 32 : i32
        %add3A_1029 = vector.broadcast %add3A_1028 : i32 to vector<16xi32>
        %add3A_1030 = arith.addi %iota3A, %add3A_1029 : vector<16xi32>
        %add3A_1031 = arith.addi %gather3A_997, %add3A_1030 : vector<16xi32>
        %broadcast_in_dim3A_1032 = vector.broadcast %rem3A_793 : i32 to vector<16xi32>
        %gather3A_1033 = tpu.vector_load_idx %arg8[%broadcast_in_dim3A_1032, %broadcast_in_dim3A_995, %add3A_1031] : memref<4x128x128xf32, #tpu.memory_space<vmem>>[vector<16xi32>, vector<16xi32>, vector<16xi32>], vector<16xf32>,
        %add3A_1034 = arith.constant 32 : i32
        %add3A_1035 = arith.addi %mul3A_1003, %add3A_1034 : i32
        %swap3A_1036 = arith.index_cast %rem3A_795 : i32 to index
        %swap3A_1037 = arith.index_cast %div3A_999 : i32 to index
        %swap3A_1038 = arith.index_cast %add3A_1035 : i32 to index
        %swap3A_1039 = tpu.vector_load %arg9[%swap3A_1036, %swap3A_1037, %swap3A_1038] {strides = array<i32>} : memref<2x64x128xf32, #tpu.memory_space<vmem>>, vector<16xf32>,
        tpu.vector_store %arg9[%swap3A_1036, %swap3A_1037, %swap3A_1038], %gather3A_1033 {strides = array<i32>} : memref<2x64x128xf32, #tpu.memory_space<vmem>>, vector<16xf32>,
        %add3A_1040 = arith.constant 48 : i32
        %add3A_1041 = vector.broadcast %add3A_1040 : i32 to vector<16xi32>
        %add3A_1042 = arith.addi %iota3A, %add3A_1041 : vector<16xi32>
        %add3A_1043 = arith.addi %gather3A_997, %add3A_1042 : vector<16xi32>
        %broadcast_in_dim3A_1044 = vector.broadcast %rem3A_793 : i32 to vector<16xi32>
        %gather3A_1045 = tpu.vector_load_idx %arg8[%broadcast_in_dim3A_1044, %broadcast_in_dim3A_995, %add3A_1043] : memref<4x128x128xf32, #tpu.memory_space<vmem>>[vector<16xi32>, vector<16xi32>, vector<16xi32>], vector<16xf32>,
        %add3A_1046 = arith.constant 48 : i32
        %add3A_1047 = arith.addi %mul3A_1003, %add3A_1046 : i32
        %swap3A_1048 = arith.index_cast %rem3A_795 : i32 to index
        %swap3A_1049 = arith.index_cast %div3A_999 : i32 to index
        %swap3A_1050 = arith.index_cast %add3A_1047 : i32 to index
        %swap3A_1051 = tpu.vector_load %arg9[%swap3A_1048, %swap3A_1049, %swap3A_1050] {strides = array<i32>} : memref<2x64x128xf32, #tpu.memory_space<vmem>>, vector<16xf32>,
        tpu.vector_store %arg9[%swap3A_1048, %swap3A_1049, %swap3A_1050], %gather3A_1045 {strides = array<i32>} : memref<2x64x128xf32, #tpu.memory_space<vmem>>, vector<16xf32>,
        %scan3A_1052 = arith.constant 3 : i32
        %scan3A_1053 = arith.addi %scan3A_878, %scan3A_1052 : i32
        %broadcast_in_dim3A_1054 = vector.broadcast %scan3A_1053 : i32 to vector<16xi32>
        %broadcast_in_dim3A_1055 = vector.broadcast %rem3A_793 : i32 to vector<16xi32>
        %gather3A_1056 = tpu.vector_load_idx %arg7[%broadcast_in_dim3A_1055, %broadcast_in_dim3A_1054] : memref<4x128xi32, #tpu.memory_space<vmem>>[vector<16xi32>, vector<16xi32>], vector<16xi32>,
        %div3A_1057 = arith.constant 2 : i32
        %div3A_1058 = arith.divsi %scan3A_1053, %div3A_1057 : i32
        %rem3A_1059 = arith.constant 2 : i32
        %rem3A_1060 = arith.remsi %scan3A_1053, %rem3A_1059 : i32
        %mul3A_1061 = arith.constant 64 : i32
        %mul3A_1062 = arith.muli %rem3A_1060, %mul3A_1061 : i32
        %add3A_1063 = arith.constant 0 : i32
        %add3A_1064 = vector.broadcast %add3A_1063 : i32 to vector<16xi32>
        %add3A_1065 = arith.addi %iota3A, %add3A_1064 : vector<16xi32>
        %add3A_1066 = arith.addi %gather3A_1056, %add3A_1065 : vector<16xi32>
        %broadcast_in_dim3A_1067 = vector.broadcast %rem3A_793 : i32 to vector<16xi32>
        %gather3A_1068 = tpu.vector_load_idx %arg8[%broadcast_in_dim3A_1067, %broadcast_in_dim3A_1054, %add3A_1066] : memref<4x128x128xf32, #tpu.memory_space<vmem>>[vector<16xi32>, vector<16xi32>, vector<16xi32>], vector<16xf32>,
        %add3A_1069 = arith.constant 0 : i32
        %add3A_1070 = arith.addi %mul3A_1062, %add3A_1069 : i32
        %swap3A_1071 = arith.index_cast %rem3A_795 : i32 to index
        %swap3A_1072 = arith.index_cast %div3A_1058 : i32 to index
        %swap3A_1073 = arith.index_cast %add3A_1070 : i32 to index
        %swap3A_1074 = tpu.vector_load %arg9[%swap3A_1071, %swap3A_1072, %swap3A_1073] {strides = array<i32>} : memref<2x64x128xf32, #tpu.memory_space<vmem>>, vector<16xf32>,
        tpu.vector_store %arg9[%swap3A_1071, %swap3A_1072, %swap3A_1073], %gather3A_1068 {strides = array<i32>} : memref<2x64x128xf32, #tpu.memory_space<vmem>>, vector<16xf32>,
        %add3A_1075 = arith.constant 16 : i32
        %add3A_1076 = vector.broadcast %add3A_1075 : i32 to vector<16xi32>
        %add3A_1077 = arith.addi %iota3A, %add3A_1076 : vector<16xi32>
        %add3A_1078 = arith.addi %gather3A_1056, %add3A_1077 : vector<16xi32>
        %broadcast_in_dim3A_1079 = vector.broadcast %rem3A_793 : i32 to vector<16xi32>
        %gather3A_1080 = tpu.vector_load_idx %arg8[%broadcast_in_dim3A_1079, %broadcast_in_dim3A_1054, %add3A_1078] : memref<4x128x128xf32, #tpu.memory_space<vmem>>[vector<16xi32>, vector<16xi32>, vector<16xi32>], vector<16xf32>,
        %add3A_1081 = arith.constant 16 : i32
        %add3A_1082 = arith.addi %mul3A_1062, %add3A_1081 : i32
        %swap3A_1083 = arith.index_cast %rem3A_795 : i32 to index
        %swap3A_1084 = arith.index_cast %div3A_1058 : i32 to index
        %swap3A_1085 = arith.index_cast %add3A_1082 : i32 to index
        %swap3A_1086 = tpu.vector_load %arg9[%swap3A_1083, %swap3A_1084, %swap3A_1085] {strides = array<i32>} : memref<2x64x128xf32, #tpu.memory_space<vmem>>, vector<16xf32>,
        tpu.vector_store %arg9[%swap3A_1083, %swap3A_1084, %swap3A_1085], %gather3A_1080 {strides = array<i32>} : memref<2x64x128xf32, #tpu.memory_space<vmem>>, vector<16xf32>,
        %add3A_1087 = arith.constant 32 : i32
        %add3A_1088 = vector.broadcast %add3A_1087 : i32 to vector<16xi32>
        %add3A_1089 = arith.addi %iota3A, %add3A_1088 : vector<16xi32>
        %add3A_1090 = arith.addi %gather3A_1056, %add3A_1089 : vector<16xi32>
        %broadcast_in_dim3A_1091 = vector.broadcast %rem3A_793 : i32 to vector<16xi32>
        %gather3A_1092 = tpu.vector_load_idx %arg8[%broadcast_in_dim3A_1091, %broadcast_in_dim3A_1054, %add3A_1090] : memref<4x128x128xf32, #tpu.memory_space<vmem>>[vector<16xi32>, vector<16xi32>, vector<16xi32>], vector<16xf32>,
        %add3A_1093 = arith.constant 32 : i32
        %add3A_1094 = arith.addi %mul3A_1062, %add3A_1093 : i32
        %swap3A_1095 = arith.index_cast %rem3A_795 : i32 to index
        %swap3A_1096 = arith.index_cast %div3A_1058 : i32 to index
        %swap3A_1097 = arith.index_cast %add3A_1094 : i32 to index
        %swap3A_1098 = tpu.vector_load %arg9[%swap3A_1095, %swap3A_1096, %swap3A_1097] {strides = array<i32>} : memref<2x64x128xf32, #tpu.memory_space<vmem>>, vector<16xf32>,
        tpu.vector_store %arg9[%swap3A_1095, %swap3A_1096, %swap3A_1097], %gather3A_1092 {strides = array<i32>} : memref<2x64x128xf32, #tpu.memory_space<vmem>>, vector<16xf32>,
        %add3A_1099 = arith.constant 48 : i32
        %add3A_1100 = vector.broadcast %add3A_1099 : i32 to vector<16xi32>
        %add3A_1101 = arith.addi %iota3A, %add3A_1100 : vector<16xi32>
        %add3A_1102 = arith.addi %gather3A_1056, %add3A_1101 : vector<16xi32>
        %broadcast_in_dim3A_1103 = vector.broadcast %rem3A_793 : i32 to vector<16xi32>
        %gather3A_1104 = tpu.vector_load_idx %arg8[%broadcast_in_dim3A_1103, %broadcast_in_dim3A_1054, %add3A_1102] : memref<4x128x128xf32, #tpu.memory_space<vmem>>[vector<16xi32>, vector<16xi32>, vector<16xi32>], vector<16xf32>,
        %add3A_1105 = arith.constant 48 : i32
        %add3A_1106 = arith.addi %mul3A_1062, %add3A_1105 : i32
        %swap3A_1107 = arith.index_cast %rem3A_795 : i32 to index
        %swap3A_1108 = arith.index_cast %div3A_1058 : i32 to index
        %swap3A_1109 = arith.index_cast %add3A_1106 : i32 to index
        %swap3A_1110 = tpu.vector_load %arg9[%swap3A_1107, %swap3A_1108, %swap3A_1109] {strides = array<i32>} : memref<2x64x128xf32, #tpu.memory_space<vmem>>, vector<16xf32>,
        tpu.vector_store %arg9[%swap3A_1107, %swap3A_1108, %swap3A_1109], %gather3A_1104 {strides = array<i32>} : memref<2x64x128xf32, #tpu.memory_space<vmem>>, vector<16xf32>,
        %scan3A_1111 = arith.constant 4 : i32
        %scan3A_1112 = arith.addi %scan3A_878, %scan3A_1111 : i32
        %broadcast_in_dim3A_1113 = vector.broadcast %scan3A_1112 : i32 to vector<16xi32>
        %broadcast_in_dim3A_1114 = vector.broadcast %rem3A_793 : i32 to vector<16xi32>
        %gather3A_1115 = tpu.vector_load_idx %arg7[%broadcast_in_dim3A_1114, %broadcast_in_dim3A_1113] : memref<4x128xi32, #tpu.memory_space<vmem>>[vector<16xi32>, vector<16xi32>], vector<16xi32>,
        %div3A_1116 = arith.constant 2 : i32
        %div3A_1117 = arith.divsi %scan3A_1112, %div3A_1116 : i32
        %rem3A_1118 = arith.constant 2 : i32
        %rem3A_1119 = arith.remsi %scan3A_1112, %rem3A_1118 : i32
        %mul3A_1120 = arith.constant 64 : i32
        %mul3A_1121 = arith.muli %rem3A_1119, %mul3A_1120 : i32
        %add3A_1122 = arith.constant 0 : i32
        %add3A_1123 = vector.broadcast %add3A_1122 : i32 to vector<16xi32>
        %add3A_1124 = arith.addi %iota3A, %add3A_1123 : vector<16xi32>
        %add3A_1125 = arith.addi %gather3A_1115, %add3A_1124 : vector<16xi32>
        %broadcast_in_dim3A_1126 = vector.broadcast %rem3A_793 : i32 to vector<16xi32>
        %gather3A_1127 = tpu.vector_load_idx %arg8[%broadcast_in_dim3A_1126, %broadcast_in_dim3A_1113, %add3A_1125] : memref<4x128x128xf32, #tpu.memory_space<vmem>>[vector<16xi32>, vector<16xi32>, vector<16xi32>], vector<16xf32>,
        %add3A_1128 = arith.constant 0 : i32
        %add3A_1129 = arith.addi %mul3A_1121, %add3A_1128 : i32
        %swap3A_1130 = arith.index_cast %rem3A_795 : i32 to index
        %swap3A_1131 = arith.index_cast %div3A_1117 : i32 to index
        %swap3A_1132 = arith.index_cast %add3A_1129 : i32 to index
        %swap3A_1133 = tpu.vector_load %arg9[%swap3A_1130, %swap3A_1131, %swap3A_1132] {strides = array<i32>} : memref<2x64x128xf32, #tpu.memory_space<vmem>>, vector<16xf32>,
        tpu.vector_store %arg9[%swap3A_1130, %swap3A_1131, %swap3A_1132], %gather3A_1127 {strides = array<i32>} : memref<2x64x128xf32, #tpu.memory_space<vmem>>, vector<16xf32>,
        %add3A_1134 = arith.constant 16 : i32
        %add3A_1135 = vector.broadcast %add3A_1134 : i32 to vector<16xi32>
        %add3A_1136 = arith.addi %iota3A, %add3A_1135 : vector<16xi32>
        %add3A_1137 = arith.addi %gather3A_1115, %add3A_1136 : vector<16xi32>
        %broadcast_in_dim3A_1138 = vector.broadcast %rem3A_793 : i32 to vector<16xi32>
        %gather3A_1139 = tpu.vector_load_idx %arg8[%broadcast_in_dim3A_1138, %broadcast_in_dim3A_1113, %add3A_1137] : memref<4x128x128xf32, #tpu.memory_space<vmem>>[vector<16xi32>, vector<16xi32>, vector<16xi32>], vector<16xf32>,
        %add3A_1140 = arith.constant 16 : i32
        %add3A_1141 = arith.addi %mul3A_1121, %add3A_1140 : i32
        %swap3A_1142 = arith.index_cast %rem3A_795 : i32 to index
        %swap3A_1143 = arith.index_cast %div3A_1117 : i32 to index
        %swap3A_1144 = arith.index_cast %add3A_1141 : i32 to index
        %swap3A_1145 = tpu.vector_load %arg9[%swap3A_1142, %swap3A_1143, %swap3A_1144] {strides = array<i32>} : memref<2x64x128xf32, #tpu.memory_space<vmem>>, vector<16xf32>,
        tpu.vector_store %arg9[%swap3A_1142, %swap3A_1143, %swap3A_1144], %gather3A_1139 {strides = array<i32>} : memref<2x64x128xf32, #tpu.memory_space<vmem>>, vector<16xf32>,
        %add3A_1146 = arith.constant 32 : i32
        %add3A_1147 = vector.broadcast %add3A_1146 : i32 to vector<16xi32>
        %add3A_1148 = arith.addi %iota3A, %add3A_1147 : vector<16xi32>
        %add3A_1149 = arith.addi %gather3A_1115, %add3A_1148 : vector<16xi32>
        %broadcast_in_dim3A_1150 = vector.broadcast %rem3A_793 : i32 to vector<16xi32>
        %gather3A_1151 = tpu.vector_load_idx %arg8[%broadcast_in_dim3A_1150, %broadcast_in_dim3A_1113, %add3A_1149] : memref<4x128x128xf32, #tpu.memory_space<vmem>>[vector<16xi32>, vector<16xi32>, vector<16xi32>], vector<16xf32>,
        %add3A_1152 = arith.constant 32 : i32
        %add3A_1153 = arith.addi %mul3A_1121, %add3A_1152 : i32
        %swap3A_1154 = arith.index_cast %rem3A_795 : i32 to index
        %swap3A_1155 = arith.index_cast %div3A_1117 : i32 to index
        %swap3A_1156 = arith.index_cast %add3A_1153 : i32 to index
        %swap3A_1157 = tpu.vector_load %arg9[%swap3A_1154, %swap3A_1155, %swap3A_1156] {strides = array<i32>} : memref<2x64x128xf32, #tpu.memory_space<vmem>>, vector<16xf32>,
        tpu.vector_store %arg9[%swap3A_1154, %swap3A_1155, %swap3A_1156], %gather3A_1151 {strides = array<i32>} : memref<2x64x128xf32, #tpu.memory_space<vmem>>, vector<16xf32>,
        %add3A_1158 = arith.constant 48 : i32
        %add3A_1159 = vector.broadcast %add3A_1158 : i32 to vector<16xi32>
        %add3A_1160 = arith.addi %iota3A, %add3A_1159 : vector<16xi32>
        %add3A_1161 = arith.addi %gather3A_1115, %add3A_1160 : vector<16xi32>
        %broadcast_in_dim3A_1162 = vector.broadcast %rem3A_793 : i32 to vector<16xi32>
        %gather3A_1163 = tpu.vector_load_idx %arg8[%broadcast_in_dim3A_1162, %broadcast_in_dim3A_1113, %add3A_1161] : memref<4x128x128xf32, #tpu.memory_space<vmem>>[vector<16xi32>, vector<16xi32>, vector<16xi32>], vector<16xf32>,
        %add3A_1164 = arith.constant 48 : i32
        %add3A_1165 = arith.addi %mul3A_1121, %add3A_1164 : i32
        %swap3A_1166 = arith.index_cast %rem3A_795 : i32 to index
        %swap3A_1167 = arith.index_cast %div3A_1117 : i32 to index
        %swap3A_1168 = arith.index_cast %add3A_1165 : i32 to index
        %swap3A_1169 = tpu.vector_load %arg9[%swap3A_1166, %swap3A_1167, %swap3A_1168] {strides = array<i32>} : memref<2x64x128xf32, #tpu.memory_space<vmem>>, vector<16xf32>,
        tpu.vector_store %arg9[%swap3A_1166, %swap3A_1167, %swap3A_1168], %gather3A_1163 {strides = array<i32>} : memref<2x64x128xf32, #tpu.memory_space<vmem>>, vector<16xf32>,
        %scan3A_1170 = arith.constant 5 : i32
        %scan3A_1171 = arith.addi %scan3A_878, %scan3A_1170 : i32
        %broadcast_in_dim3A_1172 = vector.broadcast %scan3A_1171 : i32 to vector<16xi32>
        %broadcast_in_dim3A_1173 = vector.broadcast %rem3A_793 : i32 to vector<16xi32>
        %gather3A_1174 = tpu.vector_load_idx %arg7[%broadcast_in_dim3A_1173, %broadcast_in_dim3A_1172] : memref<4x128xi32, #tpu.memory_space<vmem>>[vector<16xi32>, vector<16xi32>], vector<16xi32>,
        %div3A_1175 = arith.constant 2 : i32
        %div3A_1176 = arith.divsi %scan3A_1171, %div3A_1175 : i32
        %rem3A_1177 = arith.constant 2 : i32
        %rem3A_1178 = arith.remsi %scan3A_1171, %rem3A_1177 : i32
        %mul3A_1179 = arith.constant 64 : i32
        %mul3A_1180 = arith.muli %rem3A_1178, %mul3A_1179 : i32
        %add3A_1181 = arith.constant 0 : i32
        %add3A_1182 = vector.broadcast %add3A_1181 : i32 to vector<16xi32>
        %add3A_1183 = arith.addi %iota3A, %add3A_1182 : vector<16xi32>
        %add3A_1184 = arith.addi %gather3A_1174, %add3A_1183 : vector<16xi32>
        %broadcast_in_dim3A_1185 = vector.broadcast %rem3A_793 : i32 to vector<16xi32>
        %gather3A_1186 = tpu.vector_load_idx %arg8[%broadcast_in_dim3A_1185, %broadcast_in_dim3A_1172, %add3A_1184] : memref<4x128x128xf32, #tpu.memory_space<vmem>>[vector<16xi32>, vector<16xi32>, vector<16xi32>], vector<16xf32>,
        %add3A_1187 = arith.constant 0 : i32
        %add3A_1188 = arith.addi %mul3A_1180, %add3A_1187 : i32
        %swap3A_1189 = arith.index_cast %rem3A_795 : i32 to index
        %swap3A_1190 = arith.index_cast %div3A_1176 : i32 to index
        %swap3A_1191 = arith.index_cast %add3A_1188 : i32 to index
        %swap3A_1192 = tpu.vector_load %arg9[%swap3A_1189, %swap3A_1190, %swap3A_1191] {strides = array<i32>} : memref<2x64x128xf32, #tpu.memory_space<vmem>>, vector<16xf32>,
        tpu.vector_store %arg9[%swap3A_1189, %swap3A_1190, %swap3A_1191], %gather3A_1186 {strides = array<i32>} : memref<2x64x128xf32, #tpu.memory_space<vmem>>, vector<16xf32>,
        %add3A_1193 = arith.constant 16 : i32
        %add3A_1194 = vector.broadcast %add3A_1193 : i32 to vector<16xi32>
        %add3A_1195 = arith.addi %iota3A, %add3A_1194 : vector<16xi32>
        %add3A_1196 = arith.addi %gather3A_1174, %add3A_1195 : vector<16xi32>
        %broadcast_in_dim3A_1197 = vector.broadcast %rem3A_793 : i32 to vector<16xi32>
        %gather3A_1198 = tpu.vector_load_idx %arg8[%broadcast_in_dim3A_1197, %broadcast_in_dim3A_1172, %add3A_1196] : memref<4x128x128xf32, #tpu.memory_space<vmem>>[vector<16xi32>, vector<16xi32>, vector<16xi32>], vector<16xf32>,
        %add3A_1199 = arith.constant 16 : i32
        %add3A_1200 = arith.addi %mul3A_1180, %add3A_1199 : i32
        %swap3A_1201 = arith.index_cast %rem3A_795 : i32 to index
        %swap3A_1202 = arith.index_cast %div3A_1176 : i32 to index
        %swap3A_1203 = arith.index_cast %add3A_1200 : i32 to index
        %swap3A_1204 = tpu.vector_load %arg9[%swap3A_1201, %swap3A_1202, %swap3A_1203] {strides = array<i32>} : memref<2x64x128xf32, #tpu.memory_space<vmem>>, vector<16xf32>,
        tpu.vector_store %arg9[%swap3A_1201, %swap3A_1202, %swap3A_1203], %gather3A_1198 {strides = array<i32>} : memref<2x64x128xf32, #tpu.memory_space<vmem>>, vector<16xf32>,
        %add3A_1205 = arith.constant 32 : i32
        %add3A_1206 = vector.broadcast %add3A_1205 : i32 to vector<16xi32>
        %add3A_1207 = arith.addi %iota3A, %add3A_1206 : vector<16xi32>
        %add3A_1208 = arith.addi %gather3A_1174, %add3A_1207 : vector<16xi32>
        %broadcast_in_dim3A_1209 = vector.broadcast %rem3A_793 : i32 to vector<16xi32>
        %gather3A_1210 = tpu.vector_load_idx %arg8[%broadcast_in_dim3A_1209, %broadcast_in_dim3A_1172, %add3A_1208] : memref<4x128x128xf32, #tpu.memory_space<vmem>>[vector<16xi32>, vector<16xi32>, vector<16xi32>], vector<16xf32>,
        %add3A_1211 = arith.constant 32 : i32
        %add3A_1212 = arith.addi %mul3A_1180, %add3A_1211 : i32
        %swap3A_1213 = arith.index_cast %rem3A_795 : i32 to index
        %swap3A_1214 = arith.index_cast %div3A_1176 : i32 to index
        %swap3A_1215 = arith.index_cast %add3A_1212 : i32 to index
        %swap3A_1216 = tpu.vector_load %arg9[%swap3A_1213, %swap3A_1214, %swap3A_1215] {strides = array<i32>} : memref<2x64x128xf32, #tpu.memory_space<vmem>>, vector<16xf32>,
        tpu.vector_store %arg9[%swap3A_1213, %swap3A_1214, %swap3A_1215], %gather3A_1210 {strides = array<i32>} : memref<2x64x128xf32, #tpu.memory_space<vmem>>, vector<16xf32>,
        %add3A_1217 = arith.constant 48 : i32
        %add3A_1218 = vector.broadcast %add3A_1217 : i32 to vector<16xi32>
        %add3A_1219 = arith.addi %iota3A, %add3A_1218 : vector<16xi32>
        %add3A_1220 = arith.addi %gather3A_1174, %add3A_1219 : vector<16xi32>
        %broadcast_in_dim3A_1221 = vector.broadcast %rem3A_793 : i32 to vector<16xi32>
        %gather3A_1222 = tpu.vector_load_idx %arg8[%broadcast_in_dim3A_1221, %broadcast_in_dim3A_1172, %add3A_1220] : memref<4x128x128xf32, #tpu.memory_space<vmem>>[vector<16xi32>, vector<16xi32>, vector<16xi32>], vector<16xf32>,
        %add3A_1223 = arith.constant 48 : i32
        %add3A_1224 = arith.addi %mul3A_1180, %add3A_1223 : i32
        %swap3A_1225 = arith.index_cast %rem3A_795 : i32 to index
        %swap3A_1226 = arith.index_cast %div3A_1176 : i32 to index
        %swap3A_1227 = arith.index_cast %add3A_1224 : i32 to index
        %swap3A_1228 = tpu.vector_load %arg9[%swap3A_1225, %swap3A_1226, %swap3A_1227] {strides = array<i32>} : memref<2x64x128xf32, #tpu.memory_space<vmem>>, vector<16xf32>,
        tpu.vector_store %arg9[%swap3A_1225, %swap3A_1226, %swap3A_1227], %gather3A_1222 {strides = array<i32>} : memref<2x64x128xf32, #tpu.memory_space<vmem>>, vector<16xf32>,
        %scan3A_1229 = arith.constant 6 : i32
        %scan3A_1230 = arith.addi %scan3A_878, %scan3A_1229 : i32
        %broadcast_in_dim3A_1231 = vector.broadcast %scan3A_1230 : i32 to vector<16xi32>
        %broadcast_in_dim3A_1232 = vector.broadcast %rem3A_793 : i32 to vector<16xi32>
        %gather3A_1233 = tpu.vector_load_idx %arg7[%broadcast_in_dim3A_1232, %broadcast_in_dim3A_1231] : memref<4x128xi32, #tpu.memory_space<vmem>>[vector<16xi32>, vector<16xi32>], vector<16xi32>,
        %div3A_1234 = arith.constant 2 : i32
        %div3A_1235 = arith.divsi %scan3A_1230, %div3A_1234 : i32
        %rem3A_1236 = arith.constant 2 : i32
        %rem3A_1237 = arith.remsi %scan3A_1230, %rem3A_1236 : i32
        %mul3A_1238 = arith.constant 64 : i32
        %mul3A_1239 = arith.muli %rem3A_1237, %mul3A_1238 : i32
        %add3A_1240 = arith.constant 0 : i32
        %add3A_1241 = vector.broadcast %add3A_1240 : i32 to vector<16xi32>
        %add3A_1242 = arith.addi %iota3A, %add3A_1241 : vector<16xi32>
        %add3A_1243 = arith.addi %gather3A_1233, %add3A_1242 : vector<16xi32>
        %broadcast_in_dim3A_1244 = vector.broadcast %rem3A_793 : i32 to vector<16xi32>
        %gather3A_1245 = tpu.vector_load_idx %arg8[%broadcast_in_dim3A_1244, %broadcast_in_dim3A_1231, %add3A_1243] : memref<4x128x128xf32, #tpu.memory_space<vmem>>[vector<16xi32>, vector<16xi32>, vector<16xi32>], vector<16xf32>,
        %add3A_1246 = arith.constant 0 : i32
        %add3A_1247 = arith.addi %mul3A_1239, %add3A_1246 : i32
        %swap3A_1248 = arith.index_cast %rem3A_795 : i32 to index
        %swap3A_1249 = arith.index_cast %div3A_1235 : i32 to index
        %swap3A_1250 = arith.index_cast %add3A_1247 : i32 to index
        %swap3A_1251 = tpu.vector_load %arg9[%swap3A_1248, %swap3A_1249, %swap3A_1250] {strides = array<i32>} : memref<2x64x128xf32, #tpu.memory_space<vmem>>, vector<16xf32>,
        tpu.vector_store %arg9[%swap3A_1248, %swap3A_1249, %swap3A_1250], %gather3A_1245 {strides = array<i32>} : memref<2x64x128xf32, #tpu.memory_space<vmem>>, vector<16xf32>,
        %add3A_1252 = arith.constant 16 : i32
        %add3A_1253 = vector.broadcast %add3A_1252 : i32 to vector<16xi32>
        %add3A_1254 = arith.addi %iota3A, %add3A_1253 : vector<16xi32>
        %add3A_1255 = arith.addi %gather3A_1233, %add3A_1254 : vector<16xi32>
        %broadcast_in_dim3A_1256 = vector.broadcast %rem3A_793 : i32 to vector<16xi32>
        %gather3A_1257 = tpu.vector_load_idx %arg8[%broadcast_in_dim3A_1256, %broadcast_in_dim3A_1231, %add3A_1255] : memref<4x128x128xf32, #tpu.memory_space<vmem>>[vector<16xi32>, vector<16xi32>, vector<16xi32>], vector<16xf32>,
        %add3A_1258 = arith.constant 16 : i32
        %add3A_1259 = arith.addi %mul3A_1239, %add3A_1258 : i32
        %swap3A_1260 = arith.index_cast %rem3A_795 : i32 to index
        %swap3A_1261 = arith.index_cast %div3A_1235 : i32 to index
        %swap3A_1262 = arith.index_cast %add3A_1259 : i32 to index
        %swap3A_1263 = tpu.vector_load %arg9[%swap3A_1260, %swap3A_1261, %swap3A_1262] {strides = array<i32>} : memref<2x64x128xf32, #tpu.memory_space<vmem>>, vector<16xf32>,
        tpu.vector_store %arg9[%swap3A_1260, %swap3A_1261, %swap3A_1262], %gather3A_1257 {strides = array<i32>} : memref<2x64x128xf32, #tpu.memory_space<vmem>>, vector<16xf32>,
        %add3A_1264 = arith.constant 32 : i32
        %add3A_1265 = vector.broadcast %add3A_1264 : i32 to vector<16xi32>
        %add3A_1266 = arith.addi %iota3A, %add3A_1265 : vector<16xi32>
        %add3A_1267 = arith.addi %gather3A_1233, %add3A_1266 : vector<16xi32>
        %broadcast_in_dim3A_1268 = vector.broadcast %rem3A_793 : i32 to vector<16xi32>
        %gather3A_1269 = tpu.vector_load_idx %arg8[%broadcast_in_dim3A_1268, %broadcast_in_dim3A_1231, %add3A_1267] : memref<4x128x128xf32, #tpu.memory_space<vmem>>[vector<16xi32>, vector<16xi32>, vector<16xi32>], vector<16xf32>,
        %add3A_1270 = arith.constant 32 : i32
        %add3A_1271 = arith.addi %mul3A_1239, %add3A_1270 : i32
        %swap3A_1272 = arith.index_cast %rem3A_795 : i32 to index
        %swap3A_1273 = arith.index_cast %div3A_1235 : i32 to index
        %swap3A_1274 = arith.index_cast %add3A_1271 : i32 to index
        %swap3A_1275 = tpu.vector_load %arg9[%swap3A_1272, %swap3A_1273, %swap3A_1274] {strides = array<i32>} : memref<2x64x128xf32, #tpu.memory_space<vmem>>, vector<16xf32>,
        tpu.vector_store %arg9[%swap3A_1272, %swap3A_1273, %swap3A_1274], %gather3A_1269 {strides = array<i32>} : memref<2x64x128xf32, #tpu.memory_space<vmem>>, vector<16xf32>,
        %add3A_1276 = arith.constant 48 : i32
        %add3A_1277 = vector.broadcast %add3A_1276 : i32 to vector<16xi32>
        %add3A_1278 = arith.addi %iota3A, %add3A_1277 : vector<16xi32>
        %add3A_1279 = arith.addi %gather3A_1233, %add3A_1278 : vector<16xi32>
        %broadcast_in_dim3A_1280 = vector.broadcast %rem3A_793 : i32 to vector<16xi32>
        %gather3A_1281 = tpu.vector_load_idx %arg8[%broadcast_in_dim3A_1280, %broadcast_in_dim3A_1231, %add3A_1279] : memref<4x128x128xf32, #tpu.memory_space<vmem>>[vector<16xi32>, vector<16xi32>, vector<16xi32>], vector<16xf32>,
        %add3A_1282 = arith.constant 48 : i32
        %add3A_1283 = arith.addi %mul3A_1239, %add3A_1282 : i32
        %swap3A_1284 = arith.index_cast %rem3A_795 : i32 to index
        %swap3A_1285 = arith.index_cast %div3A_1235 : i32 to index
        %swap3A_1286 = arith.index_cast %add3A_1283 : i32 to index
        %swap3A_1287 = tpu.vector_load %arg9[%swap3A_1284, %swap3A_1285, %swap3A_1286] {strides = array<i32>} : memref<2x64x128xf32, #tpu.memory_space<vmem>>, vector<16xf32>,
        tpu.vector_store %arg9[%swap3A_1284, %swap3A_1285, %swap3A_1286], %gather3A_1281 {strides = array<i32>} : memref<2x64x128xf32, #tpu.memory_space<vmem>>, vector<16xf32>,
        %scan3A_1288 = arith.constant 7 : i32
        %scan3A_1289 = arith.addi %scan3A_878, %scan3A_1288 : i32
        %broadcast_in_dim3A_1290 = vector.broadcast %scan3A_1289 : i32 to vector<16xi32>
        %broadcast_in_dim3A_1291 = vector.broadcast %rem3A_793 : i32 to vector<16xi32>
        %gather3A_1292 = tpu.vector_load_idx %arg7[%broadcast_in_dim3A_1291, %broadcast_in_dim3A_1290] : memref<4x128xi32, #tpu.memory_space<vmem>>[vector<16xi32>, vector<16xi32>], vector<16xi32>,
        %div3A_1293 = arith.constant 2 : i32
        %div3A_1294 = arith.divsi %scan3A_1289, %div3A_1293 : i32
        %rem3A_1295 = arith.constant 2 : i32
        %rem3A_1296 = arith.remsi %scan3A_1289, %rem3A_1295 : i32
        %mul3A_1297 = arith.constant 64 : i32
        %mul3A_1298 = arith.muli %rem3A_1296, %mul3A_1297 : i32
        %add3A_1299 = arith.constant 0 : i32
        %add3A_1300 = vector.broadcast %add3A_1299 : i32 to vector<16xi32>
        %add3A_1301 = arith.addi %iota3A, %add3A_1300 : vector<16xi32>
        %add3A_1302 = arith.addi %gather3A_1292, %add3A_1301 : vector<16xi32>
        %broadcast_in_dim3A_1303 = vector.broadcast %rem3A_793 : i32 to vector<16xi32>
        %gather3A_1304 = tpu.vector_load_idx %arg8[%broadcast_in_dim3A_1303, %broadcast_in_dim3A_1290, %add3A_1302] : memref<4x128x128xf32, #tpu.memory_space<vmem>>[vector<16xi32>, vector<16xi32>, vector<16xi32>], vector<16xf32>,
        %add3A_1305 = arith.constant 0 : i32
        %add3A_1306 = arith.addi %mul3A_1298, %add3A_1305 : i32
        %swap3A_1307 = arith.index_cast %rem3A_795 : i32 to index
        %swap3A_1308 = arith.index_cast %div3A_1294 : i32 to index
        %swap3A_1309 = arith.index_cast %add3A_1306 : i32 to index
        %swap3A_1310 = tpu.vector_load %arg9[%swap3A_1307, %swap3A_1308, %swap3A_1309] {strides = array<i32>} : memref<2x64x128xf32, #tpu.memory_space<vmem>>, vector<16xf32>,
        tpu.vector_store %arg9[%swap3A_1307, %swap3A_1308, %swap3A_1309], %gather3A_1304 {strides = array<i32>} : memref<2x64x128xf32, #tpu.memory_space<vmem>>, vector<16xf32>,
        %add3A_1311 = arith.constant 16 : i32
        %add3A_1312 = vector.broadcast %add3A_1311 : i32 to vector<16xi32>
        %add3A_1313 = arith.addi %iota3A, %add3A_1312 : vector<16xi32>
        %add3A_1314 = arith.addi %gather3A_1292, %add3A_1313 : vector<16xi32>
        %broadcast_in_dim3A_1315 = vector.broadcast %rem3A_793 : i32 to vector<16xi32>
        %gather3A_1316 = tpu.vector_load_idx %arg8[%broadcast_in_dim3A_1315, %broadcast_in_dim3A_1290, %add3A_1314] : memref<4x128x128xf32, #tpu.memory_space<vmem>>[vector<16xi32>, vector<16xi32>, vector<16xi32>], vector<16xf32>,
        %add3A_1317 = arith.constant 16 : i32
        %add3A_1318 = arith.addi %mul3A_1298, %add3A_1317 : i32
        %swap3A_1319 = arith.index_cast %rem3A_795 : i32 to index
        %swap3A_1320 = arith.index_cast %div3A_1294 : i32 to index
        %swap3A_1321 = arith.index_cast %add3A_1318 : i32 to index
        %swap3A_1322 = tpu.vector_load %arg9[%swap3A_1319, %swap3A_1320, %swap3A_1321] {strides = array<i32>} : memref<2x64x128xf32, #tpu.memory_space<vmem>>, vector<16xf32>,
        tpu.vector_store %arg9[%swap3A_1319, %swap3A_1320, %swap3A_1321], %gather3A_1316 {strides = array<i32>} : memref<2x64x128xf32, #tpu.memory_space<vmem>>, vector<16xf32>,
        %add3A_1323 = arith.constant 32 : i32
        %add3A_1324 = vector.broadcast %add3A_1323 : i32 to vector<16xi32>
        %add3A_1325 = arith.addi %iota3A, %add3A_1324 : vector<16xi32>
        %add3A_1326 = arith.addi %gather3A_1292, %add3A_1325 : vector<16xi32>
        %broadcast_in_dim3A_1327 = vector.broadcast %rem3A_793 : i32 to vector<16xi32>
        %gather3A_1328 = tpu.vector_load_idx %arg8[%broadcast_in_dim3A_1327, %broadcast_in_dim3A_1290, %add3A_1326] : memref<4x128x128xf32, #tpu.memory_space<vmem>>[vector<16xi32>, vector<16xi32>, vector<16xi32>], vector<16xf32>,
        %add3A_1329 = arith.constant 32 : i32
        %add3A_1330 = arith.addi %mul3A_1298, %add3A_1329 : i32
        %swap3A_1331 = arith.index_cast %rem3A_795 : i32 to index
        %swap3A_1332 = arith.index_cast %div3A_1294 : i32 to index
        %swap3A_1333 = arith.index_cast %add3A_1330 : i32 to index
        %swap3A_1334 = tpu.vector_load %arg9[%swap3A_1331, %swap3A_1332, %swap3A_1333] {strides = array<i32>} : memref<2x64x128xf32, #tpu.memory_space<vmem>>, vector<16xf32>,
        tpu.vector_store %arg9[%swap3A_1331, %swap3A_1332, %swap3A_1333], %gather3A_1328 {strides = array<i32>} : memref<2x64x128xf32, #tpu.memory_space<vmem>>, vector<16xf32>,
        %add3A_1335 = arith.constant 48 : i32
        %add3A_1336 = vector.broadcast %add3A_1335 : i32 to vector<16xi32>
        %add3A_1337 = arith.addi %iota3A, %add3A_1336 : vector<16xi32>
        %add3A_1338 = arith.addi %gather3A_1292, %add3A_1337 : vector<16xi32>
        %broadcast_in_dim3A_1339 = vector.broadcast %rem3A_793 : i32 to vector<16xi32>
        %gather3A_1340 = tpu.vector_load_idx %arg8[%broadcast_in_dim3A_1339, %broadcast_in_dim3A_1290, %add3A_1338] : memref<4x128x128xf32, #tpu.memory_space<vmem>>[vector<16xi32>, vector<16xi32>, vector<16xi32>], vector<16xf32>,
        %add3A_1341 = arith.constant 48 : i32
        %add3A_1342 = arith.addi %mul3A_1298, %add3A_1341 : i32
        %swap3A_1343 = arith.index_cast %rem3A_795 : i32 to index
        %swap3A_1344 = arith.index_cast %div3A_1294 : i32 to index
        %swap3A_1345 = arith.index_cast %add3A_1342 : i32 to index
        %swap3A_1346 = tpu.vector_load %arg9[%swap3A_1343, %swap3A_1344, %swap3A_1345] {strides = array<i32>} : memref<2x64x128xf32, #tpu.memory_space<vmem>>, vector<16xf32>,
        tpu.vector_store %arg9[%swap3A_1343, %swap3A_1344, %swap3A_1345], %gather3A_1340 {strides = array<i32>} : memref<2x64x128xf32, #tpu.memory_space<vmem>>, vector<16xf32>,
      }
      %scan3A_838 = arith.constant 128 : i32
      %mul3A_839 = arith.constant 128 : i32
      %mul3A_840 = arith.muli %scan3A_791, %mul3A_839 : i32
      %add3A_841 = arith.addi %multiple_of3A, %mul3A_840 : i32
      %jit3A_842 = arith.constant 2 : i32
      %div3A_843 = arith.divsi %add3A_841, %jit3A_842 : i32
      %sign3A_844 = arith.constant 0 : i32
      %sign3A_845 = arith.cmpi sgt, %add3A_841, %sign3A_844 : i32
      %sign3A_846 = arith.extui %sign3A_845 : i1 to i32
      %sign3A_847 = arith.constant 0 : i32
      %sign3A_848 = arith.cmpi slt, %add3A_841, %sign3A_847 : i32
      %sign3A_849 = arith.extui %sign3A_848 : i1 to i32
      %sign3A_850 = arith.subi %sign3A_846, %sign3A_849 : i32
      %sign3A_851 = arith.constant 0 : i32
      %sign3A_852 = arith.cmpi sgt, %jit3A_842, %sign3A_851 : i32
      %sign3A_853 = arith.extui %sign3A_852 : i1 to i32
      %sign3A_854 = arith.constant 0 : i32
      %sign3A_855 = arith.cmpi slt, %jit3A_842, %sign3A_854 : i32
      %sign3A_856 = arith.extui %sign3A_855 : i1 to i32
      %sign3A_857 = arith.subi %sign3A_853, %sign3A_856 : i32
      %ne3A_858 = arith.cmpi ne, %sign3A_850, %sign3A_857 : i32
      %rem3A_859 = arith.remsi %add3A_841, %jit3A_842 : i32
      %ne3A_860 = arith.constant 0 : i32
      %ne3A_861 = arith.cmpi ne, %rem3A_859, %ne3A_860 : i32
      %and3A_862 = arith.andi %ne3A_858, %ne3A_861 : i1
      %sub3A_863 = arith.constant 1 : i32
      %sub3A_864 = arith.subi %div3A_843, %sub3A_863 : i32
      %select_n3A_865 = arith.select %and3A_862, %sub3A_864, %div3A_843 : i32
      %multiple_of3A_866 = tpu.assume_multiple %select_n3A_865, 64 : i32
      %dma_start3A = arith.constant 0 : i32
      %dma_start3A_867 = arith.constant 0 : i32
      %dma_start3A_868 = tpu.memref_slice %arg9[%rem3A_795, %dma_start3A, %dma_start3A_867] : memref<2x64x128xf32, #tpu.memory_space<vmem>> -> memref<1x64x128xf32, #tpu.memory_space<vmem>>
      %dma_start3A_869 = tpu.memref_squeeze %dma_start3A_868 : memref<1x64x128xf32, #tpu.memory_space<vmem>> -> memref<64x128xf32, #tpu.memory_space<vmem>>
      %dma_start3A_870 = arith.constant 0 : i32
      %dma_start3A_871 = tpu.memref_slice %arg4[%multiple_of3A_866, %dma_start3A_870] : memref<102400x128xf32, #tpu.memory_space<hbm>> -> memref<64x128xf32, #tpu.memory_space<hbm>>
      %dma_start3A_872 = arith.constant 0 : i32
      %dma_start3A_873 = tpu.memref_slice %arg4[%multiple_of3A_866, %dma_start3A_872] : memref<102400x128xf32, #tpu.memory_space<hbm>> -> memref<64x128xf32, #tpu.memory_space<hbm>>
      %dma_start3A_874 = arith.constant 0 : i32
      %dma_start3A_875 = arith.constant 0 : i32
      %dma_start3A_876 = tpu.memref_slice %arg9[%rem3A_795, %dma_start3A_874, %dma_start3A_875] : memref<2x64x128xf32, #tpu.memory_space<vmem>> -> memref<1x64x128xf32, #tpu.memory_space<vmem>>
      %dma_start3A_877 = tpu.memref_squeeze %dma_start3A_876 : memref<1x64x128xf32, #tpu.memory_space<vmem>> -> memref<64x128xf32, #tpu.memory_space<vmem>>
      tpu.enqueue_dma source(%dma_start3A_877 : memref<64x128xf32, #tpu.memory_space<vmem>>) target(%dma_start3A_873 : memref<64x128xf32, #tpu.memory_space<hbm>>) target_semaphore(%arg14 : memref<!tpu.dma_semaphore, #tpu.memory_space<semaphore_mem>>)
    }
    %scan3A_713 = arith.constant 50 : i32
    %rem3A_714 = arith.constant 48 : i32
    %rem3A_715 = arith.constant 2 : i32
    %rem3A_716 = arith.remsi %rem3A_714, %rem3A_715 : i32
    %add3A_717 = arith.constant 6144 : i32
    %add3A_718 = arith.addi %multiple_of3A, %add3A_717 : i32
    %jit3A = arith.constant 2 : i32
    %div3A = arith.divsi %add3A_718, %jit3A : i32
    %sign3A = arith.constant 0 : i32
    %sign3A_719 = arith.cmpi sgt, %add3A_718, %sign3A : i32
    %sign3A_720 = arith.extui %sign3A_719 : i1 to i32
    %sign3A_721 = arith.constant 0 : i32
    %sign3A_722 = arith.cmpi slt, %add3A_718, %sign3A_721 : i32
    %sign3A_723 = arith.extui %sign3A_722 : i1 to i32
    %sign3A_724 = arith.subi %sign3A_720, %sign3A_723 : i32
    %sign3A_725 = arith.constant 0 : i32
    %sign3A_726 = arith.cmpi sgt, %jit3A, %sign3A_725 : i32
    %sign3A_727 = arith.extui %sign3A_726 : i1 to i32
    %sign3A_728 = arith.constant 0 : i32
    %sign3A_729 = arith.cmpi slt, %jit3A, %sign3A_728 : i32
    %sign3A_730 = arith.extui %sign3A_729 : i1 to i32
    %sign3A_731 = arith.subi %sign3A_727, %sign3A_730 : i32
    %ne3A = arith.cmpi ne, %sign3A_724, %sign3A_731 : i32
    %rem3A_732 = arith.remsi %add3A_718, %jit3A : i32
    %ne3A_733 = arith.constant 0 : i32
    %ne3A_734 = arith.cmpi ne, %rem3A_732, %ne3A_733 : i32
    %and3A_735 = arith.andi %ne3A, %ne3A_734 : i1
    %sub3A = arith.constant 1 : i32
    %sub3A_736 = arith.subi %div3A, %sub3A : i32
    %select_n3A = arith.select %and3A_735, %sub3A_736, %div3A : i32
    %multiple_of3A_737 = tpu.assume_multiple %select_n3A, 64 : i32
    %dma_wait3A = arith.constant 0 : i32
    %dma_wait3A_738 = arith.constant 0 : i32
    %dma_wait3A_739 = tpu.memref_slice %arg9[%rem3A_716, %dma_wait3A, %dma_wait3A_738] : memref<2x64x128xf32, #tpu.memory_space<vmem>> -> memref<1x64x128xf32, #tpu.memory_space<vmem>>
    %dma_wait3A_740 = tpu.memref_squeeze %dma_wait3A_739 : memref<1x64x128xf32, #tpu.memory_space<vmem>> -> memref<64x128xf32, #tpu.memory_space<vmem>>
    %dma_wait3A_741 = arith.constant 0 : i32
    %dma_wait3A_742 = tpu.memref_slice %arg4[%multiple_of3A_737, %dma_wait3A_741] : memref<102400x128xf32, #tpu.memory_space<hbm>> -> memref<64x128xf32, #tpu.memory_space<hbm>>
    %dma_wait3A_743 = arith.constant 0 : i32
    %dma_wait3A_744 = tpu.memref_slice %arg4[%multiple_of3A_737, %dma_wait3A_743] : memref<102400x128xf32, #tpu.memory_space<hbm>> -> memref<64x128xf32, #tpu.memory_space<hbm>>
    %dma_wait3A_745 = arith.constant 0 : i32
    %dma_wait3A_746 = arith.constant 0 : i32
    %dma_wait3A_747 = tpu.memref_slice %arg9[%rem3A_716, %dma_wait3A_745, %dma_wait3A_746] : memref<2x64x128xf32, #tpu.memory_space<vmem>> -> memref<1x64x128xf32, #tpu.memory_space<vmem>>
    %dma_wait3A_748 = tpu.memref_squeeze %dma_wait3A_747 : memref<1x64x128xf32, #tpu.memory_space<vmem>> -> memref<64x128xf32, #tpu.memory_space<vmem>>
    tpu.wait_dma2 semaphore(%arg14 : memref<!tpu.dma_semaphore, #tpu.memory_space<semaphore_mem>>) src(%dma_wait3A_748 : memref<64x128xf32, #tpu.memory_space<vmem>>) dst(%dma_wait3A_744 : memref<64x128xf32, #tpu.memory_space<hbm>>)
    %rem3A_749 = arith.constant 49 : i32
    %rem3A_750 = arith.constant 2 : i32
    %rem3A_751 = arith.remsi %rem3A_749, %rem3A_750 : i32
    %add3A_752 = arith.constant 6272 : i32
    %add3A_753 = arith.addi %multiple_of3A, %add3A_752 : i32
    %jit3A_754 = arith.constant 2 : i32
    %div3A_755 = arith.divsi %add3A_753, %jit3A_754 : i32
    %sign3A_756 = arith.constant 0 : i32
    %sign3A_757 = arith.cmpi sgt, %add3A_753, %sign3A_756 : i32
    %sign3A_758 = arith.extui %sign3A_757 : i1 to i32
    %sign3A_759 = arith.constant 0 : i32
    %sign3A_760 = arith.cmpi slt, %add3A_753, %sign3A_759 : i32
    %sign3A_761 = arith.extui %sign3A_760 : i1 to i32
    %sign3A_762 = arith.subi %sign3A_758, %sign3A_761 : i32
    %sign3A_763 = arith.constant 0 : i32
    %sign3A_764 = arith.cmpi sgt, %jit3A_754, %sign3A_763 : i32
    %sign3A_765 = arith.extui %sign3A_764 : i1 to i32
    %sign3A_766 = arith.constant 0 : i32
    %sign3A_767 = arith.cmpi slt, %jit3A_754, %sign3A_766 : i32
    %sign3A_768 = arith.extui %sign3A_767 : i1 to i32
    %sign3A_769 = arith.subi %sign3A_765, %sign3A_768 : i32
    %ne3A_770 = arith.cmpi ne, %sign3A_762, %sign3A_769 : i32
    %rem3A_771 = arith.remsi %add3A_753, %jit3A_754 : i32
    %ne3A_772 = arith.constant 0 : i32
    %ne3A_773 = arith.cmpi ne, %rem3A_771, %ne3A_772 : i32
    %and3A_774 = arith.andi %ne3A_770, %ne3A_773 : i1
    %sub3A_775 = arith.constant 1 : i32
    %sub3A_776 = arith.subi %div3A_755, %sub3A_775 : i32
    %select_n3A_777 = arith.select %and3A_774, %sub3A_776, %div3A_755 : i32
    %multiple_of3A_778 = tpu.assume_multiple %select_n3A_777, 64 : i32
    %dma_wait3A_779 = arith.constant 0 : i32
    %dma_wait3A_780 = arith.constant 0 : i32
    %dma_wait3A_781 = tpu.memref_slice %arg9[%rem3A_751, %dma_wait3A_779, %dma_wait3A_780] : memref<2x64x128xf32, #tpu.memory_space<vmem>> -> memref<1x64x128xf32, #tpu.memory_space<vmem>>
    %dma_wait3A_782 = tpu.memref_squeeze %dma_wait3A_781 : memref<1x64x128xf32, #tpu.memory_space<vmem>> -> memref<64x128xf32, #tpu.memory_space<vmem>>
    %dma_wait3A_783 = arith.constant 0 : i32
    %dma_wait3A_784 = tpu.memref_slice %arg4[%multiple_of3A_778, %dma_wait3A_783] : memref<102400x128xf32, #tpu.memory_space<hbm>> -> memref<64x128xf32, #tpu.memory_space<hbm>>
    %dma_wait3A_785 = arith.constant 0 : i32
    %dma_wait3A_786 = tpu.memref_slice %arg4[%multiple_of3A_778, %dma_wait3A_785] : memref<102400x128xf32, #tpu.memory_space<hbm>> -> memref<64x128xf32, #tpu.memory_space<hbm>>
    %dma_wait3A_787 = arith.constant 0 : i32
    %dma_wait3A_788 = arith.constant 0 : i32
    %dma_wait3A_789 = tpu.memref_slice %arg9[%rem3A_751, %dma_wait3A_787, %dma_wait3A_788] : memref<2x64x128xf32, #tpu.memory_space<vmem>> -> memref<1x64x128xf32, #tpu.memory_space<vmem>>
    %dma_wait3A_790 = tpu.memref_squeeze %dma_wait3A_789 : memref<1x64x128xf32, #tpu.memory_space<vmem>> -> memref<64x128xf32, #tpu.memory_space<vmem>>
    tpu.wait_dma2 semaphore(%arg14 : memref<!tpu.dma_semaphore, #tpu.memory_space<semaphore_mem>>) src(%dma_wait3A_790 : memref<64x128xf32, #tpu.memory_space<vmem>>) dst(%dma_wait3A_786 : memref<64x128xf32, #tpu.memory_space<hbm>>)
    return
  }
}

module attributes {stable_mosaic.version = 14 : i64} {
  func.func @_tc_pack_body(%arg0: i32, %arg1: memref<64x16384xf32, #tpu.memory_space<vmem>>, %arg2: memref<8192x128xf32, #tpu.memory_space<vmem>>) attributes {dimension_semantics = [#tpu.dimension_semantics<arbitrary>], iteration_bounds = array<i64: 62>, scalar_prefetch = 0 : i64, scratch_operands = 0 : i64, tpu.core_type = #tpu.core_type<tc>, window_params = [{transform_indices = @transform_0, window_bounds = array<i64: 64, 16384>}, {transform_indices = @transform_1, window_bounds = array<i64: 8192, 128>}]} {
    %get3A = arith.constant 0 : index
    %get3A_0 = arith.constant 0 : index
    %get3A_1 = vector.load %arg1[%get3A, %get3A_0] : memref<64x16384xf32, #tpu.memory_space<vmem>>, vector<64x16384xf32>
    %slice3A = vector.extract_strided_slice %get3A_1 {offsets = [0, 0], sizes = [64, 8192], strides = [1, 1]} : vector<64x16384xf32> to vector<64x8192xf32>
    %transpose3A = tpu.transpose %slice3A, [1, 0] : vector<64x8192xf32> -> vector<8192x64xf32>
    %slice3A_2 = vector.extract_strided_slice %get3A_1 {offsets = [0, 8192], sizes = [64, 8192], strides = [1, 1]} : vector<64x16384xf32> to vector<64x8192xf32>
    %transpose3A_3 = tpu.transpose %slice3A_2, [1, 0] : vector<64x8192xf32> -> vector<8192x64xf32>
    %concatenate3A = tpu.concatenate %transpose3A, %transpose3A_3 in 1 : vector<8192x64xf32>, vector<8192x64xf32> -> vector<8192x128xf32>
    %swap3A = arith.constant 0 : index
    %swap3A_4 = arith.constant 0 : index
    %swap3A_5 = vector.load %arg2[%swap3A, %swap3A_4] : memref<8192x128xf32, #tpu.memory_space<vmem>>, vector<8192x128xf32>
    tpu.vector_store %arg2[%swap3A, %swap3A_4], %concatenate3A {strides = array<i32>} : memref<8192x128xf32, #tpu.memory_space<vmem>>, vector<8192x128xf32>,
    return
  }
  func.func @transform_0(%arg0: i32) -> (i32, i32) {
    %c0_i32 = arith.constant 0 : i32
    %c0_i32_0 = arith.constant 0 : i32
    return %c0_i32, %arg0 : i32, i32
  }
  func.func @transform_1(%arg0: i32) -> (i32, i32) {
    %c0_i32 = arith.constant 0 : i32
    %c0_i32_0 = arith.constant 0 : i32
    return %arg0, %c0_i32 : i32, i32
  }
}

module attributes {stable_mosaic.version = 14 : i64} {
  func.func @_tc_ln_body(%arg0: i32, %arg1: memref<6400x128xf32, #tpu.memory_space<vmem>>, %arg2: memref<100x128xf32, #tpu.memory_space<vmem>>, %arg3: memref<1x64xf32, #tpu.memory_space<vmem>>, %arg4: memref<1x64xf32, #tpu.memory_space<vmem>>, %arg5: memref<6400x128xf32, #tpu.memory_space<vmem>>) attributes {dimension_semantics = [#tpu.dimension_semantics<arbitrary>], iteration_bounds = array<i64: 16>, scalar_prefetch = 0 : i64, scratch_operands = 0 : i64, tpu.core_type = #tpu.core_type<tc>, window_params = [{transform_indices = @transform_0, window_bounds = array<i64: 6400, 128>}, {pipeline_mode = #tpu.pipeline_mode<synchronous>, transform_indices = @transform_1, window_bounds = array<i64: 100, 128>}, {pipeline_mode = #tpu.pipeline_mode<synchronous>, transform_indices = @transform_2, window_bounds = array<i64: 1, 64>}, {pipeline_mode = #tpu.pipeline_mode<synchronous>, transform_indices = @transform_3, window_bounds = array<i64: 1, 64>}, {transform_indices = @transform_4, window_bounds = array<i64: 6400, 128>}]} {
    %get3A = arith.constant 0 : index
    %get3A_0 = arith.constant 0 : index
    %get3A_1 = vector.load %arg1[%get3A, %get3A_0] : memref<6400x128xf32, #tpu.memory_space<vmem>>, vector<6400x128xf32>
    %reshape3A = vector.shape_cast %get3A_1 : vector<6400x128xf32> to vector<64x100x128xf32>
    %get3A_2 = arith.constant 0 : index
    %get3A_3 = arith.constant 0 : index
    %get3A_4 = vector.load %arg2[%get3A_2, %get3A_3] : memref<100x128xf32, #tpu.memory_space<vmem>>, vector<100x128xf32>
    %broadcast_in_dim3A = vector.shape_cast %get3A_4 : vector<100x128xf32> to vector<1x100x128xf32>
    %add3A = vector.broadcast %broadcast_in_dim3A : vector<1x100x128xf32> to vector<64x100x128xf32>
    %add3A_5 = arith.addf %reshape3A, %add3A : vector<64x100x128xf32>
    %get3A_6 = arith.constant 0 : index
    %get3A_7 = arith.constant 0 : index
    %get3A_8 = vector.load %arg3[%get3A_6, %get3A_7] : memref<1x64xf32, #tpu.memory_space<vmem>>, vector<1x64xf32>
    %broadcast_in_dim3A_9 = vector.shape_cast %get3A_8 : vector<1x64xf32> to vector<1x1x64xf32>
    %get3A_10 = arith.constant 0 : index
    %get3A_11 = arith.constant 0 : index
    %get3A_12 = vector.load %arg4[%get3A_10, %get3A_11] : memref<1x64xf32, #tpu.memory_space<vmem>>, vector<1x64xf32>
    %broadcast_in_dim3A_13 = vector.shape_cast %get3A_12 : vector<1x64xf32> to vector<1x1x64xf32>
    %slice3A = vector.extract_strided_slice %add3A_5 {offsets = [0, 0, 0], sizes = [64, 100, 64], strides = [1, 1, 1]} : vector<64x100x128xf32> to vector<64x100x64xf32>
    %reduce_sum3A = arith.constant dense<0.000000e+00> : vector<64x100xf32>
    %reduce_sum3A_14 = vector.multi_reduction <add>, %slice3A, %reduce_sum3A [2] : vector<64x100x64xf32> to vector<64x100xf32>
    %broadcast_in_dim3A_15 = vector.shape_cast %reduce_sum3A_14 : vector<64x100xf32> to vector<64x100x1xf32>
    %div3A = arith.constant 6.400000e+01 : f32
    %div3A_16 = vector.broadcast %div3A : f32 to vector<64x100x1xf32>
    %div3A_17 = arith.divf %broadcast_in_dim3A_15, %div3A_16 : vector<64x100x1xf32>
    %sub3A = vector.broadcast %div3A_17 : vector<64x100x1xf32> to vector<64x100x64xf32>
    %sub3A_18 = arith.subf %slice3A, %sub3A : vector<64x100x64xf32>
    %mul3A = arith.mulf %sub3A_18, %sub3A_18 : vector<64x100x64xf32>
    %reduce_sum3A_19 = arith.constant dense<0.000000e+00> : vector<64x100xf32>
    %reduce_sum3A_20 = vector.multi_reduction <add>, %mul3A, %reduce_sum3A_19 [2] : vector<64x100x64xf32> to vector<64x100xf32>
    %broadcast_in_dim3A_21 = vector.shape_cast %reduce_sum3A_20 : vector<64x100xf32> to vector<64x100x1xf32>
    %div3A_22 = arith.constant 6.400000e+01 : f32
    %div3A_23 = vector.broadcast %div3A_22 : f32 to vector<64x100x1xf32>
    %div3A_24 = arith.divf %broadcast_in_dim3A_21, %div3A_23 : vector<64x100x1xf32>
    %add3A_25 = arith.constant 9.99999974E-6 : f32
    %add3A_26 = vector.broadcast %add3A_25 : f32 to vector<64x100x1xf32>
    %add3A_27 = arith.addf %div3A_24, %add3A_26 : vector<64x100x1xf32>
    %rsqrt3A = math.rsqrt %add3A_27 : vector<64x100x1xf32>
    %mul3A_28 = vector.broadcast %rsqrt3A : vector<64x100x1xf32> to vector<64x100x64xf32>
    %mul3A_29 = arith.mulf %sub3A_18, %mul3A_28 : vector<64x100x64xf32>
    %mul3A_30 = vector.broadcast %broadcast_in_dim3A_9 : vector<1x1x64xf32> to vector<64x100x64xf32>
    %mul3A_31 = arith.mulf %mul3A_29, %mul3A_30 : vector<64x100x64xf32>
    %add3A_32 = vector.broadcast %broadcast_in_dim3A_13 : vector<1x1x64xf32> to vector<64x100x64xf32>
    %add3A_33 = arith.addf %mul3A_31, %add3A_32 : vector<64x100x64xf32>
    %slice3A_34 = vector.extract_strided_slice %add3A_5 {offsets = [0, 0, 64], sizes = [64, 100, 64], strides = [1, 1, 1]} : vector<64x100x128xf32> to vector<64x100x64xf32>
    %reduce_sum3A_35 = arith.constant dense<0.000000e+00> : vector<64x100xf32>
    %reduce_sum3A_36 = vector.multi_reduction <add>, %slice3A_34, %reduce_sum3A_35 [2] : vector<64x100x64xf32> to vector<64x100xf32>
    %broadcast_in_dim3A_37 = vector.shape_cast %reduce_sum3A_36 : vector<64x100xf32> to vector<64x100x1xf32>
    %div3A_38 = arith.constant 6.400000e+01 : f32
    %div3A_39 = vector.broadcast %div3A_38 : f32 to vector<64x100x1xf32>
    %div3A_40 = arith.divf %broadcast_in_dim3A_37, %div3A_39 : vector<64x100x1xf32>
    %sub3A_41 = vector.broadcast %div3A_40 : vector<64x100x1xf32> to vector<64x100x64xf32>
    %sub3A_42 = arith.subf %slice3A_34, %sub3A_41 : vector<64x100x64xf32>
    %mul3A_43 = arith.mulf %sub3A_42, %sub3A_42 : vector<64x100x64xf32>
    %reduce_sum3A_44 = arith.constant dense<0.000000e+00> : vector<64x100xf32>
    %reduce_sum3A_45 = vector.multi_reduction <add>, %mul3A_43, %reduce_sum3A_44 [2] : vector<64x100x64xf32> to vector<64x100xf32>
    %broadcast_in_dim3A_46 = vector.shape_cast %reduce_sum3A_45 : vector<64x100xf32> to vector<64x100x1xf32>
    %div3A_47 = arith.constant 6.400000e+01 : f32
    %div3A_48 = vector.broadcast %div3A_47 : f32 to vector<64x100x1xf32>
    %div3A_49 = arith.divf %broadcast_in_dim3A_46, %div3A_48 : vector<64x100x1xf32>
    %add3A_50 = arith.constant 9.99999974E-6 : f32
    %add3A_51 = vector.broadcast %add3A_50 : f32 to vector<64x100x1xf32>
    %add3A_52 = arith.addf %div3A_49, %add3A_51 : vector<64x100x1xf32>
    %rsqrt3A_53 = math.rsqrt %add3A_52 : vector<64x100x1xf32>
    %mul3A_54 = vector.broadcast %rsqrt3A_53 : vector<64x100x1xf32> to vector<64x100x64xf32>
    %mul3A_55 = arith.mulf %sub3A_42, %mul3A_54 : vector<64x100x64xf32>
    %mul3A_56 = vector.broadcast %broadcast_in_dim3A_9 : vector<1x1x64xf32> to vector<64x100x64xf32>
    %mul3A_57 = arith.mulf %mul3A_55, %mul3A_56 : vector<64x100x64xf32>
    %add3A_58 = vector.broadcast %broadcast_in_dim3A_13 : vector<1x1x64xf32> to vector<64x100x64xf32>
    %add3A_59 = arith.addf %mul3A_57, %add3A_58 : vector<64x100x64xf32>
    %concatenate3A = tpu.concatenate %add3A_33, %add3A_59 in 2 : vector<64x100x64xf32>, vector<64x100x64xf32> -> vector<64x100x128xf32>
    %reshape3A_60 = vector.shape_cast %concatenate3A : vector<64x100x128xf32> to vector<6400x128xf32>
    %swap3A = arith.constant 0 : index
    %swap3A_61 = arith.constant 0 : index
    %swap3A_62 = vector.load %arg5[%swap3A, %swap3A_61] : memref<6400x128xf32, #tpu.memory_space<vmem>>, vector<6400x128xf32>
    tpu.vector_store %arg5[%swap3A, %swap3A_61], %reshape3A_60 {strides = array<i32>} : memref<6400x128xf32, #tpu.memory_space<vmem>>, vector<6400x128xf32>,
    return
  }
  func.func @transform_0(%arg0: i32) -> (i32, i32) {
    %c0_i32 = arith.constant 0 : i32
    %c0_i32_0 = arith.constant 0 : i32
    return %arg0, %c0_i32 : i32, i32
  }
  func.func @transform_1(%arg0: i32) -> (i32, i32) {
    %c0_i32 = arith.constant 0 : i32
    %c0_i32_0 = arith.constant 0 : i32
    %c0_i32_1 = arith.constant 0 : i32
    return %c0_i32, %c0_i32_0 : i32, i32
  }
  func.func @transform_2(%arg0: i32) -> (i32, i32) {
    %c0_i32 = arith.constant 0 : i32
    %c0_i32_0 = arith.constant 0 : i32
    %c0_i32_1 = arith.constant 0 : i32
    return %c0_i32, %c0_i32_0 : i32, i32
  }
  func.func @transform_3(%arg0: i32) -> (i32, i32) {
    %c0_i32 = arith.constant 0 : i32
    %c0_i32_0 = arith.constant 0 : i32
    %c0_i32_1 = arith.constant 0 : i32
    return %c0_i32, %c0_i32_0 : i32, i32
  }
  func.func @transform_4(%arg0: i32) -> (i32, i32) {
    %c0_i32 = arith.constant 0 : i32
    %c0_i32_0 = arith.constant 0 : i32
    return %arg0, %c0_i32 : i32, i32
  }
}

</mosaic_0001>

<sc_bundles>
// kernel: kernel.5.cloned.1.call-start
scs
__scs_entry_jumppad:
0x0: {  	(pc) =	sbr.rel $0x88, $3  }
0x1: {  	(tag) =	ssettag $0x0;
	lr =	simm.s32 $0x1  }
0x2: {  	[smem:$0x3F9C] =	sst lr;
	_ =	strace $0xD0000000  }
0x3: {  	_ = 	snop  }
0x4: {  	_ = 	snop  }
0x5: {  	_ = 	snop  }
0x6: {  	_ = 	snop  }
0x7: {  	_ = 	snop  }
__scs_overlays_trampoline_lowered:
0x8: {  	[smem:$0x3FAB] =	sst s0  }
0x9: {  	[smem:$0x3FAC] =	sst s1  }
0xa: {  	[smem:$0x3FAD] =	sst s2  }
0xb: {  	[smem:$0x3FAE] =	sst s3  }
0xc: {  	[smem:$0x3FAF] =	sst s4  }
0xd: {  	[smem:$0x3FB0] =	sst s5  }
0xe: {  	[smem:$0x3FB1] =	sst s6  }
0xf: {  	[smem:$0x3FB2] =	sst s7  }
0x10: {  	[smem:$0x3FB3] =	sst s8  }
0x11: {  	[smem:$0x3FB4] =	sst s9;
	s0 =	simm.s32 @!p0 $0x0  }
0x12: {  	s1 =	sld [smem:$0x3F9A];
	s0 =	simm.s32 @p0 $0x1  }
0x13: {  	[smem:$0x3FB5] =	sst s0;
	s0 =	simm.s32 @!p1 $0x0  }
0x14: {  	s2 =	sld [smem:$0x3F99];
	s0 =	simm.s32 @p1 $0x1  }
0x15: {  	[smem:$0x3FB6] =	sst s0;
	s0 =	simm.s32 @!p2 $0x0  }
0x16: {  	s3 =	sld [smem:$0x3FDB];
	s0 =	simm.s32 @p2 $0x1  }
0x17: {  	s4 =	simm.s32 $0x1BF5;
	[smem:$0x3FB8] =	sst s0  }
0x18: {  	s0 =	sld [smem:$0x3F9B];
	_ =	swait.ge [sflag:s4], $0x0  }
0x19: {  	s7 =	sld [smem:$0x3F9C]  }
0x1a: {  	s8 =	sadd.s32 $0xFFFFE003, lr  }
0x1b: {  	s9 =	sadd.s32 $0xFFFFFEF7, lr;
	s5 =	simm.s32 $0xFFFFFFFF;
	p2 =	slt.u32 s8, $0xFFFFF086  }
0x1c: {  	p1 =	slt.u32 s9, $0xF7A;
	s5 =	simm.s32 @!p2 $0x0  }
0x1d: {  	s5 =	simm.s32 @p1 $0x1;
	p0 =	seq.s32 s7, s2  }
0x1e: {  	s7 =	smul.u32 @!p0 $0xF7A, s2;
	p2 =	seq.s32 @!p0 s5, $0x0  }
0x1f: {  	s9 =	smul.u32 $0xF7A, s1;
	s8 =	simm.s32 @!p0 $0x1BF5;
	p2 =	por !p2, p0  }
0x20: {  	[sflag:s8] =	ssyncset.s32 @!p0 $0xFFFFF086;
	s6 =	sadd.s32 @!p0 s3, s7;
	s7 =	simm.s32 @!p0 $0x108  }
0x21: {  	s3 =	sadd.s32 s3, s9;
	s6 =	sadd.s32 @!p0 $0x88, s6;
	s7 =	simm.s32 @p2 $0x1082  }
0x22: {  	[simem:s7], [sflag:s8] =	dma.local @!p0 [hbm:s6], $0xF7A  }
0x23: {  	s9 =	sor.u32 $0xD0000000, s2;
	s6 =	simm.s32 $0x108;
	_ =	swait.ge @!p0 [sflag:s8], $0x0  }
0x24: {  	s3 =	sadd.s32 $0x88, s3;
	s6 =	simm.s32 @!p1 $0x1082;
	[sflag:s4] =	ssyncset.s32 $0xFFFFF086  }
0x25: {  	[simem:s6], [sflag:s4] =	dma.local [hbm:s3], $0xF7A  }
0x26: {  	[smem:$0x3F9C] =	sst s1;
	(tag) =	ssettag s2;
	_ =	strace s9  }
0x27: {  	s1 =	sld [smem:$0x3FAC]  }
0x28: {  	s2 =	sld [smem:$0x3FAD]  }
0x29: {  	s4 =	sld [smem:$0x3FAF]  }
0x2a: {  	p0 =	seq.s32 s5, $0x0;
	s5 =	sld [smem:$0x3FB0]  }
0x2b: {  	s6 =	sld [smem:$0x3FB1]  }
0x2c: {  	s7 =	sld [smem:$0x3FB2]  }
0x2d: {  	s3 =	simm.s32 $0x108;
	s8 =	sld [smem:$0x3FB3]  }
0x2e: {  	s3 =	simm.s32 @!p0 $0x1082;
	s9 =	sld [smem:$0x3FB4]  }
0x2f: {  	lr =	sadd.s32 s0, s3;
	s0 =	sld [smem:$0x3FAB]  }
0x30: {  	s3 =	sld [smem:$0x3FAE]  }
0x31: {  	[smem:$0x3FB7] =	sst s10  }
0x32: {  	s10 =	sld [smem:$0x3FB5];
	_ =	sdelay $0x3  }
0x33: {  	p0 =	seq.s32 s10, $0x1;
	s10 =	sld [smem:$0x3FB7];
	_ =	sdelay $0x3  }
0x34: {  	[smem:$0x3FB7] =	sst s10  }
0x35: {  	s10 =	sld [smem:$0x3FB6];
	_ =	sdelay $0x3  }
0x36: {  	p1 =	seq.s32 s10, $0x1;
	s10 =	sld [smem:$0x3FB7];
	_ =	sdelay $0x3  }
0x37: {  	[smem:$0x3FB7] =	sst s10  }
0x38: {  	s10 =	sld [smem:$0x3FB8]  }
0x39: {  	_ = 	snop;
	(pc) =	sbr.ind lr, $3  }
0x3a: {  	_ = 	snop  }
0x3b: {  	_ = 	snop  }
0x3c: {  	p2 =	seq.s32 s10, $0x1;
	s10 =	sld [smem:$0x3FB7]  }
0x3d: {  	_ =	shalt  }
0x3e: {  	_ =	shalt  }
0x3f: {  	_ =	shalt  }
0x40: {  	_ =	shalt  }
0x41: {  	_ =	shalt  }
0x42: {  	_ =	shalt  }
0x43: {  	_ =	shalt  }
0x44: {  	_ =	shalt  }
0x45: {  	_ =	shalt  }
0x46: {  	_ =	shalt  }
0x47: {  	_ =	shalt  }
0x48: {  	_ =	shalt  }
0x49: {  	_ =	shalt  }
0x4a: {  	_ =	shalt  }
0x4b: {  	_ =	shalt  }
0x4c: {  	_ =	shalt  }
0x4d: {  	_ =	shalt  }
0x4e: {  	_ =	shalt  }
0x4f: {  	_ =	shalt  }
0x50: {  	_ =	shalt  }
0x51: {  	_ =	shalt  }
0x52: {  	_ =	shalt  }
0x53: {  	_ =	shalt  }
0x54: {  	_ =	shalt  }
0x55: {  	_ =	shalt  }
0x56: {  	_ =	shalt  }
0x57: {  	_ =	shalt  }
0x58: {  	_ =	shalt  }
0x59: {  	_ =	shalt  }
0x5a: {  	_ =	shalt  }
0x5b: {  	_ =	shalt  }
0x5c: {  	_ =	shalt  }
0x5d: {  	_ =	shalt  }
0x5e: {  	_ =	shalt  }
0x5f: {  	_ =	shalt  }
0x60: {  	_ =	shalt  }
0x61: {  	_ =	shalt  }
0x62: {  	_ =	shalt  }
0x63: {  	_ =	shalt  }
0x64: {  	_ =	shalt  }
0x65: {  	_ =	shalt  }
0x66: {  	_ =	shalt  }
0x67: {  	_ =	shalt  }
0x68: {  	_ =	shalt  }
0x69: {  	_ =	shalt  }
0x6a: {  	_ =	shalt  }
0x6b: {  	_ =	shalt  }
0x6c: {  	_ =	shalt  }
0x6d: {  	_ =	shalt  }
0x6e: {  	_ =	shalt  }
0x6f: {  	_ =	shalt  }
0x70: {  	_ =	shalt  }
0x71: {  	_ =	shalt  }
0x72: {  	_ =	shalt  }
0x73: {  	_ =	shalt  }
0x74: {  	_ =	shalt  }
0x75: {  	_ =	shalt  }
0x76: {  	_ =	shalt  }
0x77: {  	_ =	shalt  }
0x78: {  	_ =	shalt  }
0x79: {  	_ =	shalt  }
0x7a: {  	_ =	shalt  }
0x7b: {  	_ =	shalt  }
0x7c: {  	_ =	shalt  }
0x7d: {  	_ =	shalt  }
0x7e: {  	_ =	shalt  }
0x7f: {  	_ =	shalt  }
0x80: {  	_ =	shalt  }
0x81: {  	_ =	shalt  }
0x82: {  	_ =	shalt  }
0x83: {  	_ =	shalt  }
0x84: {  	_ =	shalt  }
0x85: {  	_ =	shalt  }
0x86: {  	_ =	shalt  }
0x87: {  	_ =	shalt  }
.Lfunc_end0:
.L_simem_size_0:
called_computation.1_lowered:
.L_overlay_start_0:
0x88: {  	s2 =	sld [smem:$0x3FD9]  }
0x89: {  	s3 =	sld [smem:$0x3FFE];
	_ =	sdelay $0x1  }
0x8a: {  	s1 =	srdreg.scid  }
0x8b: {  	s0 =	sand.u32 $0x1, s1  }
0x8c: {  	s17 =	sshll.u32 s0, $0xA;
	s2 =	sadd.s32 s3, s2  }
0x8d: {  	s2 =	sadd.s32 s2, s17  }
0x8e: {  	[smem:$0x3FC3] =	sst s2  }
0x8f: {  	_ = 	snop  }
0x90: {  	s2 =	sld [smem:$0x3FD0];
	(tm) =	ssettm $0x1  }
0x91: {  	s18 =	sld [smem:$0x3FFB];
	_ =	sdelay $0x3  }
0x92: {  	_ =	strace s18  }
0x93: {  	s3 =	sld [smem:$0x3FFC];
	_ =	sdelay $0x3  }
0x94: {  	_ =	strace s3  }
0x95: {  	s3 =	sld [smem:$0x3FFD];
	_ =	sdelay $0x3  }
0x96: {  	_ =	strace s3  }
0x97: {  	_ =	strace $0x8FFFFFFF  }
0x98: {  	s19 =	sld [smem:$0x3FDB];
	_ =	sdelay $0x1  }
0x99: {  	s4 =	simm.s32 $_scs_section_size  }
0x9a: {  	s5 =	simm.s32 $_size__tile_overlayer_lowered;
	s6 =	simm.s32 $_tile_overlayer_lowered  }
0x9b: {  	s22 =	simm.s32 $0x1BFF;
	s21 =	sshll.u32 s6, $0x1;
	s3 =	sadd.s32 s4, s19  }
0x9c: {  	s7 =	simm.s32 $0x0;
	s20 =	sshll.u32 s5, $0x1;
	s5 =	sadd.s32 s21, s3  }
0x9d: {  	[timem:s7], [sflag:s22] =	dma.local [hbm:s5], s20  }
0x9e: {  	_ =	swait.ge [sflag:s22], s20  }
0x9f: {  	s4 =	ssub.s32 $0x0, s20;
	[sflag:s22] =	ssyncset.done $0x0  }
0xa0: {  	[sflag:s22] =	ssyncadd.s32 s4;
	_ =	sdelay $0x1  }
0xa1: {  	s23 =	simm.s32 $0x1B8B  }
0xa2: {  	_ =	swait.ge [sflag:s23], $0x1  }
0xa3: {  	[sflag:s23] =	ssyncset.done $0x0  }
0xa4: {  	s25 =	simm.s32 $0x1B8E;
	s24 =	sld [smem:$0x3FFE];
	[sflag:s23] =	ssyncadd.s32 $0xFFFFFFFF  }
0xa5: {  	s26 =	simm.s32 $execute0_lowered;
	[smem:$0x3FD2] =	sst s25  }
0xa6: {  	s5 =	sshll.u32 s26, $0x1;
	_ =	strace $0x80000046;
	[dreg:$0x1] =	wrdreg $0xFFFFFFFF  }
0xa7: {  	s28 =	simm.s32 $_size_execute0_lowered;
	s3 =	sadd.s32 s3, s5;
	[dreg:$0x0] =	wrdreg $0x0  }
0xa8: {  	s5 =	sshll.u32 s28, $0x1;
	[dreg:$0x2] =	wrdreg s3  }
0xa9: {  	[dreg:$0x3] =	wrdreg s5  }
0xaa: {  	[dreg:$0x4] =	wrdreg $0xC0  }
0xab: {  	_ =	task [dreg:s7], $0x5FFFF  }
0xac: {  	[dreg:$0x1] =	wrdreg $0xFFFFFFFF  }
0xad: {  	[dreg:$0x0] =	wrdreg $0x60  }
0xae: {  	[dreg:$0x2] =	wrdreg s24  }
0xaf: {  	[dreg:$0x3] =	wrdreg s2  }
0xb0: {  	[dreg:$0x4] =	wrdreg $0x9  }
0xb1: {  	_ =	task.clear_ibuf [dreg:s7], $0x5FFFF;
	_ =	strace $0x90000046  }
0xb2: {  	s29 =	simm.s32 $0x9;
	_ =	strace $0x80000048  }
0xb3: {  	_ =	swait.ge [sflag:s29], $0x1  }
0xb4: {  	[sflag:s29] =	ssyncadd.s32 $0xFFFFFFFF  }
0xb5: {  	_ =	strace $0x90000048  }
0xb6: {  	_ =	sfence  }
0xb7: {  	s30 =	sld [smem:$0x0];
	_ =	sdelay $0x2  }
0xb8: {  	s31 =	sshll.u32 s1, $0xD;
	s1 =	sshrl.u32 s1, $0x2  }
0xb9: {  	s3 =	sand.u32 $0x4000, s31;
	s1 =	sadd.s32 s1, s30  }
0xba: {  	s0 =	sor.u32 s3, s0;
	s1 =	sshll.u32 s1, $0x11  }
0xbb: {  	s0 =	sor.u32 s1, s0  }
0xbc: {  	s0 =	sadd.s32 $0x8F2B, s0  }
0xbd: {  	[sflag:s0] =	ssyncadd.remote.s32 $0x1  }
0xbe: {  	_ =	sfence.sel $0xFFFF  }
0xbf: {  	[dreg:$0x0] =	wrdreg $0xFFFFFFFF;
	(pc) =	sbr.abs _section_cstart, $3  }
0xc0: {  	[dreg:$0x1] =	wrdreg $0xFFFFFFFF  }
0xc1: {  	_ =	task.clear_ibuf [dreg:s7], $0x2FFFF;
	_ =	strace $0x9FFFFFFF  }
0xc2: {  	(tm) =	ssettm $0x7FFFFFFF  }
0xc3: {  	_ =	shalt  }
tec
execute0_lowered:
.L_overlay_start_1:
0x0: {  	(tag) =	ssettag $0x1  }
0x1: {  	s4 =	rddreg [dreg:$0x0]  }
0x2: {  	s5 =	rddreg [dreg:$0x1]  }
0x3: {  	s0 =	rddreg [dreg:$0x2];
	s3 =	srdreg.scid  }
0x4: {  	s1 =	stileid.u32;
	s2 =	simm.s32 $0x0;
	s10 =	simm.s32 $0x1900  }
0x5: {  	s11 =	simm.s32 $0x1D00;
	s12 =	simm.s32 $0x1980;
	s13 =	simm.s32 $0x5D00  }
0x6: {  	s14 =	simm.s32 $0x1A00;
	s15 =	simm.s32 $0x9D00;
	s16 =	simm.s32 $0x1B00  }
0x7: {  	s17 =	simm.s32 $0x5;
	s3 =	sand.u32 $0x1, s3;
	s6 =	sshll.u32 s1, $0x1  }
0x8: {  	s18 =	simm.s32 $0x0;
	[smem:$0x7FF] =	sst s2;
	s6 =	sor.u32 s3, s6  }
0x9: {  	_ =	strace $0x80000047;
	s7 =	ssub.s32 $0x2, s3;
	s3 =	sadd.s32 $0x1000, s4  }
0xa: {  	s4 =	sadd.s32 $0x7C1000, s4;
	s8 =	smul.u32 $0x320, s6;
	s9 =	sshrl.u32 s7, $0x1  }
0xb: {  	v0 =	vlaneseq.u32;
	s6 =	smul.u32 $0x64000, s6;
	s7 =	ssub.s32 s7, s9;
	s9 =	simm.s32 $0x80  }
0xc: {  	v1 =	vor.u32 $0x10, v0;
	v2 =	vor.u32 $0x20, v0;
	v3 =	vor.u32 $0x30, v0;
	s5 =	sadd.s32 s5, s8;
	s7 =	smax.u32 s7, $0x1;
	s8 =	simm.s32 $0x6  }
.LBB2_1:
0xd: {  	[tilespmem:s2], [sflag:$0x6] =	stream.linear.gather [hbm4b:s5+s2], $0x1900, $0x38;
	[tilespmem:$0x15D00] =	vst v63  }
0xe: {  	_ =	swait.ge [sflag:s8], $0x1900  }
0xf: {  	[sflag:s8] =	ssyncset.done $0x0  }
0x10: {  	[sflag:s8] =	ssyncadd.s32 $0xFFFFE700  }
0x11: {  	v4 =	vld [tilespmem:$0x0]  }
0x12: {  	v5 =	vld [tilespmem:$0x10];
	_ =	sdelay $0x1  }
0x13: {  	v6 =	vld [tilespmem:$0x20];
	_ =	sdelay $0x1  }
0x14: {  	v9 =	vld [tilespmem:$0x30];
	v7 =	vshrl.u32 v4, $0x1;
	v8 =	vand.u32 $0x1FFF, v4;
	v4 =	vshrl.u32 v4, $0x7  }
0x15: {  	v52 =	vshrl.u32 v5, $0x1;
	v7 =	vand.u32 $0x7FFFE000, v7;
	v4 =	vand.u32 $0x40, v4  }
0x16: {  	v10 =	vld [tilespmem:$0x40];
	v54 =	vand.u32 $0x1FFF, v5;
	v53 =	vand.u32 $0x7FFFE000, v52;
	v7 =	vor.u32 v8, v7;
	[tilespmem:$0x1B00] =	vst v4  }
0x17: {  	v5 =	vshrl.u32 v5, $0x7;
	v55 =	vshrl.u32 v6, $0x1;
	v4 =	vor.u32 v54, v53;
	[tilespmem:$0x1900] =	vst v7  }
0x18: {  	v57 =	vld [tilespmem:$0x50];
	v56 =	vand.u32 $0x1FFF, v6;
	[tilespmem:$0x1910] =	vst v4;
	v4 =	vand.u32 $0x40, v5;
	v5 =	vand.u32 $0x7FFFE000, v55  }
0x19: {  	v58 =	vshrl.u32 v9, $0x1;
	[tilespmem:$0x1B10] =	vst v4;
	v4 =	vor.u32 v56, v5;
	v5 =	vshrl.u32 v6, $0x7  }
0x1a: {  	v60 =	vld [tilespmem:$0x60];
	v59 =	vand.u32 $0x1FFF, v9;
	[tilespmem:$0x1920] =	vst v4;
	v4 =	vand.u32 $0x40, v5;
	v5 =	vand.u32 $0x7FFFE000, v58  }
0x1b: {  	v61 =	vshrl.u32 v10, $0x1;
	[tilespmem:$0x1B20] =	vst v4;
	v4 =	vor.u32 v59, v5;
	v5 =	vshrl.u32 v9, $0x7  }
0x1c: {  	v63 =	vld [tilespmem:$0x70];
	v62 =	vand.u32 $0x1FFF, v10;
	[tilespmem:$0x1930] =	vst v4;
	v4 =	vand.u32 $0x40, v5;
	v5 =	vand.u32 $0x7FFFE000, v61  }
0x1d: {  	v12 =	vshrl.u32 v57, $0x1;
	[tilespmem:$0x1B30] =	vst v4;
	v4 =	vor.u32 v62, v5;
	v5 =	vshrl.u32 v10, $0x7  }
0x1e: {  	v13 =	vand.u32 $0x1FFF, v57;
	[tilespmem:$0x1940] =	vst v4;
	v4 =	vand.u32 $0x40, v5;
	v5 =	vand.u32 $0x7FFFE000, v12  }
0x1f: {  	v14 =	vshrl.u32 v60, $0x1;
	[tilespmem:$0x1B40] =	vst v4;
	v4 =	vor.u32 v13, v5;
	v5 =	vshrl.u32 v57, $0x7  }
0x20: {  	v15 =	vand.u32 $0x1FFF, v60;
	[tilespmem:$0x1950] =	vst v4;
	v4 =	vand.u32 $0x40, v5;
	v5 =	vand.u32 $0x7FFFE000, v14  }
0x21: {  	v16 =	vshrl.u32 v63, $0x1;
	[tilespmem:$0x1B50] =	vst v4;
	v4 =	vor.u32 v15, v5;
	v5 =	vshrl.u32 v60, $0x7  }
0x22: {  	v17 =	vand.u32 $0x1FFF, v63;
	[tilespmem:$0x1960] =	vst v4;
	v4 =	vand.u32 $0x40, v5;
	v5 =	vand.u32 $0x7FFFE000, v16  }
0x23: {  	[tilespmem:$0x1B60] =	vst v4;
	v4 =	vor.u32 v17, v5;
	v5 =	vshrl.u32 v63, $0x7  }
0x24: {  	[tilespmem:$0x1970] =	vst v4;
	v4 =	vand.u32 $0x40, v5  }
0x25: {  	[tilespmem:$0x1B70] =	vst v4  }
0x26: {  	[tilespmem:s11], [sflag:$0x1] =	stream.indirect.gather [hbm4b:s3+s9], $0x80, s10, s9, $0xb8;
	[tilespmem:$0x15D00] =	vst v63  }
0x27: {  	v4 =	vld [tilespmem:$0x80]  }
0x28: {  	v5 =	vld [tilespmem:$0x90];
	_ =	sdelay $0x1  }
0x29: {  	v18 =	vld [tilespmem:$0xA0];
	_ =	sdelay $0x1  }
0x2a: {  	v21 =	vld [tilespmem:$0xB0];
	v19 =	vshrl.u32 v4, $0x1;
	v20 =	vand.u32 $0x1FFF, v4;
	v4 =	vshrl.u32 v4, $0x7  }
0x2b: {  	v22 =	vshrl.u32 v5, $0x1;
	v7 =	vand.u32 $0x7FFFE000, v19;
	v4 =	vand.u32 $0x40, v4  }
0x2c: {  	v25 =	vld [tilespmem:$0xC0];
	v24 =	vand.u32 $0x1FFF, v5;
	v23 =	vand.u32 $0x7FFFE000, v22;
	v7 =	vor.u32 v20, v7;
	[tilespmem:$0x1B80] =	vst v4  }
0x2d: {  	v5 =	vshrl.u32 v5, $0x7;
	v26 =	vshrl.u32 v18, $0x1;
	v4 =	vor.u32 v24, v23;
	[tilespmem:$0x1980] =	vst v7  }
0x2e: {  	v28 =	vld [tilespmem:$0xD0];
	v27 =	vand.u32 $0x1FFF, v18;
	[tilespmem:$0x1990] =	vst v4;
	v4 =	vand.u32 $0x40, v5;
	v5 =	vand.u32 $0x7FFFE000, v26  }
0x2f: {  	v29 =	vshrl.u32 v21, $0x1;
	[tilespmem:$0x1B90] =	vst v4;
	v4 =	vor.u32 v27, v5;
	v5 =	vshrl.u32 v18, $0x7  }
0x30: {  	v31 =	vld [tilespmem:$0xE0];
	v30 =	vand.u32 $0x1FFF, v21;
	[tilespmem:$0x19A0] =	vst v4;
	v4 =	vand.u32 $0x40, v5;
	v5 =	vand.u32 $0x7FFFE000, v29  }
0x31: {  	v32 =	vshrl.u32 v25, $0x1;
	[tilespmem:$0x1BA0] =	vst v4;
	v4 =	vor.u32 v30, v5;
	v5 =	vshrl.u32 v21, $0x7  }
0x32: {  	v34 =	vld [tilespmem:$0xF0];
	v33 =	vand.u32 $0x1FFF, v25;
	[tilespmem:$0x19B0] =	vst v4;
	v4 =	vand.u32 $0x40, v5;
	v5 =	vand.u32 $0x7FFFE000, v32  }
0x33: {  	v35 =	vshrl.u32 v28, $0x1;
	[tilespmem:$0x1BB0] =	vst v4;
	v4 =	vor.u32 v33, v5;
	v5 =	vshrl.u32 v25, $0x7  }
0x34: {  	v36 =	vand.u32 $0x1FFF, v28;
	[tilespmem:$0x19C0] =	vst v4;
	v4 =	vand.u32 $0x40, v5;
	v5 =	vand.u32 $0x7FFFE000, v35  }
0x35: {  	v37 =	vshrl.u32 v31, $0x1;
	[tilespmem:$0x1BC0] =	vst v4;
	v4 =	vor.u32 v36, v5;
	v5 =	vshrl.u32 v28, $0x7  }
0x36: {  	v38 =	vand.u32 $0x1FFF, v31;
	[tilespmem:$0x19D0] =	vst v4;
	v4 =	vand.u32 $0x40, v5;
	v5 =	vand.u32 $0x7FFFE000, v37  }
0x37: {  	v39 =	vshrl.u32 v34, $0x1;
	[tilespmem:$0x1BD0] =	vst v4;
	v4 =	vor.u32 v38, v5;
	v5 =	vshrl.u32 v31, $0x7  }
0x38: {  	v40 =	vand.u32 $0x1FFF, v34;
	[tilespmem:$0x19E0] =	vst v4;
	v4 =	vand.u32 $0x40, v5;
	v5 =	vand.u32 $0x7FFFE000, v39  }
0x39: {  	[tilespmem:$0x1BE0] =	vst v4;
	v4 =	vor.u32 v40, v5;
	v5 =	vshrl.u32 v34, $0x7  }
0x3a: {  	[tilespmem:$0x19F0] =	vst v4;
	v4 =	vand.u32 $0x40, v5  }
0x3b: {  	[tilespmem:$0x1BF0] =	vst v4  }
0x3c: {  	[tilespmem:s13], [sflag:$0x2] =	stream.indirect.gather [hbm4b:s3+s9], $0x80, s12, s9, $0xb8;
	[tilespmem:$0x15D00] =	vst v63  }
0x3d: {  	v4 =	vld [tilespmem:$0x100]  }
0x3e: {  	v5 =	vld [tilespmem:$0x110];
	_ =	sdelay $0x1  }
0x3f: {  	v41 =	vld [tilespmem:$0x120];
	_ =	sdelay $0x1  }
0x40: {  	v44 =	vld [tilespmem:$0x130];
	v42 =	vshrl.u32 v4, $0x1;
	v43 =	vand.u32 $0x1FFF, v4;
	v4 =	vshrl.u32 v4, $0x7  }
0x41: {  	v45 =	vshrl.u32 v5, $0x1;
	v7 =	vand.u32 $0x7FFFE000, v42;
	v4 =	vand.u32 $0x40, v4  }
0x42: {  	v48 =	vld [tilespmem:$0x140];
	v47 =	vand.u32 $0x1FFF, v5;
	v46 =	vand.u32 $0x7FFFE000, v45;
	v7 =	vor.u32 v43, v7;
	[tilespmem:$0x1C00] =	vst v4  }
0x43: {  	v5 =	vshrl.u32 v5, $0x7;
	v49 =	vshrl.u32 v41, $0x1;
	v4 =	vor.u32 v47, v46;
	[tilespmem:$0x1A00] =	vst v7  }
0x44: {  	v51 =	vld [tilespmem:$0x150];
	v50 =	vand.u32 $0x1FFF, v41;
	[tilespmem:$0x1A10] =	vst v4;
	v4 =	vand.u32 $0x40, v5;
	v5 =	vand.u32 $0x7FFFE000, v49  }
0x45: {  	v52 =	vshrl.u32 v44, $0x1;
	[tilespmem:$0x1C10] =	vst v4;
	v4 =	vor.u32 v50, v5;
	v5 =	vshrl.u32 v41, $0x7  }
0x46: {  	v54 =	vld [tilespmem:$0x160];
	v53 =	vand.u32 $0x1FFF, v44;
	[tilespmem:$0x1A20] =	vst v4;
	v4 =	vand.u32 $0x40, v5;
	v5 =	vand.u32 $0x7FFFE000, v52  }
0x47: {  	v55 =	vshrl.u32 v48, $0x1;
	[tilespmem:$0x1C20] =	vst v4;
	v4 =	vor.u32 v53, v5;
	v5 =	vshrl.u32 v44, $0x7  }
0x48: {  	v57 =	vld [tilespmem:$0x170];
	v56 =	vand.u32 $0x1FFF, v48;
	[tilespmem:$0x1A30] =	vst v4;
	v4 =	vand.u32 $0x40, v5;
	v5 =	vand.u32 $0x7FFFE000, v55  }
0x49: {  	v58 =	vshrl.u32 v51, $0x1;
	[tilespmem:$0x1C30] =	vst v4;
	v4 =	vor.u32 v56, v5;
	v5 =	vshrl.u32 v48, $0x7  }
0x4a: {  	v59 =	vand.u32 $0x1FFF, v51;
	[tilespmem:$0x1A40] =	vst v4;
	v4 =	vand.u32 $0x40, v5;
	v5 =	vand.u32 $0x7FFFE000, v58  }
0x4b: {  	v60 =	vshrl.u32 v54, $0x1;
	[tilespmem:$0x1C40] =	vst v4;
	v4 =	vor.u32 v59, v5;
	v5 =	vshrl.u32 v51, $0x7  }
0x4c: {  	v61 =	vand.u32 $0x1FFF, v54;
	[tilespmem:$0x1A50] =	vst v4;
	v4 =	vand.u32 $0x40, v5;
	v5 =	vand.u32 $0x7FFFE000, v60  }
0x4d: {  	v62 =	vshrl.u32 v57, $0x1;
	[tilespmem:$0x1C50] =	vst v4;
	v4 =	vor.u32 v61, v5;
	v5 =	vshrl.u32 v54, $0x7  }
0x4e: {  	v63 =	vand.u32 $0x1FFF, v57;
	[tilespmem:$0x1A60] =	vst v4;
	v4 =	vand.u32 $0x40, v5;
	v5 =	vand.u32 $0x7FFFE000, v62  }
0x4f: {  	[tilespmem:$0x1C60] =	vst v4;
	v4 =	vor.u32 v63, v5;
	v5 =	vshrl.u32 v57, $0x7  }
0x50: {  	[tilespmem:$0x1A70] =	vst v4;
	v4 =	vand.u32 $0x40, v5  }
0x51: {  	p0 =	por $0x0, $0x0;
	s19 =	simm.s32 $0x0;
	[tilespmem:$0x1C70] =	vst v4  }
0x52: {  	[tilespmem:s15], [sflag:$0x3] =	stream.indirect.gather [hbm4b:s3+s9], $0x80, s14, s9, $0xb8;
	[tilespmem:$0x15D00] =	vst v63  }
.LBB2_2:
0x53: {  	p1 =	sgt.u32 s19, $0x2E  }
.Ltmp0:
0x54: {  	_ = 	snop;
	(pc) =	sbr.rel @p1 .LBB2_4-.Ltmp0, $1  }
0x55: {  	_ =	sdelay $0x3  }
0x56: {  	s20 =	sadd.s32 $0x3, s19  }
0x57: {  	s21 =	sshll.u32 s20, $0x7  }
0x58: {  	s22 =	sand.u32 $0x3FFFFF80, s21  }
0x59: {  	v4 =	vld [tilespmem:s22+$0x0];
	_ =	sdelay $0x4  }
0x5a: {  	s20 =	sand.u32 $0x3, s20;
	v5 =	vshrl.u32 v4, $0x1;
	v6 =	vand.u32 $0x1FFF, v4;
	v4 =	vshrl.u32 v4, $0x7  }
0x5b: {  	s31 =	sshll.u32 s20, $0x7;
	v5 =	vand.u32 $0x7FFFE000, v5;
	v4 =	vand.u32 $0x40, v4  }
0x5c: {  	v5 =	vor.u32 v6, v5;
	[tilespmem:s31+$0x1B00] =	vst v4  }
0x5d: {  	[tilespmem:s31+$0x1900] =	vst v5  }
0x5e: {  	v4 =	vld [tilespmem:s22+$0x10];
	_ =	sdelay $0x4  }
0x5f: {  	v5 =	vshrl.u32 v4, $0x1;
	v57 =	vand.u32 $0x1FFF, v4;
	v4 =	vshrl.u32 v4, $0x7  }
0x60: {  	v5 =	vand.u32 $0x7FFFE000, v5;
	v4 =	vand.u32 $0x40, v4  }
0x61: {  	v5 =	vor.u32 v57, v5;
	[tilespmem:s31+$0x1B10] =	vst v4  }
0x62: {  	[tilespmem:s31+$0x1910] =	vst v5  }
0x63: {  	v4 =	vld [tilespmem:s22+$0x20];
	_ =	sdelay $0x4  }
0x64: {  	v5 =	vshrl.u32 v4, $0x1;
	v58 =	vand.u32 $0x1FFF, v4;
	v4 =	vshrl.u32 v4, $0x7  }
0x65: {  	v5 =	vand.u32 $0x7FFFE000, v5;
	v4 =	vand.u32 $0x40, v4  }
0x66: {  	v5 =	vor.u32 v58, v5;
	[tilespmem:s31+$0x1B20] =	vst v4  }
0x67: {  	[tilespmem:s31+$0x1920] =	vst v5  }
0x68: {  	v4 =	vld [tilespmem:s22+$0x30];
	_ =	sdelay $0x4  }
0x69: {  	v5 =	vshrl.u32 v4, $0x1;
	v59 =	vand.u32 $0x1FFF, v4;
	v4 =	vshrl.u32 v4, $0x7  }
0x6a: {  	v5 =	vand.u32 $0x7FFFE000, v5;
	v4 =	vand.u32 $0x40, v4  }
0x6b: {  	v5 =	vor.u32 v59, v5;
	[tilespmem:s31+$0x1B30] =	vst v4  }
0x6c: {  	[tilespmem:s31+$0x1930] =	vst v5  }
0x6d: {  	v4 =	vld [tilespmem:s22+$0x40];
	_ =	sdelay $0x4  }
0x6e: {  	v5 =	vshrl.u32 v4, $0x1;
	v60 =	vand.u32 $0x1FFF, v4;
	v4 =	vshrl.u32 v4, $0x7  }
0x6f: {  	v5 =	vand.u32 $0x7FFFE000, v5;
	v4 =	vand.u32 $0x40, v4  }
0x70: {  	v5 =	vor.u32 v60, v5;
	[tilespmem:s31+$0x1B40] =	vst v4  }
0x71: {  	[tilespmem:s31+$0x1940] =	vst v5  }
0x72: {  	v4 =	vld [tilespmem:s22+$0x50];
	_ =	sdelay $0x4  }
0x73: {  	v5 =	vshrl.u32 v4, $0x1;
	v61 =	vand.u32 $0x1FFF, v4;
	v4 =	vshrl.u32 v4, $0x7  }
0x74: {  	v5 =	vand.u32 $0x7FFFE000, v5;
	v4 =	vand.u32 $0x40, v4  }
0x75: {  	v5 =	vor.u32 v61, v5;
	[tilespmem:s31+$0x1B50] =	vst v4  }
0x76: {  	[tilespmem:s31+$0x1950] =	vst v5  }
0x77: {  	v4 =	vld [tilespmem:s22+$0x60];
	_ =	sdelay $0x4  }
0x78: {  	v5 =	vshrl.u32 v4, $0x1;
	v62 =	vand.u32 $0x1FFF, v4;
	v4 =	vshrl.u32 v4, $0x7  }
0x79: {  	v5 =	vand.u32 $0x7FFFE000, v5;
	v4 =	vand.u32 $0x40, v4  }
0x7a: {  	v5 =	vor.u32 v62, v5;
	[tilespmem:s31+$0x1B60] =	vst v4  }
0x7b: {  	[tilespmem:s31+$0x1960] =	vst v5  }
0x7c: {  	v4 =	vld [tilespmem:s22+$0x70];
	_ =	sdelay $0x4  }
0x7d: {  	p1 =	sgt.s32 s20, $0x1;
	v5 =	vshrl.u32 v4, $0x1;
	v63 =	vand.u32 $0x1FFF, v4;
	v4 =	vshrl.u32 v4, $0x7  }
0x7e: {  	p2 =	seq.s32 @p1 s20, $0x2;
	v5 =	vand.u32 $0x7FFFE000, v5;
	v4 =	vand.u32 $0x40, v4  }
0x7f: {  	p3 =	por !p2, !p1;
	p2 =	por p2, !p1;
	v5 =	vor.u32 v63, v5;
	[tilespmem:s31+$0x1B70] =	vst v4  }
0x80: {  	s21 =	simm.s32 @!p3 $0x80;
	s23 =	simm.s32 @!p3 $0x9D00;
	s22 =	simm.s32 @!p3 $0x1A00;
	[tilespmem:s31+$0x1970] =	vst v5  }
0x81: {  	[tilespmem:s23], [sflag:$0x3] =	stream.indirect.gather @!p3 [hbm4b:s3+s21], $0x80, s22, s21, $0xb8;
	[tilespmem:$0x15D00] =	vst v63  }
0x82: {  	s21 =	simm.s32 @!p2 $0x80;
	s22 =	simm.s32 @!p2 $0x1A80;
	s23 =	simm.s32 @!p2 $0xDD00  }
0x83: {  	[tilespmem:s23], [sflag:$0x4] =	stream.indirect.gather @!p2 [hbm4b:s3+s21], $0x80, s22, s21, $0xb8;
	[tilespmem:$0x15D00] =	vst v63  }
0x84: {  	p2 =	seq.s32 @!p1 s20, $0x0  }
0x85: {  	p3 =	por !p2, p1;
	p1 =	por p2, p1  }
0x86: {  	s20 =	simm.s32 @!p3 $0x80;
	s21 =	simm.s32 @!p3 $0x1900;
	s22 =	simm.s32 @!p3 $0x1D00  }
0x87: {  	[tilespmem:s22], [sflag:$0x1] =	stream.indirect.gather @!p3 [hbm4b:s3+s20], $0x80, s21, s20, $0xb8;
	[tilespmem:$0x15D00] =	vst v63  }
0x88: {  	s20 =	simm.s32 @!p1 $0x80;
	s21 =	simm.s32 @!p1 $0x1980;
	s22 =	simm.s32 @!p1 $0x5D00  }
0x89: {  	[tilespmem:s22], [sflag:$0x2] =	stream.indirect.gather @!p1 [hbm4b:s3+s20], $0x80, s21, s20, $0xb8;
	[tilespmem:$0x15D00] =	vst v63  }
.LBB2_4:
0x8a: {  	s22 =	sand.u32 $0x3, s19  }
0x8b: {  	p1 =	sgt.s32 s22, $0x1  }
0x8c: {  	p2 =	seq.s32 @p1 s22, $0x2  }
0x8d: {  	p3 =	seq.s32 @!p1 s22, $0x0;
	p2 =	por !p2, !p1  }
0x8e: {  	s21 =	simm.s32 $0x1;
	p3 =	por !p3, p1;
	s20 =	simm.s32 @!p2 $0x3  }
0x8f: {  	s21 =	simm.s32 @p3 $0x2;
	s20 =	simm.s32 @p2 $0x4  }
0x90: {  	s21 =	smov.u32 @p1 s20  }
0x91: {  	_ =	swait.ge [sflag:s21], $0x4000  }
0x92: {  	s20 =	simm.s32 $0x1;
	p1 =	slt.u32 s19, $0x2;
	[sflag:s21] =	ssyncset.done $0x0  }
0x93: {  	s20 =	simm.s32 @!p0 $0x0;
	s23 =	simm.s32 @!p1 $0x5;
	[sflag:s21] =	ssyncadd.s32 $0xFFFFC000  }
0x94: {  	s30 =	sshll.u32 s20, $0xD;
	s20 =	sshll.u32 s19, $0xD;
	_ =	swait.ge @!p1 [sflag:s23], $0x2000  }
0x95: {  	v5 =	vmov s22;
	s21 =	sor.u32 $0x11E00, s30;
	s31 =	sand.u32 $0x2000, s20;
	[sflag:s23] =	ssyncset.done @!p1 $0x0  }
0x96: {  	v4 =	vshll.u32 v5, $0x7;
	v5 =	vshll.u32 v5, $0xE;
	s22 =	sor.u32 $0x11D00, s31;
	[sflag:s23] =	ssyncadd.s32 @!p1 $0xFFFFE000;
	s23 =	simm.s32 $0x0  }
.LBB2_5:
0x97: {  	v6 =	vor.u32 s23, v4;
	_ =	sdelay $0x4  }
0x98: {  	v6 =	vld.idx.msk [tilespmem:v6+s16+$0x0], $0xffff;
	_ =	sdelay $0x3  }
0x99: {  	v7 =	vmov s23  }
0x9a: {  	v7 =	vshll.u32 v7, $0x7;
	v8 =	vadd.s32 v0, v6  }
0x9b: {  	v7 =	vadd.s32 v5, v7;
	v9 =	vand.u32 $0xFFFFFF80, v8  }
0x9c: {  	v8 =	vand.u32 $0x7F, v8;
	v9 =	vadd.s32 v7, v9  }
0x9d: {  	v8 =	vor.u32 v8, v9;
	_ =	sdelay $0x2  }
0x9e: {  	v63 =	vadd.s32 v1, v6  }
0x9f: {  	v10 =	vand.u32 $0xFFFFFF80, v63  }
0xa0: {  	v10 =	vadd.s32 v7, v10;
	v9 =	vand.u32 $0x7F, v63;
	v8 =	vld.idx.msk [tilespmem:v8+s11+$0x0], $0xffff  }
0xa1: {  	v9 =	vor.u32 v9, v10;
	_ =	sdelay $0x2  }
0xa2: {  	v12 =	vadd.s32 v2, v6  }
0xa3: {  	v13 =	vand.u32 $0xFFFFFF80, v12;
	[tilespmem:s21+$0xFFFFFF00] =	vst v8  }
0xa4: {  	v10 =	vand.u32 $0x7F, v12;
	v8 =	vadd.s32 v7, v13;
	v9 =	vld.idx.msk [tilespmem:v9+s11+$0x0], $0xffff  }
0xa5: {  	v8 =	vor.u32 v10, v8;
	_ =	sdelay $0x2  }
0xa6: {  	v6 =	vadd.s32 v3, v6  }
0xa7: {  	v14 =	vand.u32 $0xFFFFFF80, v6;
	[tilespmem:s21+$0xFFFFFF10] =	vst v9  }
0xa8: {  	v6 =	vand.u32 $0x7F, v6;
	v7 =	vadd.s32 v7, v14;
	v8 =	vld.idx.msk [tilespmem:v8+s11+$0x0], $0xffff  }
0xa9: {  	v6 =	vor.u32 v6, v7;
	_ =	sdelay $0x3  }
0xaa: {  	[tilespmem:s21+$0xFFFFFF20] =	vst v8  }
0xab: {  	s24 =	sadd.s32 $0x1, s23;
	v6 =	vld.idx.msk [tilespmem:v6+s11+$0x0], $0xffff  }
0xac: {  	v7 =	vor.u32 s24, v4;
	_ =	sdelay $0x3  }
0xad: {  	[tilespmem:s21+$0xFFFFFF30] =	vst v6  }
0xae: {  	v6 =	vld.idx.msk [tilespmem:v7+s16+$0x0], $0xffff;
	_ =	sdelay $0x3  }
0xaf: {  	v7 =	vmov s24  }
0xb0: {  	v7 =	vshll.u32 v7, $0x7;
	v15 =	vadd.s32 v0, v6  }
0xb1: {  	v7 =	vadd.s32 v5, v7;
	v16 =	vand.u32 $0xFFFFFF80, v15  }
0xb2: {  	v8 =	vand.u32 $0x7F, v15;
	v9 =	vadd.s32 v7, v16  }
0xb3: {  	v8 =	vor.u32 v8, v9;
	_ =	sdelay $0x2  }
0xb4: {  	v17 =	vadd.s32 v1, v6  }
0xb5: {  	v18 =	vand.u32 $0xFFFFFF80, v17  }
0xb6: {  	v10 =	vadd.s32 v7, v18;
	v9 =	vand.u32 $0x7F, v17;
	v8 =	vld.idx.msk [tilespmem:v8+s11+$0x0], $0xffff  }
0xb7: {  	v9 =	vor.u32 v9, v10;
	_ =	sdelay $0x2  }
0xb8: {  	v19 =	vadd.s32 v2, v6  }
0xb9: {  	v20 =	vand.u32 $0xFFFFFF80, v19;
	[tilespmem:s21+$0xFFFFFF40] =	vst v8  }
0xba: {  	v10 =	vand.u32 $0x7F, v19;
	v8 =	vadd.s32 v7, v20;
	v9 =	vld.idx.msk [tilespmem:v9+s11+$0x0], $0xffff  }
0xbb: {  	v8 =	vor.u32 v10, v8;
	_ =	sdelay $0x2  }
0xbc: {  	v6 =	vadd.s32 v3, v6  }
0xbd: {  	v21 =	vand.u32 $0xFFFFFF80, v6;
	[tilespmem:s21+$0xFFFFFF50] =	vst v9  }
0xbe: {  	v6 =	vand.u32 $0x7F, v6;
	v7 =	vadd.s32 v7, v21;
	v8 =	vld.idx.msk [tilespmem:v8+s11+$0x0], $0xffff  }
0xbf: {  	v6 =	vor.u32 v6, v7;
	_ =	sdelay $0x3  }
0xc0: {  	[tilespmem:s21+$0xFFFFFF60] =	vst v8  }
0xc1: {  	s25 =	sadd.s32 $0x2, s23;
	v6 =	vld.idx.msk [tilespmem:v6+s11+$0x0], $0xffff  }
0xc2: {  	v7 =	vor.u32 s25, v4;
	_ =	sdelay $0x3  }
0xc3: {  	[tilespmem:s21+$0xFFFFFF70] =	vst v6  }
0xc4: {  	v6 =	vld.idx.msk [tilespmem:v7+s16+$0x0], $0xffff;
	_ =	sdelay $0x3  }
0xc5: {  	v7 =	vmov s25  }
0xc6: {  	v7 =	vshll.u32 v7, $0x7;
	v22 =	vadd.s32 v0, v6  }
0xc7: {  	v7 =	vadd.s32 v5, v7;
	v23 =	vand.u32 $0xFFFFFF80, v22  }
0xc8: {  	v8 =	vand.u32 $0x7F, v22;
	v9 =	vadd.s32 v7, v23  }
0xc9: {  	v8 =	vor.u32 v8, v9;
	_ =	sdelay $0x2  }
0xca: {  	v24 =	vadd.s32 v1, v6  }
0xcb: {  	v25 =	vand.u32 $0xFFFFFF80, v24  }
0xcc: {  	v10 =	vadd.s32 v7, v25;
	v9 =	vand.u32 $0x7F, v24;
	v8 =	vld.idx.msk [tilespmem:v8+s11+$0x0], $0xffff  }
0xcd: {  	v9 =	vor.u32 v9, v10;
	_ =	sdelay $0x2  }
0xce: {  	v26 =	vadd.s32 v2, v6  }
0xcf: {  	v27 =	vand.u32 $0xFFFFFF80, v26;
	[tilespmem:s21+$0xFFFFFF80] =	vst v8  }
0xd0: {  	v10 =	vand.u32 $0x7F, v26;
	v8 =	vadd.s32 v7, v27;
	v9 =	vld.idx.msk [tilespmem:v9+s11+$0x0], $0xffff  }
0xd1: {  	v8 =	vor.u32 v10, v8;
	_ =	sdelay $0x2  }
0xd2: {  	v6 =	vadd.s32 v3, v6  }
0xd3: {  	v28 =	vand.u32 $0xFFFFFF80, v6;
	[tilespmem:s21+$0xFFFFFF90] =	vst v9  }
0xd4: {  	v6 =	vand.u32 $0x7F, v6;
	v7 =	vadd.s32 v7, v28;
	v8 =	vld.idx.msk [tilespmem:v8+s11+$0x0], $0xffff  }
0xd5: {  	v6 =	vor.u32 v6, v7;
	_ =	sdelay $0x3  }
0xd6: {  	[tilespmem:s21+$0xFFFFFFA0] =	vst v8  }
0xd7: {  	s26 =	sadd.s32 $0x3, s23;
	v6 =	vld.idx.msk [tilespmem:v6+s11+$0x0], $0xffff  }
0xd8: {  	v7 =	vor.u32 s26, v4;
	_ =	sdelay $0x3  }
0xd9: {  	[tilespmem:s21+$0xFFFFFFB0] =	vst v6  }
0xda: {  	v6 =	vld.idx.msk [tilespmem:v7+s16+$0x0], $0xffff;
	_ =	sdelay $0x3  }
0xdb: {  	v7 =	vmov s26  }
0xdc: {  	v7 =	vshll.u32 v7, $0x7;
	v29 =	vadd.s32 v0, v6  }
0xdd: {  	v7 =	vadd.s32 v5, v7;
	v30 =	vand.u32 $0xFFFFFF80, v29  }
0xde: {  	v8 =	vand.u32 $0x7F, v29;
	v9 =	vadd.s32 v7, v30  }
0xdf: {  	v8 =	vor.u32 v8, v9;
	_ =	sdelay $0x2  }
0xe0: {  	v31 =	vadd.s32 v1, v6  }
0xe1: {  	v32 =	vand.u32 $0xFFFFFF80, v31  }
0xe2: {  	v10 =	vadd.s32 v7, v32;
	v9 =	vand.u32 $0x7F, v31;
	v8 =	vld.idx.msk [tilespmem:v8+s11+$0x0], $0xffff  }
0xe3: {  	v9 =	vor.u32 v9, v10;
	_ =	sdelay $0x2  }
0xe4: {  	v33 =	vadd.s32 v2, v6  }
0xe5: {  	v34 =	vand.u32 $0xFFFFFF80, v33;
	[tilespmem:s21+$0xFFFFFFC0] =	vst v8  }
0xe6: {  	v10 =	vand.u32 $0x7F, v33;
	v8 =	vadd.s32 v7, v34;
	v9 =	vld.idx.msk [tilespmem:v9+s11+$0x0], $0xffff  }
0xe7: {  	v8 =	vor.u32 v10, v8;
	_ =	sdelay $0x2  }
0xe8: {  	v6 =	vadd.s32 v3, v6  }
0xe9: {  	v35 =	vand.u32 $0xFFFFFF80, v6;
	[tilespmem:s21+$0xFFFFFFD0] =	vst v9  }
0xea: {  	v6 =	vand.u32 $0x7F, v6;
	v7 =	vadd.s32 v7, v35;
	v8 =	vld.idx.msk [tilespmem:v8+s11+$0x0], $0xffff  }
0xeb: {  	v6 =	vor.u32 v6, v7;
	_ =	sdelay $0x3  }
0xec: {  	[tilespmem:s21+$0xFFFFFFE0] =	vst v8  }
0xed: {  	s28 =	sadd.s32 $0x4, s23;
	v6 =	vld.idx.msk [tilespmem:v6+s11+$0x0], $0xffff  }
0xee: {  	v7 =	vor.u32 s28, v4;
	_ =	sdelay $0x3  }
0xef: {  	[tilespmem:s21+$0xFFFFFFF0] =	vst v6  }
0xf0: {  	v6 =	vld.idx.msk [tilespmem:v7+s16+$0x0], $0xffff;
	_ =	sdelay $0x3  }
0xf1: {  	v7 =	vmov s28  }
0xf2: {  	v7 =	vshll.u32 v7, $0x7;
	v36 =	vadd.s32 v0, v6  }
0xf3: {  	v7 =	vadd.s32 v5, v7;
	v37 =	vand.u32 $0xFFFFFF80, v36  }
0xf4: {  	v8 =	vand.u32 $0x7F, v36;
	v9 =	vadd.s32 v7, v37  }
0xf5: {  	v8 =	vor.u32 v8, v9;
	_ =	sdelay $0x2  }
0xf6: {  	v38 =	vadd.s32 v1, v6  }
0xf7: {  	v39 =	vand.u32 $0xFFFFFF80, v38  }
0xf8: {  	v10 =	vadd.s32 v7, v39;
	v9 =	vand.u32 $0x7F, v38;
	v8 =	vld.idx.msk [tilespmem:v8+s11+$0x0], $0xffff  }
0xf9: {  	v9 =	vor.u32 v9, v10;
	_ =	sdelay $0x2  }
0xfa: {  	v40 =	vadd.s32 v2, v6  }
0xfb: {  	v41 =	vand.u32 $0xFFFFFF80, v40;
	[tilespmem:s21+$0x0] =	vst v8  }
0xfc: {  	v10 =	vand.u32 $0x7F, v40;
	v8 =	vadd.s32 v7, v41;
	v9 =	vld.idx.msk [tilespmem:v9+s11+$0x0], $0xffff  }
0xfd: {  	v8 =	vor.u32 v10, v8;
	_ =	sdelay $0x2  }
0xfe: {  	v6 =	vadd.s32 v3, v6  }
0xff: {  	v42 =	vand.u32 $0xFFFFFF80, v6;
	[tilespmem:s21+$0x10] =	vst v9  }
0x100: {  	v6 =	vand.u32 $0x7F, v6;
	v7 =	vadd.s32 v7, v42;
	v8 =	vld.idx.msk [tilespmem:v8+s11+$0x0], $0xffff  }
0x101: {  	v6 =	vor.u32 v6, v7;
	_ =	sdelay $0x3  }
0x102: {  	[tilespmem:s21+$0x20] =	vst v8  }
0x103: {  	s29 =	sadd.s32 $0x5, s23;
	v6 =	vld.idx.msk [tilespmem:v6+s11+$0x0], $0xffff  }
0x104: {  	v7 =	vor.u32 s29, v4;
	_ =	sdelay $0x3  }
0x105: {  	[tilespmem:s21+$0x30] =	vst v6  }
0x106: {  	v6 =	vld.idx.msk [tilespmem:v7+s16+$0x0], $0xffff;
	_ =	sdelay $0x3  }
0x107: {  	v7 =	vmov s29  }
0x108: {  	v7 =	vshll.u32 v7, $0x7;
	v43 =	vadd.s32 v0, v6  }
0x109: {  	v7 =	vadd.s32 v5, v7;
	v44 =	vand.u32 $0xFFFFFF80, v43  }
0x10a: {  	v8 =	vand.u32 $0x7F, v43;
	v9 =	vadd.s32 v7, v44  }
0x10b: {  	v8 =	vor.u32 v8, v9;
	_ =	sdelay $0x2  }
0x10c: {  	v45 =	vadd.s32 v1, v6  }
0x10d: {  	v46 =	vand.u32 $0xFFFFFF80, v45  }
0x10e: {  	v10 =	vadd.s32 v7, v46;
	v9 =	vand.u32 $0x7F, v45;
	v8 =	vld.idx.msk [tilespmem:v8+s11+$0x0], $0xffff  }
0x10f: {  	v9 =	vor.u32 v9, v10;
	_ =	sdelay $0x2  }
0x110: {  	v47 =	vadd.s32 v2, v6  }
0x111: {  	v48 =	vand.u32 $0xFFFFFF80, v47;
	[tilespmem:s21+$0x40] =	vst v8  }
0x112: {  	v10 =	vand.u32 $0x7F, v47;
	v8 =	vadd.s32 v7, v48;
	v9 =	vld.idx.msk [tilespmem:v9+s11+$0x0], $0xffff  }
0x113: {  	v8 =	vor.u32 v10, v8;
	_ =	sdelay $0x2  }
0x114: {  	v6 =	vadd.s32 v3, v6  }
0x115: {  	v49 =	vand.u32 $0xFFFFFF80, v6;
	[tilespmem:s21+$0x50] =	vst v9  }
0x116: {  	v6 =	vand.u32 $0x7F, v6;
	v7 =	vadd.s32 v7, v49;
	v8 =	vld.idx.msk [tilespmem:v8+s11+$0x0], $0xffff  }
0x117: {  	v6 =	vor.u32 v6, v7;
	_ =	sdelay $0x3  }
0x118: {  	[tilespmem:s21+$0x60] =	vst v8  }
0x119: {  	s30 =	sadd.s32 $0x6, s23;
	v6 =	vld.idx.msk [tilespmem:v6+s11+$0x0], $0xffff  }
0x11a: {  	v7 =	vor.u32 s30, v4;
	_ =	sdelay $0x3  }
0x11b: {  	[tilespmem:s21+$0x70] =	vst v6  }
0x11c: {  	v6 =	vld.idx.msk [tilespmem:v7+s16+$0x0], $0xffff;
	_ =	sdelay $0x3  }
0x11d: {  	v7 =	vmov s30  }
0x11e: {  	v7 =	vshll.u32 v7, $0x7;
	v50 =	vadd.s32 v0, v6  }
0x11f: {  	v7 =	vadd.s32 v5, v7;
	v51 =	vand.u32 $0xFFFFFF80, v50  }
0x120: {  	v8 =	vand.u32 $0x7F, v50;
	v9 =	vadd.s32 v7, v51  }
0x121: {  	v8 =	vor.u32 v8, v9;
	_ =	sdelay $0x2  }
0x122: {  	v52 =	vadd.s32 v1, v6  }
0x123: {  	v53 =	vand.u32 $0xFFFFFF80, v52  }
0x124: {  	v10 =	vadd.s32 v7, v53;
	v9 =	vand.u32 $0x7F, v52;
	v8 =	vld.idx.msk [tilespmem:v8+s11+$0x0], $0xffff  }
0x125: {  	v9 =	vor.u32 v9, v10;
	_ =	sdelay $0x2  }
0x126: {  	v54 =	vadd.s32 v2, v6  }
0x127: {  	v55 =	vand.u32 $0xFFFFFF80, v54;
	[tilespmem:s21+$0x80] =	vst v8  }
0x128: {  	v10 =	vand.u32 $0x7F, v54;
	v8 =	vadd.s32 v7, v55;
	v9 =	vld.idx.msk [tilespmem:v9+s11+$0x0], $0xffff  }
0x129: {  	v8 =	vor.u32 v10, v8;
	_ =	sdelay $0x2  }
0x12a: {  	v6 =	vadd.s32 v3, v6  }
0x12b: {  	v56 =	vand.u32 $0xFFFFFF80, v6;
	[tilespmem:s21+$0x90] =	vst v9  }
0x12c: {  	v6 =	vand.u32 $0x7F, v6;
	v7 =	vadd.s32 v7, v56;
	v8 =	vld.idx.msk [tilespmem:v8+s11+$0x0], $0xffff  }
0x12d: {  	v6 =	vor.u32 v6, v7;
	_ =	sdelay $0x3  }
0x12e: {  	[tilespmem:s21+$0xA0] =	vst v8  }
0x12f: {  	s31 =	sadd.s32 $0x7, s23;
	v6 =	vld.idx.msk [tilespmem:v6+s11+$0x0], $0xffff  }
0x130: {  	v7 =	vor.u32 s31, v4;
	_ =	sdelay $0x3  }
0x131: {  	[tilespmem:s21+$0xB0] =	vst v6  }
0x132: {  	v6 =	vld.idx.msk [tilespmem:v7+s16+$0x0], $0xffff;
	_ =	sdelay $0x3  }
0x133: {  	v7 =	vmov s31  }
0x134: {  	v7 =	vshll.u32 v7, $0x7;
	v57 =	vadd.s32 v0, v6  }
0x135: {  	v7 =	vadd.s32 v5, v7;
	v58 =	vand.u32 $0xFFFFFF80, v57  }
0x136: {  	v8 =	vand.u32 $0x7F, v57;
	v9 =	vadd.s32 v7, v58  }
0x137: {  	v8 =	vor.u32 v8, v9;
	_ =	sdelay $0x2  }
0x138: {  	v59 =	vadd.s32 v1, v6  }
0x139: {  	v60 =	vand.u32 $0xFFFFFF80, v59  }
0x13a: {  	v10 =	vadd.s32 v7, v60;
	v9 =	vand.u32 $0x7F, v59;
	v8 =	vld.idx.msk [tilespmem:v8+s11+$0x0], $0xffff  }
0x13b: {  	v9 =	vor.u32 v9, v10;
	_ =	sdelay $0x2  }
0x13c: {  	v61 =	vadd.s32 v2, v6  }
0x13d: {  	v62 =	vand.u32 $0xFFFFFF80, v61;
	[tilespmem:s21+$0xC0] =	vst v8  }
0x13e: {  	v10 =	vand.u32 $0x7F, v61;
	v8 =	vadd.s32 v7, v62;
	v9 =	vld.idx.msk [tilespmem:v9+s11+$0x0], $0xffff  }
0x13f: {  	v8 =	vor.u32 v10, v8;
	_ =	sdelay $0x2  }
0x140: {  	v6 =	vadd.s32 v3, v6  }
0x141: {  	v63 =	vand.u32 $0xFFFFFF80, v6;
	[tilespmem:s21+$0xD0] =	vst v9  }
0x142: {  	v6 =	vand.u32 $0x7F, v6;
	v7 =	vadd.s32 v7, v63;
	v8 =	vld.idx.msk [tilespmem:v8+s11+$0x0], $0xffff  }
0x143: {  	v6 =	vor.u32 v6, v7;
	_ =	sdelay $0x3  }
0x144: {  	[tilespmem:s21+$0xE0] =	vst v8  }
0x145: {  	p1 =	slt.u32 s23, $0x78;
	v6 =	vld.idx.msk [tilespmem:v6+s11+$0x0], $0xffff  }
.Ltmp1:
0x146: {  	_ = 	snop;
	(pc) =	sbr.rel @p1 .LBB2_5-.Ltmp1, $2  }
0x147: {  	_ =	sdelay $0x2  }
0x148: {  	s23 =	sadd.s32 $0x8, s23;
	[tilespmem:s21+$0xF0] =	vst v6;
	s21 =	sadd.s32 $0x200, s21  }
0x149: {  	s19 =	sadd.s32 $0x1, s19  }
0x14a: {  	p1 =	sne.s32 s19, $0x32  }
.Ltmp2:
0x14b: {  	_ = 	snop;
	(pc) =	sbr.rel @p1 .LBB2_2-.Ltmp2, $4  }
0x14c: {  	s20 =	sadd.s32 s6, s20  }
0x14d: {  	s20 =	sshrl.u32 s20, $0x3  }
0x14e: {  	p0 =	por !p0, !p0;
	s20 =	sadd.s32 s4, s20  }
0x14f: {  	[hbm4b:s20+s2] =	stream.linear.scatter [tilespmem:s22], [sflag:$0x5], $0x2000, $0x38;
	[tilespmem:$0x15D00] =	vst v63  }
0x150: {  	s18 =	sadd.s32 $0x1, s18  }
0x151: {  	_ =	swait.ge [sflag:s17], $0x2000;
	p0 =	sne.s32 s18, s7  }
.Ltmp3:
0x152: {  	[sflag:s17] =	ssyncset.done $0x0;
	(pc) =	sbr.rel @p0 .LBB2_1-.Ltmp3, $4  }
0x153: {  	[sflag:s17] =	ssyncadd.s32 $0xFFFFE000  }
0x154: {  	_ =	swait.ge [sflag:s17], $0x2000  }
0x155: {  	[sflag:s17] =	ssyncset.done $0x0  }
0x156: {  	[sflag:s17] =	ssyncadd.s32 $0xFFFFE000  }
0x157: {  	_ =	sfence.sel $0x180000  }
0x158: {  	[bflag:$0x0] =	sbarrier.arrive $0xFFFF  }
0x159: {  	p0 =	sne.s32 s1, $0x0;
	_ =	strace $0x90000047  }
0x15a: {  	s0 =	sadd.s32 @!p0 $0x100000, s0;
	[bflag:$0x2] =	sbarrier.arrive $0xFFFF  }
0x15b: {  	[sflag:s0] =	ssyncadd.tile.s32 @!p0 $0x1;
	_ =	shalt  }
.Lfunc_end2:
_tile_overlayer_lowered:
.L_overlay_start_2:
0x15c: {  	(tag) =	ssettag $0x2  }
0x15d: {  	s0 =	rddreg [dreg:$0x0];
	s2 =	stileid.u32  }
0x15e: {  	s1 =	rddreg [dreg:$0x1];
	p0 =	sne.s32 s2, $0x0  }
0x15f: {  	s3 =	rddreg [dreg:$0x2];
	[bflag:$0x3] =	sbarrier.arrive $0xFFFF;
	s2 =	simm.s32 @!p0 $0x1C06  }
0x160: {  	[timem:s3], [sflag:s2] =	dma.local @!p0 [hbm:s0], s1  }
0x161: {  	s0 =	simm.s32 @!p0 $0x6  }
0x162: {  	_ =	swait.ge @!p0 [sflag:s0], s1  }
0x163: {  	s1 =	ssub.s32 @!p0 $0x0, s1;
	[sflag:s0] =	ssyncset.done @!p0 $0x0  }
0x164: {  	[sflag:s0] =	ssyncadd.s32 @!p0 s1  }
0x165: {  	[bflag:$0x3] =	sbarrier.arrive $0xFFFF  }
0x166: {  	_ =	shalt  }

// kernel: sparse-core-data-format-call.cloned.1.call-start
scs
called_computation_lowered:
.L_overlay_start_0:
0x0: {  	s2 =	sld [smem:$0x3FD9]  }
0x1: {  	s3 =	sld [smem:$0x3FFE];
	_ =	sdelay $0x1  }
0x2: {  	s1 =	srdreg.scid  }
0x3: {  	s0 =	sand.u32 $0x1, s1  }
0x4: {  	s18 =	sshll.u32 s0, $0xA;
	s2 =	sadd.s32 s3, s2  }
0x5: {  	s2 =	sadd.s32 s2, s18  }
0x6: {  	[smem:$0x3FC3] =	sst s2  }
0x7: {  	_ = 	snop  }
0x8: {  	s2 =	sld [smem:$0x3FD0];
	(tm) =	ssettm $0x1  }
0x9: {  	s19 =	sld [smem:$0x3FFB];
	_ =	sdelay $0x3  }
0xa: {  	_ =	strace s19  }
0xb: {  	s3 =	sld [smem:$0x3FFC];
	_ =	sdelay $0x3  }
0xc: {  	_ =	strace s3  }
0xd: {  	s3 =	sld [smem:$0x3FFD];
	_ =	sdelay $0x3  }
0xe: {  	_ =	strace s3  }
0xf: {  	_ =	strace $0x8FFFFFFF  }
0x10: {  	s20 =	sld [smem:$0x3FDB];
	_ =	sdelay $0x1  }
0x11: {  	s4 =	simm.s32 $_scs_section_size  }
0x12: {  	s5 =	simm.s32 $_size__tile_overlayer_lowered;
	s6 =	simm.s32 $_tile_overlayer_lowered  }
0x13: {  	s23 =	simm.s32 $0x1BFF;
	s22 =	sshll.u32 s6, $0x1;
	s3 =	sadd.s32 s4, s20  }
0x14: {  	s7 =	simm.s32 $0x0;
	s21 =	sshll.u32 s5, $0x1;
	s5 =	sadd.s32 s22, s3  }
0x15: {  	[timem:s7], [sflag:s23] =	dma.local [hbm:s5], s21  }
0x16: {  	_ =	swait.ge [sflag:s23], s21  }
0x17: {  	s4 =	ssub.s32 $0x0, s21;
	[sflag:s23] =	ssyncset.done $0x0  }
0x18: {  	[sflag:s23] =	ssyncadd.s32 s4;
	_ =	sdelay $0x1  }
0x19: {  	s24 =	simm.s32 $0x1B8B  }
0x1a: {  	_ =	swait.ge [sflag:s24], $0x1  }
0x1b: {  	[sflag:s24] =	ssyncset.done $0x0  }
0x1c: {  	s26 =	simm.s32 $0x1B8E;
	s25 =	sld [smem:$0x3FFE];
	[sflag:s24] =	ssyncadd.s32 $0xFFFFFFFF  }
0x1d: {  	s27 =	simm.s32 $execute0_lowered;
	[smem:$0x3FD2] =	sst s26  }
0x1e: {  	s5 =	sshll.u32 s27, $0x1;
	_ =	strace $0x80000049;
	[dreg:$0x1] =	wrdreg $0xFFFFFFFF  }
0x1f: {  	s28 =	simm.s32 $_size_execute0_lowered;
	s3 =	sadd.s32 s3, s5;
	[dreg:$0x0] =	wrdreg $0x0  }
0x20: {  	s5 =	sshll.u32 s28, $0x1;
	[dreg:$0x2] =	wrdreg s3  }
0x21: {  	[dreg:$0x3] =	wrdreg s5  }
0x22: {  	[dreg:$0x4] =	wrdreg $0xC0  }
0x23: {  	_ =	task [dreg:s7], $0x5FFFF  }
0x24: {  	[dreg:$0x1] =	wrdreg $0xFFFFFFFF  }
0x25: {  	[dreg:$0x0] =	wrdreg $0x60  }
0x26: {  	[dreg:$0x2] =	wrdreg s25  }
0x27: {  	[dreg:$0x3] =	wrdreg s2  }
0x28: {  	[dreg:$0x4] =	wrdreg $0x9  }
0x29: {  	_ =	task.clear_ibuf [dreg:s7], $0x5FFFF;
	_ =	strace $0x90000049  }
0x2a: {  	s29 =	simm.s32 $0x9;
	_ =	strace $0x8000004B  }
0x2b: {  	_ =	swait.ge [sflag:s29], $0x1  }
0x2c: {  	[sflag:s29] =	ssyncadd.s32 $0xFFFFFFFF  }
0x2d: {  	_ =	strace $0x9000004B  }
0x2e: {  	_ =	sfence  }
0x2f: {  	s30 =	sld [smem:$0x0];
	_ =	sdelay $0x2  }
0x30: {  	s31 =	sshll.u32 s1, $0xD;
	s1 =	sshrl.u32 s1, $0x2  }
0x31: {  	s3 =	sand.u32 $0x4000, s31;
	s1 =	sadd.s32 s1, s30  }
0x32: {  	s0 =	sor.u32 s3, s0;
	s1 =	sshll.u32 s1, $0x11  }
0x33: {  	s0 =	sor.u32 s1, s0  }
0x34: {  	s0 =	sadd.s32 $0x8F2B, s0  }
0x35: {  	[sflag:s0] =	ssyncadd.remote.s32 $0x1  }
0x36: {  	_ =	sfence.sel $0xFFFF  }
0x37: {  	[dreg:$0x0] =	wrdreg $0xFFFFFFFF;
	(pc) =	sbr.abs _section_cstart, $3  }
0x38: {  	[dreg:$0x1] =	wrdreg $0xFFFFFFFF  }
0x39: {  	_ =	task.clear_ibuf [dreg:s7], $0x2FFFF;
	_ =	strace $0x9FFFFFFF  }
0x3a: {  	(tm) =	ssettm $0x7FFFFFFF  }
0x3b: {  	_ =	shalt  }
tec
execute0_lowered:
.L_overlay_start_1:
0x0: {  	(tag) =	ssettag $0x1  }
0x1: {  	s0 =	stileid.u32;
	s6 =	rddreg [dreg:$0x0]  }
0x2: {  	s2 =	rddreg [dreg:$0x1];
	s5 =	srdreg.scid  }
0x3: {  	s31 =	simm.s32 $0x2;
	s13 =	simm.s32 $0x0;
	s1 =	sshll.u32 s0, $0x7  }
0x4: {  	s14 =	simm.s32 $0x0;
	s12 =	simm.s32 $0x0;
	s3 =	sand.u32 $0x380, s1  }
0x5: {  	s5 =	sshll.u32 s5, $0x4;
	s6 =	sadd.s32 $0x1000, s6;
	s4 =	ssub.s32 $0x400, s3  }
0x6: {  	s1 =	rddreg [dreg:$0x2];
	_ =	strace $0x8000004A;
	s7 =	sand.u32 $0x380, s4  }
0x7: {  	s5 =	sand.u32 $0x10, s5;
	p0 =	sne.s32 s7, $0x0;
	s7 =	simm.s32 $0x1  }
.Ltmp0:
0x8: {  	s8 =	sshrl.u32 s4, $0xA;
	s7 =	simm.s32 @!p0 $0x0;
	(pc) =	sbr.rel .LBB1_1-.Ltmp0, $4  }
0x9: {  	s9 =	sor.u32 s0, s5;
	s4 =	simm.s32 $0x1;
	s30 =	sadd.s32 s7, s8  }
0xa: {  	s11 =	smov.u32 s3;
	[sflag:s4] =	ssyncpa.u1 $0x0;
	s5 =	smul.u32 $0x32, s30  }
0xb: {  	[sflag:s31] =	ssyncpa.u1 $0x0;
	p0 =	por $0x0, $0x0;
	s7 =	sshrl.u32 s9, $0x3  }
0xc: {  	s9 =	simm.s32 $0x2000;
	s10 =	smov.u32 s7;
	s8 =	sor.u32 $0x1, s5  }
.LBB1_4:
0xd: {  	s17 =	sand.u32 $0x1F80, s14;
	s13 =	sshll.u32 s13, $0xD  }
0xe: {  	[tilespmem:s16+$0x810 ss:$0x81] =	vst.msk $0xffff, v2;
	s18 =	sshrl.u32 s14, $0x3;
	s31 =	sand.u32 $0x7, s14;
	s17 =	sadd.s32 s2, s17  }
0xf: {  	[tilespmem:s16+$0x1020 ss:$0x81] =	vst.msk $0xffff, v0;
	s18 =	sand.u32 $0xF, s18;
	s14 =	sshll.u32 s31, $0x12;
	s13 =	sadd.s32 s13, s17  }
0x10: {  	[tilespmem:s16+$0x0 ss:$0x81] =	vst.msk $0xffff, v1;
	s14 =	sor.u32 $0x400, s14;
	s13 =	sadd.s32 s18, s13  }
0x11: {  	[hbm4b:s13+s14] =	stream.strided.scatter [tilespmem:s15], [sflag:$0x2], $0x2000, s9, s14, $0x20;
	[tilespmem:$0x8080] =	vst v63  }
.LBB1_5:
0x12: {  	s15 =	sadd.s32 $0x4, s10  }
0x13: {  	s13 =	sadd.s32 $0x400, s11;
	s17 =	smov.u32 s11;
	p2 =	sgt.s32 s15, $0xC7  }
0x14: {  	s17 =	smov.u32 @p2 s13  }
0x15: {  	s15 =	smov.u32 @p2 s7;
	p2 =	sgt.s32 s17, $0x3FF  }
0x16: {  	s17 =	smov.u32 @p2 s3;
	p2 =	sne.s32 s12, s8  }
.Ltmp1:
0x17: {  	p1 =	slt.u32 s12, $0x2;
	(pc) =	sbr.rel @!p2 .LBB1_6-.Ltmp1, $4  }
0x18: {  	s16 =	simm.s32 @!p1 $0x2  }
0x19: {  	s14 =	smov.u32 s11;
	p0 =	por !p0, !p0;
	_ =	swait.ge @!p1 [sflag:s16], $0x2000  }
0x1a: {  	s13 =	smov.u32 s10;
	[sflag:s16] =	ssyncset.done @!p1 $0x0;
	s10 =	smov.u32 s15  }
0x1b: {  	s12 =	sadd.s32 $0x1, s12;
	[sflag:s16] =	ssyncadd.s32 @!p1 $0xFFFFE000;
	s11 =	smov.u32 s17  }
.LBB1_1:
0x1c: {  	p1 =	sge.u32 s12, s5  }
0x1d: {  	s15 =	sand.u32 @!p1 $0x1FFFFFF, s10  }
0x1e: {  	s16 =	smulhi.u32 @!p1 $0x147AE15, s15;
	_ =	sdelay $0x1  }
0x1f: {  	s16 =	smul.u32 @!p1 $0xC8, s16  }
0x20: {  	s17 =	sxor.u32 @!p1 $0xFFFFFFFF, s12;
	s18 =	smul.u32 @!p1 $0xC80, s11  }
0x21: {  	s31 =	sadd.s32 $0xFFFFFFFF, s12;
	s17 =	sshll.u32 @!p1 s17, $0xD;
	s15 =	ssub.s32 @!p1 s15, s16  }
0x22: {  	s16 =	sand.u32 @!p1 $0x2000, s17;
	s17 =	sadd.s32 @!p1 s6, s18;
	s15 =	sshll.u32 @!p1 s15, $0x4  }
0x23: {  	s18 =	simm.s32 @!p1 $0x6400;
	s15 =	sadd.s32 @!p1 s15, s17;
	s17 =	simm.s32 @!p1 $0x40  }
0x24: {  	[tilespmem:s16], [sflag:$0x1] =	stream.strided.gather @!p1 [hbm4b:s15+s17], $0x2000, s18, s17, $0x38;
	[tilespmem:$0x8080] =	vst v63  }
0x25: {  	p1 =	sge.u32 s31, s5  }
.Ltmp2:
0x26: {  	_ = 	snop;
	(pc) =	sbr.rel @p1 .LBB1_5-.Ltmp2, $1  }
0x27: {  	_ =	sdelay $0x3  }
0x28: {  	s15 =	simm.s32 $0x1  }
0x29: {  	_ =	swait.ge [sflag:s4], $0x2000;
	s15 =	simm.s32 @!p0 $0x0  }
0x2a: {  	[sflag:s4] =	ssyncset.done $0x0;
	s16 =	sshll.u32 s15, $0xD  }
0x2b: {  	[sflag:s4] =	ssyncadd.s32 $0xFFFFE000;
	s19 =	sor.u32 $0x20, s16  }
0x2c: {  	s15 =	smul.u32 $0x8100, s15;
	v3 =	vld [tilespmem:s19+$0x10]  }
0x2d: {  	s30 =	sand.u32 $0x1, s12;
	v2 =	vld [tilespmem:s19+$0xFFFFFFF0]  }
0x2e: {  	s16 =	smul.u32 $0x8100, s30;
	s15 =	sshrl.u32 s15, $0x2;
	v0 =	vld [tilespmem:s19+$0x0]  }
0x2f: {  	v1 =	vld [tilespmem:s19+$0xFFFFFFE0];
	s17 =	sor.u32 $0x4000, s15  }
0x30: {  	s31 =	sshrl.u32 s16, $0x2;
	s16 =	sadd.s32 $0x0, s17  }
0x31: {  	s18 =	simm.s32 $0x4;
	s19 =	sadd.s32 $0x40, s19;
	s15 =	sor.u32 $0x4000, s31;
	[tilespmem:s16+$0x1830 ss:$0x81] =	vst.msk $0xffff, v3  }
.LBB1_3:
0x32: {  	v3 =	vld [tilespmem:s19+$0x10];
	p1 =	sne.s32 s18, $0x1FC;
	[tilespmem:s16+$0x810 ss:$0x81] =	vst.msk $0xffff, v2;
	s20 =	smov.u32 s18;
	s18 =	sadd.s32 $0x4, s18  }
.Ltmp3:
0x33: {  	v2 =	vld [tilespmem:s19+$0xFFFFFFF0];
	[tilespmem:s16+$0x1020 ss:$0x81] =	vst.msk $0xffff, v0;
	(pc) =	sbr.rel @p1 .LBB1_3-.Ltmp3, $4  }
0x34: {  	v0 =	vld [tilespmem:s19+$0x0];
	[tilespmem:s16+$0x0 ss:$0x81] =	vst.msk $0xffff, v1  }
0x35: {  	s16 =	sshra.s32 s20, $0x2;
	v1 =	vld [tilespmem:s19+$0xFFFFFFE0]  }
0x36: {  	s16 =	sadd.s32 s16, s17  }
0x37: {  	s19 =	sadd.s32 $0x40, s19;
	[tilespmem:s16+$0x1830 ss:$0x81] =	vst.msk $0xffff, v3  }
.Ltmp4:
0x38: {  	_ = 	snop;
	(pc) =	sbr.rel .LBB1_4-.Ltmp4, $1  }
0x39: {  	_ =	sdelay $0x3  }
.LBB1_6:
0x3a: {  	_ =	sfence.sel $0x180000  }
0x3b: {  	s2 =	simm.s32 $0x1;
	[bflag:$0x0] =	sbarrier.arrive $0xFFFF  }
0x3c: {  	s31 =	simm.s32 $0x2;
	[sflag:s2] =	ssyncpa.u1 $0x1  }
0x3d: {  	[sflag:s31] =	ssyncpa.u1 $0x1  }
0x3e: {  	p0 =	sne.s32 s0, $0x0;
	_ =	strace $0x9000004A  }
0x3f: {  	s0 =	sadd.s32 @!p0 $0x100000, s1;
	[bflag:$0x2] =	sbarrier.arrive $0xFFFF  }
0x40: {  	[sflag:s0] =	ssyncadd.tile.s32 @!p0 $0x1;
	_ =	shalt  }
.Lfunc_end1:
_tile_overlayer_lowered:
.L_overlay_start_2:
0x41: {  	(tag) =	ssettag $0x2  }
0x42: {  	s0 =	rddreg [dreg:$0x0];
	s2 =	stileid.u32  }
0x43: {  	s1 =	rddreg [dreg:$0x1];
	p0 =	sne.s32 s2, $0x0  }
0x44: {  	s3 =	rddreg [dreg:$0x2];
	[bflag:$0x3] =	sbarrier.arrive $0xFFFF;
	s2 =	simm.s32 @!p0 $0x1C01  }
0x45: {  	[timem:s3], [sflag:s2] =	dma.local @!p0 [hbm:s0], s1  }
0x46: {  	s0 =	simm.s32 @!p0 $0x1  }
0x47: {  	_ =	swait.ge @!p0 [sflag:s0], s1  }
0x48: {  	s1 =	ssub.s32 @!p0 $0x0, s1;
	[sflag:s0] =	ssyncset.done @!p0 $0x0  }
0x49: {  	[sflag:s0] =	ssyncadd.s32 @!p0 s1  }
0x4a: {  	[bflag:$0x3] =	sbarrier.arrive $0xFFFF  }
0x4b: {  	_ =	shalt  }

</sc_bundles>
